<compile_context>
chip_gen: v7x
topology: tpu7x:2x2x1
jax: 0.10.2.dev20260603
libtpu: 0.0.44.dev20260713+nightly
codegen_flags: <defaults>
</compile_context>

<pallas_src>
import jax
import jax.numpy as jnp
from jax import lax
from jax.experimental import pallas as pl
from jax.experimental.pallas import tpu as pltpu
from jax.experimental.pallas import tpu_sc as plsc

N = 10000
E = 320000
F = 128
H = 256
R = 1000
NSUB = 16
NCORE = 2
K = 80
ZB = 80
NBLK = N // ZB
BLK_ITERS = -(-NBLK // NSUB)

ES1 = E // NSUB
NCHUNK1 = ES1 // K
ES2 = E // (NCORE * NSUB)
NCHUNK2 = ES2 // K


def _prep_body(x_ref, we_ref, be_ref, a_ref, b_ref):
    xb = x_ref[...]
    wa = we_ref[0:F, :]
    wb = we_ref[F : 2 * F, :]
    a_ref[0] = (
        jnp.dot(xb, wa - wb, preferred_element_type=jnp.float32) + be_ref[...]
    )
    b_ref[0] = jnp.dot(xb, wb, preferred_element_type=jnp.float32)


_prep_call = pl.pallas_call(
    _prep_body,
    grid=(N // R, 2),
    in_specs=[
        pl.BlockSpec((R, F), lambda i, h: (i, 0)),
        pl.BlockSpec((2 * F, F), lambda i, h: (0, h)),
        pl.BlockSpec((1, F), lambda i, h: (0, h)),
    ],
    out_specs=[
        pl.BlockSpec((1, R, F), lambda i, h: (h, i, 0)),
        pl.BlockSpec((1, R, F), lambda i, h: (h, i, 0)),
    ],
    out_shape=[
        jax.ShapeDtypeStruct((2, N, F), jnp.float32),
        jax.ShapeDtypeStruct((2, N, F), jnp.float32),
    ],
)


def _sc_eagg_body(
    src_hbm, dst_hbm, a_hbm, b_hbm, eagg_hbm,
    i_s0, i_d0, i_sa0, i_da0, i_sc0, ba0, bb0,
    i_s1, i_d1, i_sa1, i_da1, i_sc1, ba1, bb1,
    eagg_sh,
    semi0, semd0, sems0, semi1, semd1, sems1,
):
    c = lax.axis_index("c")
    s = lax.axis_index("s")
    cn = c * N

    slots = (
        (i_s0, i_d0, i_sa0, i_da0, i_sc0, ba0, bb0, semi0, semd0, sems0),
        (i_s1, i_d1, i_sa1, i_da1, i_sc1, ba1, bb1, semi1, semd1, sems1),
    )

    def idx_cp(sl, g, start):
        off = s * ES1 + g * K
        c1 = pltpu.make_async_copy(src_hbm.at[pl.ds(off, K)], sl[0], sl[7])
        c2 = pltpu.make_async_copy(dst_hbm.at[pl.ds(off, K)], sl[1], sl[7])
        if start:
            c1.start()
            c2.start()
        else:
            c1.wait()
            c2.wait()

    def adjust(sl):
        for j in range(K // 16):
            slc = pl.ds(j * 16, 16)
            vs = sl[0][slc]
            vd = sl[1][slc]
            sl[2][slc] = vs + cn
            sl[3][slc] = vd + cn
            sl[4][slc] = vd

    def gat_cp(sl, start):
        c1 = pltpu.make_async_copy(a_hbm.at[sl[3]], sl[5], sl[8])
        c2 = pltpu.make_async_copy(b_hbm.at[sl[2]], sl[6], sl[8])
        if start:
            c1.start()
            c2.start()
        else:
            c1.wait()
            c2.wait()

    def sct_start(sl):
        pltpu.async_copy(sl[6], eagg_sh.at[sl[4]], sl[9], add=True)

    def sct_wait(sl):
        pltpu.make_async_copy(sl[6], eagg_sh.at[sl[4]], sl[9]).wait()

    def relu(sl):
        def row(k, carry2):
            for j in range(F // 16):
                slc = pl.ds(j * 16, 16)
                sl[6][k, slc] = jnp.maximum(sl[5][k, slc] + sl[6][k, slc], 0.0)
            return carry2

        lax.fori_loop(0, K, row, 0)

    z16 = jnp.zeros((16,), jnp.float32)

    def zrow(i, carry):
        for j in range(F // 16):
            ba0[i, pl.ds(j * 16, 16)] = z16
        return carry

    lax.fori_loop(0, ZB, zrow, 0)

    def zblk(t, carry):
        b = s + NSUB * t

        @pl.when(b < NBLK)
        def _():
            pltpu.sync_copy(ba0, eagg_sh.at[pl.ds(b * ZB, ZB)])

        return carry

    lax.fori_loop(0, BLK_ITERS, zblk, 0)
    plsc.subcore_barrier()

    idx_cp(slots[0], 0, True)
    idx_cp(slots[1], 1, True)
    idx_cp(slots[0], 0, False)
    adjust(slots[0])
    gat_cp(slots[0], True)

    def pair(p, carry):
        for b in range(2):
            g = 2 * p + b
            sl = slots[b]
            so = slots[1 - b]

            @pl.when(g + 1 < NCHUNK1)
            def _():
                idx_cp(so, g + 1, False)

                @pl.when(g >= 1)
                def _():
                    sct_wait(so)

                adjust(so)
                gat_cp(so, True)

            gat_cp(sl, False)
            relu(sl)
            sct_start(sl)

            @pl.when(g + 2 < NCHUNK1)
            def _():
                idx_cp(sl, g + 2, True)

        return carry

    lax.fori_loop(0, NCHUNK1 // 2, pair, 0)
    sct_wait(slots[0])
    sct_wait(slots[1])
    plsc.subcore_barrier()

    def wblk(t, carry):
        b = s + NSUB * t

        @pl.when(b < NBLK)
        def _():
            r0 = b * ZB
            pltpu.sync_copy(eagg_sh.at[pl.ds(r0, ZB)], eagg_hbm.at[pl.ds(cn + r0, ZB)])

        return carry

    lax.fori_loop(0, BLK_ITERS, wblk, 0)


_sc_eagg_call = pl.kernel(
    _sc_eagg_body,
    out_type=jax.ShapeDtypeStruct((2 * N, F), jnp.float32),
    mesh=plsc.VectorSubcoreMesh(core_axis_name="c", subcore_axis_name="s"),
    scratch_types=(
        [pltpu.VMEM((K,), jnp.int32)] * 5
        + [pltpu.VMEM((K, F), jnp.float32)] * 2
        + [pltpu.VMEM((K,), jnp.int32)] * 5
        + [pltpu.VMEM((K, F), jnp.float32)] * 2
        + [pltpu.VMEM_SHARED((N, F), jnp.float32)]
        + [pltpu.SemaphoreType.DMA] * 6
    ),
)


def _sc_agg_body(
    src_hbm, dst_hbm, x_hbm, agg_hbm,
    i_s0, i_d0, i_sc0, bx0,
    i_s1, i_d1, i_sc1, bx1,
    agg_sh,
    semi0, semd0, sems0, semi1, semd1, sems1,
):
    c = lax.axis_index("c")
    s = lax.axis_index("s")
    cn = c * N

    slots = (
        (i_s0, i_d0, i_sc0, bx0, semi0, semd0, sems0),
        (i_s1, i_d1, i_sc1, bx1, semi1, semd1, sems1),
    )

    def idx_cp(sl, g, start):
        off = c * (E // NCORE) + s * ES2 + g * K
        c1 = pltpu.make_async_copy(src_hbm.at[pl.ds(off, K)], sl[0], sl[4])
        c2 = pltpu.make_async_copy(dst_hbm.at[pl.ds(off, K)], sl[1], sl[4])
        if start:
            c1.start()
            c2.start()
        else:
            c1.wait()
            c2.wait()

    def adjust(sl):
        for j in range(K // 16):
            slc = pl.ds(j * 16, 16)
            sl[2][slc] = sl[1][slc]

    def gat_cp(sl, start):
        c1 = pltpu.make_async_copy(x_hbm.at[sl[0]], sl[3], sl[5])
        if start:
            c1.start()
        else:
            c1.wait()

    def sct_start(sl):
        pltpu.async_copy(sl[3], agg_sh.at[sl[2]], sl[6], add=True)

    def sct_wait(sl):
        pltpu.make_async_copy(sl[3], agg_sh.at[sl[2]], sl[6]).wait()

    z16 = jnp.zeros((16,), jnp.float32)

    def zrow(i, carry):
        for j in range(F // 16):
            bx0[i, pl.ds(j * 16, 16)] = z16
        return carry

    lax.fori_loop(0, ZB, zrow, 0)

    def zblk(t, carry):
        b = s + NSUB * t

        @pl.when(b < NBLK)
        def _():
            pltpu.sync_copy(bx0, agg_sh.at[pl.ds(b * ZB, ZB)])

        return carry

    lax.fori_loop(0, BLK_ITERS, zblk, 0)
    plsc.subcore_barrier()

    idx_cp(slots[0], 0, True)
    idx_cp(slots[1], 1, True)
    idx_cp(slots[0], 0, False)
    adjust(slots[0])
    gat_cp(slots[0], True)

    def step(g, b):
        sl = slots[b]
        so = slots[1 - b]

        @pl.when(g + 1 < NCHUNK2)
        def _():
            idx_cp(so, g + 1, False)

            @pl.when(g >= 1)
            def _():
                sct_wait(so)

            adjust(so)
            gat_cp(so, True)

        gat_cp(sl, False)
        sct_start(sl)

        @pl.when(g + 2 < NCHUNK2)
        def _():
            idx_cp(sl, g + 2, True)

    def pair(p, carry):
        for b in range(2):
            step(2 * p + b, b)
        return carry

    lax.fori_loop(0, NCHUNK2 // 2, pair, 0)
    step(NCHUNK2 - 1, 0)
    sct_wait(slots[1])
    sct_wait(slots[0])
    plsc.subcore_barrier()

    def wblk(t, carry):
        b = s + NSUB * t

        @pl.when(b < NBLK)
        def _():
            r0 = b * ZB
            pltpu.sync_copy(agg_sh.at[pl.ds(r0, ZB)], agg_hbm.at[pl.ds(cn + r0, ZB)])

        return carry

    lax.fori_loop(0, BLK_ITERS, wblk, 0)


_sc_agg_call = pl.kernel(
    _sc_agg_body,
    out_type=jax.ShapeDtypeStruct((2 * N, F), jnp.float32),
    mesh=plsc.VectorSubcoreMesh(core_axis_name="c", subcore_axis_name="s"),
    scratch_types=(
        [pltpu.VMEM((K,), jnp.int32)] * 3
        + [pltpu.VMEM((K, F), jnp.float32)]
        + [pltpu.VMEM((K,), jnp.int32)] * 3
        + [pltpu.VMEM((K, F), jnp.float32)]
        + [pltpu.VMEM_SHARED((N, F), jnp.float32)]
        + [pltpu.SemaphoreType.DMA] * 6
    ),
)


def _head_body(
    a0_ref, a1_ref, e0_ref, e1_ref,
    w1_ref, b1_ref, w2_ref, b2_ref, w3_ref, b3_ref, w4_ref, b4_ref,
    out_ref,
):
    f32 = jnp.float32
    agg = a0_ref[...] + a1_ref[...]
    nodes = jnp.maximum(
        jnp.dot(agg, w1_ref[...], preferred_element_type=f32) + b1_ref[...],
        0.0,
    )
    edges = jnp.maximum(
        jnp.dot(e0_ref[...], w2_ref[0:F, :], preferred_element_type=f32)
        + jnp.dot(e1_ref[...], w2_ref[F : 2 * F, :], preferred_element_type=f32)
        + b2_ref[...],
        0.0,
    )
    h3 = jnp.maximum(
        jnp.dot(nodes, w3_ref[0:H, :], preferred_element_type=f32)
        + jnp.dot(edges, w3_ref[H : H + F, :], preferred_element_type=f32)
        + b3_ref[...],
        0.0,
    )
    logits = jnp.dot(h3, w4_ref[...], preferred_element_type=f32) + b4_ref[...]
    out_ref[...] = 1.0 / (1.0 + jnp.exp(-logits))


_head_call = pl.pallas_call(
    _head_body,
    grid=(N // R,),
    in_specs=[
        pl.BlockSpec((R, F), lambda i: (i, 0)),
        pl.BlockSpec((R, F), lambda i: (i + N // R, 0)),
        pl.BlockSpec((R, F), lambda i: (i, 0)),
        pl.BlockSpec((R, F), lambda i: (i + N // R, 0)),
        pl.BlockSpec((F, H), lambda i: (0, 0)),
        pl.BlockSpec((1, H), lambda i: (0, 0)),
        pl.BlockSpec((2 * F, F), lambda i: (0, 0)),
        pl.BlockSpec((1, F), lambda i: (0, 0)),
        pl.BlockSpec((H + F, 32), lambda i: (0, 0)),
        pl.BlockSpec((1, 32), lambda i: (0, 0)),
        pl.BlockSpec((32, 1), lambda i: (0, 0)),
        pl.BlockSpec((1, 1), lambda i: (0, 0)),
    ],
    out_specs=pl.BlockSpec((R, 1), lambda i: (i, 0)),
    out_shape=jax.ShapeDtypeStruct((N, 1), jnp.float32),
)


@jax.jit
def kernel(x, edge_index, e, W1, b1, We, be, W2, b2, W3, b3, W4, b4):
    del e
    src = edge_index[0]
    dst = edge_index[1]
    aggp = _sc_agg_call(src, dst, x)
    a2, b2t = _prep_call(x, We, be.reshape(1, H))
    eagg = _sc_eagg_call(src, dst, a2.reshape(2 * N, F), b2t.reshape(2 * N, F))
    out = _head_call(
        aggp, aggp, eagg, eagg,
        W1, b1.reshape(1, H),
        W2, b2.reshape(1, F),
        W3, b3.reshape(1, 32),
        W4, b4.reshape(1, 1),
    )
    return out

# --- scband reference (transcript-rebuilt; emitter-appended) ---
"""Pipeline reference for scband-edge-node-gcn-45586782880121 (READ-ONLY COPY).

The authoritative reference and input builder live on the scoring server;
editing this copy changes nothing except your own understanding.
"""

import jax, jax.numpy as jnp
import numpy as np


def setup_inputs(seed: int = 0) -> dict:
    key = jax.random.key(seed)
    ks = jax.random.split(key, 16)
    N, E, F = 10000, 320000, 128
    x = jax.random.normal(ks[0], (N, F), dtype=jnp.float32)
    edge_index = jax.random.randint(ks[1], (2, E), 0, N, dtype=jnp.int32)
    e = jax.random.normal(ks[2], (E, 16), dtype=jnp.float32)
    # Learned parameters (Keras Dense / EdgeConv kernels)
    W1 = jax.random.normal(ks[3], (F, 256), dtype=jnp.float32) / np.sqrt(F)
    b1 = jnp.zeros((256,), dtype=jnp.float32)
    We = jax.random.normal(ks[4], (2 * F, 256), dtype=jnp.float32) / np.sqrt(2 * F)
    be = jnp.zeros((256,), dtype=jnp.float32)
    W2 = jax.random.normal(ks[5], (256, 128), dtype=jnp.float32) / np.sqrt(256)
    b2 = jnp.zeros((128,), dtype=jnp.float32)
    W3 = jax.random.normal(ks[6], (256 + 128, 32), dtype=jnp.float32) / np.sqrt(384)
    b3 = jnp.zeros((32,), dtype=jnp.float32)
    W4 = jax.random.normal(ks[7], (32, 1), dtype=jnp.float32) / np.sqrt(32)
    b4 = jnp.zeros((1,), dtype=jnp.float32)
    return {"x": x, "edge_index": edge_index, "e": e,
            "W1": W1, "b1": b1, "We": We, "be": be,
            "W2": W2, "b2": b2, "W3": W3, "b3": b3, "W4": W4, "b4": b4}


def reference(x, edge_index, e, W1, b1, We, be, W2, b2, W3, b3, W4, b4):
    # EdgeNodeGCN forward.
    src = edge_index[0]
    dst = edge_index[1]
    N = x.shape[0]
    # node_conv: base MessagePassing with aggregate='sum' -> sum_j x_j into node i
    agg = jnp.zeros_like(x).at[dst].add(x[src])
    nodes = jax.nn.relu(agg @ W1 + b1)  # node_dense(256, relu)
    # edge_conv: EdgeConv(256, relu): x_i' = sum_j relu(MLP([x_i || x_j - x_i]))
    xi = x[dst]
    xj = x[src]
    msg = jax.nn.relu(jnp.concatenate([xi, xj - xi], axis=-1) @ We + be)
    eagg = jnp.zeros((N, We.shape[1]), dtype=x.dtype).at[dst].add(msg)
    edges = jax.nn.relu(eagg @ W2 + b2)  # edge_dense(128, relu)
    combined = jnp.concatenate([nodes, edges], axis=-1)
    out = jax.nn.relu(combined @ W3 + b3)
    out = jax.nn.sigmoid(out @ W4 + b4)
    return out

if __name__ == "__main__":
    import jax
    _d = setup_inputs()
    print(jax.jit(kernel)(*tuple(_d.values())))

</pallas_src>

<mosaic_0001>
#map = affine_map<(d0, d1) -> (0)>
#map1 = affine_map<(d0, d1) -> (0, 0)>
module attributes {stable_mosaic.version = 14 : i64} {
  func.func @_sc_eagg_body(%arg0: i32, %arg1: i32, %arg2: memref<320000xi32, #tpu.memory_space<hbm>>, %arg3: memref<320000xi32, #tpu.memory_space<hbm>>, %arg4: memref<20000x128xf32, #tpu.memory_space<hbm>>, %arg5: memref<20000x128xf32, #tpu.memory_space<hbm>>, %arg6: memref<20000x128xf32, #tpu.memory_space<hbm>>, %arg7: memref<80xi32, #tpu.memory_space<vmem>>, %arg8: memref<80xi32, #tpu.memory_space<vmem>>, %arg9: memref<80xi32, #tpu.memory_space<vmem>>, %arg10: memref<80xi32, #tpu.memory_space<vmem>>, %arg11: memref<80xi32, #tpu.memory_space<vmem>>, %arg12: memref<80x128xf32, #tpu.memory_space<vmem>>, %arg13: memref<80x128xf32, #tpu.memory_space<vmem>>, %arg14: memref<80xi32, #tpu.memory_space<vmem>>, %arg15: memref<80xi32, #tpu.memory_space<vmem>>, %arg16: memref<80xi32, #tpu.memory_space<vmem>>, %arg17: memref<80xi32, #tpu.memory_space<vmem>>, %arg18: memref<80xi32, #tpu.memory_space<vmem>>, %arg19: memref<80x128xf32, #tpu.memory_space<vmem>>, %arg20: memref<80x128xf32, #tpu.memory_space<vmem>>, %arg21: memref<10000x128xf32, #tpu.memory_space<vmem_shared>>, %arg22: memref<!tpu.dma_semaphore, #tpu.memory_space<semaphore_mem>>, %arg23: memref<!tpu.dma_semaphore, #tpu.memory_space<semaphore_mem>>, %arg24: memref<!tpu.dma_semaphore, #tpu.memory_space<semaphore_mem>>, %arg25: memref<!tpu.dma_semaphore, #tpu.memory_space<semaphore_mem>>, %arg26: memref<!tpu.dma_semaphore, #tpu.memory_space<semaphore_mem>>, %arg27: memref<!tpu.dma_semaphore, #tpu.memory_space<semaphore_mem>>) attributes {dimension_semantics = [#tpu.dimension_semantics<core_parallel>, #tpu.dimension_semantics<subcore_parallel>], iteration_bounds = array<i64: 2, 16>, scalar_prefetch = 0 : i64, scratch_operands = 21 : i64, tpu.core_type = #tpu.core_type<sc_vector_subcore>, window_params = [{transform_indices = #map}, {transform_indices = #map}, {transform_indices = #map1}, {transform_indices = #map1}, {transform_indices = #map1}]} {
    %mul3A = arith.constant 10000 : i32
    %mul3A_0 = arith.muli %arg0, %mul3A : i32
    %broadcast_in_dim3A = arith.constant 0.000000e+00 : f32
    %broadcast_in_dim3A_1 = vector.broadcast %broadcast_in_dim3A : f32 to vector<16xf32>
    %scan3A = arith.constant 0 : i32
    %scan3A_2 = arith.constant 0 : i32
    %scan3A_3 = arith.constant 80 : i32
    %scan3A_4 = arith.addi %scan3A_2, %scan3A_3 : i32
    %scan3A_5 = arith.constant 1 : i32
    scf.for %scan3A_167 = %scan3A_2 to %scan3A_4 step %scan3A_5  : i32 {
      %swap3A_168 = arith.index_cast %scan3A_167 : i32 to index
      %swap3A_169 = arith.constant 0 : index
      %swap3A_170 = tpu.vector_load %arg12[%swap3A_168, %swap3A_169] {strides = array<i32>} : memref<80x128xf32, #tpu.memory_space<vmem>>, vector<1x16xf32>,
      %swap3A_171 = vector.shape_cast %swap3A_170 : vector<1x16xf32> to vector<16xf32>
      %swap3A_172 = vector.shape_cast %broadcast_in_dim3A_1 : vector<16xf32> to vector<1x16xf32>
      tpu.vector_store %arg12[%swap3A_168, %swap3A_169], %swap3A_172 {strides = array<i32>} : memref<80x128xf32, #tpu.memory_space<vmem>>, vector<1x16xf32>,
      %swap3A_173 = arith.index_cast %scan3A_167 : i32 to index
      %swap3A_174 = arith.constant 16 : index
      %swap3A_175 = tpu.vector_load %arg12[%swap3A_173, %swap3A_174] {strides = array<i32>} : memref<80x128xf32, #tpu.memory_space<vmem>>, vector<1x16xf32>,
      %swap3A_176 = vector.shape_cast %swap3A_175 : vector<1x16xf32> to vector<16xf32>
      %swap3A_177 = vector.shape_cast %broadcast_in_dim3A_1 : vector<16xf32> to vector<1x16xf32>
      tpu.vector_store %arg12[%swap3A_173, %swap3A_174], %swap3A_177 {strides = array<i32>} : memref<80x128xf32, #tpu.memory_space<vmem>>, vector<1x16xf32>,
      %swap3A_178 = arith.index_cast %scan3A_167 : i32 to index
      %swap3A_179 = arith.constant 32 : index
      %swap3A_180 = tpu.vector_load %arg12[%swap3A_178, %swap3A_179] {strides = array<i32>} : memref<80x128xf32, #tpu.memory_space<vmem>>, vector<1x16xf32>,
      %swap3A_181 = vector.shape_cast %swap3A_180 : vector<1x16xf32> to vector<16xf32>
      %swap3A_182 = vector.shape_cast %broadcast_in_dim3A_1 : vector<16xf32> to vector<1x16xf32>
      tpu.vector_store %arg12[%swap3A_178, %swap3A_179], %swap3A_182 {strides = array<i32>} : memref<80x128xf32, #tpu.memory_space<vmem>>, vector<1x16xf32>,
      %swap3A_183 = arith.index_cast %scan3A_167 : i32 to index
      %swap3A_184 = arith.constant 48 : index
      %swap3A_185 = tpu.vector_load %arg12[%swap3A_183, %swap3A_184] {strides = array<i32>} : memref<80x128xf32, #tpu.memory_space<vmem>>, vector<1x16xf32>,
      %swap3A_186 = vector.shape_cast %swap3A_185 : vector<1x16xf32> to vector<16xf32>
      %swap3A_187 = vector.shape_cast %broadcast_in_dim3A_1 : vector<16xf32> to vector<1x16xf32>
      tpu.vector_store %arg12[%swap3A_183, %swap3A_184], %swap3A_187 {strides = array<i32>} : memref<80x128xf32, #tpu.memory_space<vmem>>, vector<1x16xf32>,
      %swap3A_188 = arith.index_cast %scan3A_167 : i32 to index
      %swap3A_189 = arith.constant 64 : index
      %swap3A_190 = tpu.vector_load %arg12[%swap3A_188, %swap3A_189] {strides = array<i32>} : memref<80x128xf32, #tpu.memory_space<vmem>>, vector<1x16xf32>,
      %swap3A_191 = vector.shape_cast %swap3A_190 : vector<1x16xf32> to vector<16xf32>
      %swap3A_192 = vector.shape_cast %broadcast_in_dim3A_1 : vector<16xf32> to vector<1x16xf32>
      tpu.vector_store %arg12[%swap3A_188, %swap3A_189], %swap3A_192 {strides = array<i32>} : memref<80x128xf32, #tpu.memory_space<vmem>>, vector<1x16xf32>,
      %swap3A_193 = arith.index_cast %scan3A_167 : i32 to index
      %swap3A_194 = arith.constant 80 : index
      %swap3A_195 = tpu.vector_load %arg12[%swap3A_193, %swap3A_194] {strides = array<i32>} : memref<80x128xf32, #tpu.memory_space<vmem>>, vector<1x16xf32>,
      %swap3A_196 = vector.shape_cast %swap3A_195 : vector<1x16xf32> to vector<16xf32>
      %swap3A_197 = vector.shape_cast %broadcast_in_dim3A_1 : vector<16xf32> to vector<1x16xf32>
      tpu.vector_store %arg12[%swap3A_193, %swap3A_194], %swap3A_197 {strides = array<i32>} : memref<80x128xf32, #tpu.memory_space<vmem>>, vector<1x16xf32>,
      %swap3A_198 = arith.index_cast %scan3A_167 : i32 to index
      %swap3A_199 = arith.constant 96 : index
      %swap3A_200 = tpu.vector_load %arg12[%swap3A_198, %swap3A_199] {strides = array<i32>} : memref<80x128xf32, #tpu.memory_space<vmem>>, vector<1x16xf32>,
      %swap3A_201 = vector.shape_cast %swap3A_200 : vector<1x16xf32> to vector<16xf32>
      %swap3A_202 = vector.shape_cast %broadcast_in_dim3A_1 : vector<16xf32> to vector<1x16xf32>
      tpu.vector_store %arg12[%swap3A_198, %swap3A_199], %swap3A_202 {strides = array<i32>} : memref<80x128xf32, #tpu.memory_space<vmem>>, vector<1x16xf32>,
      %swap3A_203 = arith.index_cast %scan3A_167 : i32 to index
      %swap3A_204 = arith.constant 112 : index
      %swap3A_205 = tpu.vector_load %arg12[%swap3A_203, %swap3A_204] {strides = array<i32>} : memref<80x128xf32, #tpu.memory_space<vmem>>, vector<1x16xf32>,
      %swap3A_206 = vector.shape_cast %swap3A_205 : vector<1x16xf32> to vector<16xf32>
      %swap3A_207 = vector.shape_cast %broadcast_in_dim3A_1 : vector<16xf32> to vector<1x16xf32>
      tpu.vector_store %arg12[%swap3A_203, %swap3A_204], %swap3A_207 {strides = array<i32>} : memref<80x128xf32, #tpu.memory_space<vmem>>, vector<1x16xf32>,
    }
    %scan3A_6 = arith.constant 80 : i32
    %scan3A_7 = arith.constant 0 : i32
    %scan3A_8 = arith.constant 0 : i32
    %scan3A_9 = arith.constant 8 : i32
    %scan3A_10 = arith.addi %scan3A_8, %scan3A_9 : i32
    %scan3A_11 = arith.constant 1 : i32
    scf.for %scan3A_167 = %scan3A_8 to %scan3A_10 step %scan3A_11  : i32 {
      %mul3A_168 = arith.constant 16 : i32
      %mul3A_169 = arith.muli %mul3A_168, %scan3A_167 : i32
      %add3A_170 = arith.addi %arg1, %mul3A_169 : i32
      %lt3A = arith.constant 125 : i32
      %lt3A_171 = arith.cmpi slt, %add3A_170, %lt3A : i32
      %convert_element_type3A = arith.extui %lt3A_171 : i1 to i32
      %cond3A = arith.constant 0 : i32
      %cond3A_172 = arith.cmpi ne, %convert_element_type3A, %cond3A : i32
      scf.if %cond3A_172 {
        %mul3A_173 = arith.constant 80 : i32
        %mul3A_174 = arith.muli %add3A_170, %mul3A_173 : i32
        "tpu.region"() ({
          %run_scoped3A = tpu.sem_alloc : memref<!tpu.dma_semaphore, #tpu.memory_space<semaphore_mem>>
          %dma_start3A_175 = arith.constant 0 : i32
          %dma_start3A_176 = tpu.memref_slice %arg21[%mul3A_174, %dma_start3A_175] : memref<10000x128xf32, #tpu.memory_space<vmem_shared>> -> memref<80x128xf32, #tpu.memory_space<vmem_shared>>
          %dma_start3A_177 = arith.constant 0 : i32
          %dma_start3A_178 = tpu.memref_slice %arg21[%mul3A_174, %dma_start3A_177] : memref<10000x128xf32, #tpu.memory_space<vmem_shared>> -> memref<80x128xf32, #tpu.memory_space<vmem_shared>>
          tpu.enqueue_dma source(%arg12 : memref<80x128xf32, #tpu.memory_space<vmem>>) target(%dma_start3A_178 : memref<80x128xf32, #tpu.memory_space<vmem_shared>>) target_semaphore(%run_scoped3A : memref<!tpu.dma_semaphore, #tpu.memory_space<semaphore_mem>>)
          %dma_wait3A_179 = arith.constant 0 : i32
          %dma_wait3A_180 = tpu.memref_slice %arg21[%mul3A_174, %dma_wait3A_179] : memref<10000x128xf32, #tpu.memory_space<vmem_shared>> -> memref<80x128xf32, #tpu.memory_space<vmem_shared>>
          %dma_wait3A_181 = arith.constant 0 : i32
          %dma_wait3A_182 = tpu.memref_slice %arg21[%mul3A_174, %dma_wait3A_181] : memref<10000x128xf32, #tpu.memory_space<vmem_shared>> -> memref<80x128xf32, #tpu.memory_space<vmem_shared>>
          tpu.wait_dma2 semaphore(%run_scoped3A : memref<!tpu.dma_semaphore, #tpu.memory_space<semaphore_mem>>) src(%arg12 : memref<80x128xf32, #tpu.memory_space<vmem>>) dst(%dma_wait3A_182 : memref<80x128xf32, #tpu.memory_space<vmem_shared>>)
          tpu.yield
        }) : () -> ()
      } else {
      }
    }
    %scan3A_12 = arith.constant 8 : i32
    %barrier3A = arith.constant 0 : index
    tpu.barrier barrier_id(%barrier3A)
    %mul3A_13 = arith.constant 20000 : i32
    %mul3A_14 = arith.muli %arg1, %mul3A_13 : i32
    %add3A = arith.constant 0 : i32
    %add3A_15 = arith.addi %mul3A_14, %add3A : i32
    %dma_start3A = tpu.memref_slice %arg2[%add3A_15] : memref<320000xi32, #tpu.memory_space<hbm>> -> memref<80xi32, #tpu.memory_space<hbm>>
    %dma_start3A_16 = tpu.memref_slice %arg2[%add3A_15] : memref<320000xi32, #tpu.memory_space<hbm>> -> memref<80xi32, #tpu.memory_space<hbm>>
    tpu.enqueue_dma source(%dma_start3A_16 : memref<80xi32, #tpu.memory_space<hbm>>) target(%arg7 : memref<80xi32, #tpu.memory_space<vmem>>) target_semaphore(%arg22 : memref<!tpu.dma_semaphore, #tpu.memory_space<semaphore_mem>>)
    %dma_start3A_17 = tpu.memref_slice %arg3[%add3A_15] : memref<320000xi32, #tpu.memory_space<hbm>> -> memref<80xi32, #tpu.memory_space<hbm>>
    %dma_start3A_18 = tpu.memref_slice %arg3[%add3A_15] : memref<320000xi32, #tpu.memory_space<hbm>> -> memref<80xi32, #tpu.memory_space<hbm>>
    tpu.enqueue_dma source(%dma_start3A_18 : memref<80xi32, #tpu.memory_space<hbm>>) target(%arg8 : memref<80xi32, #tpu.memory_space<vmem>>) target_semaphore(%arg22 : memref<!tpu.dma_semaphore, #tpu.memory_space<semaphore_mem>>)
    %mul3A_19 = arith.constant 20000 : i32
    %mul3A_20 = arith.muli %arg1, %mul3A_19 : i32
    %add3A_21 = arith.constant 80 : i32
    %add3A_22 = arith.addi %mul3A_20, %add3A_21 : i32
    %dma_start3A_23 = tpu.memref_slice %arg2[%add3A_22] : memref<320000xi32, #tpu.memory_space<hbm>> -> memref<80xi32, #tpu.memory_space<hbm>>
    %dma_start3A_24 = tpu.memref_slice %arg2[%add3A_22] : memref<320000xi32, #tpu.memory_space<hbm>> -> memref<80xi32, #tpu.memory_space<hbm>>
    tpu.enqueue_dma source(%dma_start3A_24 : memref<80xi32, #tpu.memory_space<hbm>>) target(%arg14 : memref<80xi32, #tpu.memory_space<vmem>>) target_semaphore(%arg25 : memref<!tpu.dma_semaphore, #tpu.memory_space<semaphore_mem>>)
    %dma_start3A_25 = tpu.memref_slice %arg3[%add3A_22] : memref<320000xi32, #tpu.memory_space<hbm>> -> memref<80xi32, #tpu.memory_space<hbm>>
    %dma_start3A_26 = tpu.memref_slice %arg3[%add3A_22] : memref<320000xi32, #tpu.memory_space<hbm>> -> memref<80xi32, #tpu.memory_space<hbm>>
    tpu.enqueue_dma source(%dma_start3A_26 : memref<80xi32, #tpu.memory_space<hbm>>) target(%arg15 : memref<80xi32, #tpu.memory_space<vmem>>) target_semaphore(%arg25 : memref<!tpu.dma_semaphore, #tpu.memory_space<semaphore_mem>>)
    %mul3A_27 = arith.constant 20000 : i32
    %mul3A_28 = arith.muli %arg1, %mul3A_27 : i32
    %add3A_29 = arith.constant 0 : i32
    %add3A_30 = arith.addi %mul3A_28, %add3A_29 : i32
    %dma_wait3A = tpu.memref_slice %arg2[%add3A_30] : memref<320000xi32, #tpu.memory_space<hbm>> -> memref<80xi32, #tpu.memory_space<hbm>>
    %dma_wait3A_31 = tpu.memref_slice %arg2[%add3A_30] : memref<320000xi32, #tpu.memory_space<hbm>> -> memref<80xi32, #tpu.memory_space<hbm>>
    tpu.wait_dma2 semaphore(%arg22 : memref<!tpu.dma_semaphore, #tpu.memory_space<semaphore_mem>>) src(%dma_wait3A_31 : memref<80xi32, #tpu.memory_space<hbm>>) dst(%arg7 : memref<80xi32, #tpu.memory_space<vmem>>)
    %dma_wait3A_32 = tpu.memref_slice %arg3[%add3A_30] : memref<320000xi32, #tpu.memory_space<hbm>> -> memref<80xi32, #tpu.memory_space<hbm>>
    %dma_wait3A_33 = tpu.memref_slice %arg3[%add3A_30] : memref<320000xi32, #tpu.memory_space<hbm>> -> memref<80xi32, #tpu.memory_space<hbm>>
    tpu.wait_dma2 semaphore(%arg22 : memref<!tpu.dma_semaphore, #tpu.memory_space<semaphore_mem>>) src(%dma_wait3A_33 : memref<80xi32, #tpu.memory_space<hbm>>) dst(%arg8 : memref<80xi32, #tpu.memory_space<vmem>>)
    %get3A = arith.constant 0 : index
    %get3A_34 = tpu.vector_load %arg7[%get3A] {strides = array<i32>} : memref<80xi32, #tpu.memory_space<vmem>>, vector<16xi32>,
    %get3A_35 = vector.shape_cast %get3A_34 : vector<16xi32> to vector<16xi32>
    %get3A_36 = arith.constant 0 : index
    %get3A_37 = tpu.vector_load %arg8[%get3A_36] {strides = array<i32>} : memref<80xi32, #tpu.memory_space<vmem>>, vector<16xi32>,
    %get3A_38 = vector.shape_cast %get3A_37 : vector<16xi32> to vector<16xi32>
    %add3A_39 = vector.broadcast %mul3A_0 : i32 to vector<16xi32>
    %add3A_40 = arith.addi %get3A_35, %add3A_39 : vector<16xi32>
    %swap3A = arith.constant 0 : index
    %swap3A_41 = tpu.vector_load %arg9[%swap3A] {strides = array<i32>} : memref<80xi32, #tpu.memory_space<vmem>>, vector<16xi32>,
    %swap3A_42 = vector.shape_cast %swap3A_41 : vector<16xi32> to vector<16xi32>
    %swap3A_43 = vector.shape_cast %add3A_40 : vector<16xi32> to vector<16xi32>
    tpu.vector_store %arg9[%swap3A], %swap3A_43 {strides = array<i32>} : memref<80xi32, #tpu.memory_space<vmem>>, vector<16xi32>,
    %add3A_44 = vector.broadcast %mul3A_0 : i32 to vector<16xi32>
    %add3A_45 = arith.addi %get3A_38, %add3A_44 : vector<16xi32>
    %swap3A_46 = arith.constant 0 : index
    %swap3A_47 = tpu.vector_load %arg10[%swap3A_46] {strides = array<i32>} : memref<80xi32, #tpu.memory_space<vmem>>, vector<16xi32>,
    %swap3A_48 = vector.shape_cast %swap3A_47 : vector<16xi32> to vector<16xi32>
    %swap3A_49 = vector.shape_cast %add3A_45 : vector<16xi32> to vector<16xi32>
    tpu.vector_store %arg10[%swap3A_46], %swap3A_49 {strides = array<i32>} : memref<80xi32, #tpu.memory_space<vmem>>, vector<16xi32>,
    %swap3A_50 = arith.constant 0 : index
    %swap3A_51 = tpu.vector_load %arg11[%swap3A_50] {strides = array<i32>} : memref<80xi32, #tpu.memory_space<vmem>>, vector<16xi32>,
    %swap3A_52 = vector.shape_cast %swap3A_51 : vector<16xi32> to vector<16xi32>
    %swap3A_53 = vector.shape_cast %get3A_38 : vector<16xi32> to vector<16xi32>
    tpu.vector_store %arg11[%swap3A_50], %swap3A_53 {strides = array<i32>} : memref<80xi32, #tpu.memory_space<vmem>>, vector<16xi32>,
    %get3A_54 = arith.constant 16 : index
    %get3A_55 = tpu.vector_load %arg7[%get3A_54] {strides = array<i32>} : memref<80xi32, #tpu.memory_space<vmem>>, vector<16xi32>,
    %get3A_56 = vector.shape_cast %get3A_55 : vector<16xi32> to vector<16xi32>
    %get3A_57 = arith.constant 16 : index
    %get3A_58 = tpu.vector_load %arg8[%get3A_57] {strides = array<i32>} : memref<80xi32, #tpu.memory_space<vmem>>, vector<16xi32>,
    %get3A_59 = vector.shape_cast %get3A_58 : vector<16xi32> to vector<16xi32>
    %add3A_60 = vector.broadcast %mul3A_0 : i32 to vector<16xi32>
    %add3A_61 = arith.addi %get3A_56, %add3A_60 : vector<16xi32>
    %swap3A_62 = arith.constant 16 : index
    %swap3A_63 = tpu.vector_load %arg9[%swap3A_62] {strides = array<i32>} : memref<80xi32, #tpu.memory_space<vmem>>, vector<16xi32>,
    %swap3A_64 = vector.shape_cast %swap3A_63 : vector<16xi32> to vector<16xi32>
    %swap3A_65 = vector.shape_cast %add3A_61 : vector<16xi32> to vector<16xi32>
    tpu.vector_store %arg9[%swap3A_62], %swap3A_65 {strides = array<i32>} : memref<80xi32, #tpu.memory_space<vmem>>, vector<16xi32>,
    %add3A_66 = vector.broadcast %mul3A_0 : i32 to vector<16xi32>
    %add3A_67 = arith.addi %get3A_59, %add3A_66 : vector<16xi32>
    %swap3A_68 = arith.constant 16 : index
    %swap3A_69 = tpu.vector_load %arg10[%swap3A_68] {strides = array<i32>} : memref<80xi32, #tpu.memory_space<vmem>>, vector<16xi32>,
    %swap3A_70 = vector.shape_cast %swap3A_69 : vector<16xi32> to vector<16xi32>
    %swap3A_71 = vector.shape_cast %add3A_67 : vector<16xi32> to vector<16xi32>
    tpu.vector_store %arg10[%swap3A_68], %swap3A_71 {strides = array<i32>} : memref<80xi32, #tpu.memory_space<vmem>>, vector<16xi32>,
    %swap3A_72 = arith.constant 16 : index
    %swap3A_73 = tpu.vector_load %arg11[%swap3A_72] {strides = array<i32>} : memref<80xi32, #tpu.memory_space<vmem>>, vector<16xi32>,
    %swap3A_74 = vector.shape_cast %swap3A_73 : vector<16xi32> to vector<16xi32>
    %swap3A_75 = vector.shape_cast %get3A_59 : vector<16xi32> to vector<16xi32>
    tpu.vector_store %arg11[%swap3A_72], %swap3A_75 {strides = array<i32>} : memref<80xi32, #tpu.memory_space<vmem>>, vector<16xi32>,
    %get3A_76 = arith.constant 32 : index
    %get3A_77 = tpu.vector_load %arg7[%get3A_76] {strides = array<i32>} : memref<80xi32, #tpu.memory_space<vmem>>, vector<16xi32>,
    %get3A_78 = vector.shape_cast %get3A_77 : vector<16xi32> to vector<16xi32>
    %get3A_79 = arith.constant 32 : index
    %get3A_80 = tpu.vector_load %arg8[%get3A_79] {strides = array<i32>} : memref<80xi32, #tpu.memory_space<vmem>>, vector<16xi32>,
    %get3A_81 = vector.shape_cast %get3A_80 : vector<16xi32> to vector<16xi32>
    %add3A_82 = vector.broadcast %mul3A_0 : i32 to vector<16xi32>
    %add3A_83 = arith.addi %get3A_78, %add3A_82 : vector<16xi32>
    %swap3A_84 = arith.constant 32 : index
    %swap3A_85 = tpu.vector_load %arg9[%swap3A_84] {strides = array<i32>} : memref<80xi32, #tpu.memory_space<vmem>>, vector<16xi32>,
    %swap3A_86 = vector.shape_cast %swap3A_85 : vector<16xi32> to vector<16xi32>
    %swap3A_87 = vector.shape_cast %add3A_83 : vector<16xi32> to vector<16xi32>
    tpu.vector_store %arg9[%swap3A_84], %swap3A_87 {strides = array<i32>} : memref<80xi32, #tpu.memory_space<vmem>>, vector<16xi32>,
    %add3A_88 = vector.broadcast %mul3A_0 : i32 to vector<16xi32>
    %add3A_89 = arith.addi %get3A_81, %add3A_88 : vector<16xi32>
    %swap3A_90 = arith.constant 32 : index
    %swap3A_91 = tpu.vector_load %arg10[%swap3A_90] {strides = array<i32>} : memref<80xi32, #tpu.memory_space<vmem>>, vector<16xi32>,
    %swap3A_92 = vector.shape_cast %swap3A_91 : vector<16xi32> to vector<16xi32>
    %swap3A_93 = vector.shape_cast %add3A_89 : vector<16xi32> to vector<16xi32>
    tpu.vector_store %arg10[%swap3A_90], %swap3A_93 {strides = array<i32>} : memref<80xi32, #tpu.memory_space<vmem>>, vector<16xi32>,
    %swap3A_94 = arith.constant 32 : index
    %swap3A_95 = tpu.vector_load %arg11[%swap3A_94] {strides = array<i32>} : memref<80xi32, #tpu.memory_space<vmem>>, vector<16xi32>,
    %swap3A_96 = vector.shape_cast %swap3A_95 : vector<16xi32> to vector<16xi32>
    %swap3A_97 = vector.shape_cast %get3A_81 : vector<16xi32> to vector<16xi32>
    tpu.vector_store %arg11[%swap3A_94], %swap3A_97 {strides = array<i32>} : memref<80xi32, #tpu.memory_space<vmem>>, vector<16xi32>,
    %get3A_98 = arith.constant 48 : index
    %get3A_99 = tpu.vector_load %arg7[%get3A_98] {strides = array<i32>} : memref<80xi32, #tpu.memory_space<vmem>>, vector<16xi32>,
    %get3A_100 = vector.shape_cast %get3A_99 : vector<16xi32> to vector<16xi32>
    %get3A_101 = arith.constant 48 : index
    %get3A_102 = tpu.vector_load %arg8[%get3A_101] {strides = array<i32>} : memref<80xi32, #tpu.memory_space<vmem>>, vector<16xi32>,
    %get3A_103 = vector.shape_cast %get3A_102 : vector<16xi32> to vector<16xi32>
    %add3A_104 = vector.broadcast %mul3A_0 : i32 to vector<16xi32>
    %add3A_105 = arith.addi %get3A_100, %add3A_104 : vector<16xi32>
    %swap3A_106 = arith.constant 48 : index
    %swap3A_107 = tpu.vector_load %arg9[%swap3A_106] {strides = array<i32>} : memref<80xi32, #tpu.memory_space<vmem>>, vector<16xi32>,
    %swap3A_108 = vector.shape_cast %swap3A_107 : vector<16xi32> to vector<16xi32>
    %swap3A_109 = vector.shape_cast %add3A_105 : vector<16xi32> to vector<16xi32>
    tpu.vector_store %arg9[%swap3A_106], %swap3A_109 {strides = array<i32>} : memref<80xi32, #tpu.memory_space<vmem>>, vector<16xi32>,
    %add3A_110 = vector.broadcast %mul3A_0 : i32 to vector<16xi32>
    %add3A_111 = arith.addi %get3A_103, %add3A_110 : vector<16xi32>
    %swap3A_112 = arith.constant 48 : index
    %swap3A_113 = tpu.vector_load %arg10[%swap3A_112] {strides = array<i32>} : memref<80xi32, #tpu.memory_space<vmem>>, vector<16xi32>,
    %swap3A_114 = vector.shape_cast %swap3A_113 : vector<16xi32> to vector<16xi32>
    %swap3A_115 = vector.shape_cast %add3A_111 : vector<16xi32> to vector<16xi32>
    tpu.vector_store %arg10[%swap3A_112], %swap3A_115 {strides = array<i32>} : memref<80xi32, #tpu.memory_space<vmem>>, vector<16xi32>,
    %swap3A_116 = arith.constant 48 : index
    %swap3A_117 = tpu.vector_load %arg11[%swap3A_116] {strides = array<i32>} : memref<80xi32, #tpu.memory_space<vmem>>, vector<16xi32>,
    %swap3A_118 = vector.shape_cast %swap3A_117 : vector<16xi32> to vector<16xi32>
    %swap3A_119 = vector.shape_cast %get3A_103 : vector<16xi32> to vector<16xi32>
    tpu.vector_store %arg11[%swap3A_116], %swap3A_119 {strides = array<i32>} : memref<80xi32, #tpu.memory_space<vmem>>, vector<16xi32>,
    %get3A_120 = arith.constant 64 : index
    %get3A_121 = tpu.vector_load %arg7[%get3A_120] {strides = array<i32>} : memref<80xi32, #tpu.memory_space<vmem>>, vector<16xi32>,
    %get3A_122 = vector.shape_cast %get3A_121 : vector<16xi32> to vector<16xi32>
    %get3A_123 = arith.constant 64 : index
    %get3A_124 = tpu.vector_load %arg8[%get3A_123] {strides = array<i32>} : memref<80xi32, #tpu.memory_space<vmem>>, vector<16xi32>,
    %get3A_125 = vector.shape_cast %get3A_124 : vector<16xi32> to vector<16xi32>
    %add3A_126 = vector.broadcast %mul3A_0 : i32 to vector<16xi32>
    %add3A_127 = arith.addi %get3A_122, %add3A_126 : vector<16xi32>
    %swap3A_128 = arith.constant 64 : index
    %swap3A_129 = tpu.vector_load %arg9[%swap3A_128] {strides = array<i32>} : memref<80xi32, #tpu.memory_space<vmem>>, vector<16xi32>,
    %swap3A_130 = vector.shape_cast %swap3A_129 : vector<16xi32> to vector<16xi32>
    %swap3A_131 = vector.shape_cast %add3A_127 : vector<16xi32> to vector<16xi32>
    tpu.vector_store %arg9[%swap3A_128], %swap3A_131 {strides = array<i32>} : memref<80xi32, #tpu.memory_space<vmem>>, vector<16xi32>,
    %add3A_132 = vector.broadcast %mul3A_0 : i32 to vector<16xi32>
    %add3A_133 = arith.addi %get3A_125, %add3A_132 : vector<16xi32>
    %swap3A_134 = arith.constant 64 : index
    %swap3A_135 = tpu.vector_load %arg10[%swap3A_134] {strides = array<i32>} : memref<80xi32, #tpu.memory_space<vmem>>, vector<16xi32>,
    %swap3A_136 = vector.shape_cast %swap3A_135 : vector<16xi32> to vector<16xi32>
    %swap3A_137 = vector.shape_cast %add3A_133 : vector<16xi32> to vector<16xi32>
    tpu.vector_store %arg10[%swap3A_134], %swap3A_137 {strides = array<i32>} : memref<80xi32, #tpu.memory_space<vmem>>, vector<16xi32>,
    %swap3A_138 = arith.constant 64 : index
    %swap3A_139 = tpu.vector_load %arg11[%swap3A_138] {strides = array<i32>} : memref<80xi32, #tpu.memory_space<vmem>>, vector<16xi32>,
    %swap3A_140 = vector.shape_cast %swap3A_139 : vector<16xi32> to vector<16xi32>
    %swap3A_141 = vector.shape_cast %get3A_125 : vector<16xi32> to vector<16xi32>
    tpu.vector_store %arg11[%swap3A_138], %swap3A_141 {strides = array<i32>} : memref<80xi32, #tpu.memory_space<vmem>>, vector<16xi32>,
    %dma_start3A_142 = arith.constant 0 : i32
    %dma_start3A_143 = arith.constant 0 : i32
    %dma_start3A_144 = tpu.memref_slice %arg4[%dma_start3A_142, %dma_start3A_143] : memref<20000x128xf32, #tpu.memory_space<hbm>> -> memref<20000x128xf32, #tpu.memory_space<hbm>>
    tpu.enqueue_indirect_dma source(%dma_start3A_144 : memref<20000x128xf32, #tpu.memory_space<hbm>>) target(%arg12 : memref<80x128xf32, #tpu.memory_space<vmem>>) offsets(%arg10 : memref<80xi32, #tpu.memory_space<vmem>>) semaphore(%arg23 : memref<!tpu.dma_semaphore, #tpu.memory_space<semaphore_mem>>)
    %dma_start3A_145 = arith.constant 0 : i32
    %dma_start3A_146 = arith.constant 0 : i32
    %dma_start3A_147 = tpu.memref_slice %arg5[%dma_start3A_145, %dma_start3A_146] : memref<20000x128xf32, #tpu.memory_space<hbm>> -> memref<20000x128xf32, #tpu.memory_space<hbm>>
    tpu.enqueue_indirect_dma source(%dma_start3A_147 : memref<20000x128xf32, #tpu.memory_space<hbm>>) target(%arg13 : memref<80x128xf32, #tpu.memory_space<vmem>>) offsets(%arg9 : memref<80xi32, #tpu.memory_space<vmem>>) semaphore(%arg23 : memref<!tpu.dma_semaphore, #tpu.memory_space<semaphore_mem>>)
    %scan3A_148 = arith.constant 0 : i32
    %scan3A_149 = arith.constant 0 : i32
    %scan3A_150 = arith.constant 125 : i32
    %scan3A_151 = arith.addi %scan3A_149, %scan3A_150 : i32
    %scan3A_152 = arith.constant 1 : i32
    scf.for %scan3A_167 = %scan3A_149 to %scan3A_151 step %scan3A_152  : i32 {
      %mul3A_168 = arith.constant 2 : i32
      %mul3A_169 = arith.muli %mul3A_168, %scan3A_167 : i32
      %add3A_170 = arith.constant 0 : i32
      %add3A_171 = arith.addi %mul3A_169, %add3A_170 : i32
      %add3A_172 = arith.constant 1 : i32
      %add3A_173 = arith.addi %add3A_171, %add3A_172 : i32
      %lt3A = arith.constant 250 : i32
      %lt3A_174 = arith.cmpi slt, %add3A_173, %lt3A : i32
      %convert_element_type3A = arith.extui %lt3A_174 : i1 to i32
      %cond3A = arith.constant 0 : i32
      %cond3A_175 = arith.cmpi ne, %convert_element_type3A, %cond3A : i32
      scf.if %cond3A_175 {
        %add3A_231 = arith.constant 1 : i32
        %add3A_232 = arith.addi %add3A_171, %add3A_231 : i32
        %mul3A_233 = arith.constant 20000 : i32
        %mul3A_234 = arith.muli %arg1, %mul3A_233 : i32
        %mul3A_235 = arith.constant 80 : i32
        %mul3A_236 = arith.muli %add3A_232, %mul3A_235 : i32
        %add3A_237 = arith.addi %mul3A_234, %mul3A_236 : i32
        %dma_wait3A_238 = tpu.memref_slice %arg2[%add3A_237] : memref<320000xi32, #tpu.memory_space<hbm>> -> memref<80xi32, #tpu.memory_space<hbm>>
        %dma_wait3A_239 = tpu.memref_slice %arg2[%add3A_237] : memref<320000xi32, #tpu.memory_space<hbm>> -> memref<80xi32, #tpu.memory_space<hbm>>
        tpu.wait_dma2 semaphore(%arg25 : memref<!tpu.dma_semaphore, #tpu.memory_space<semaphore_mem>>) src(%dma_wait3A_239 : memref<80xi32, #tpu.memory_space<hbm>>) dst(%arg14 : memref<80xi32, #tpu.memory_space<vmem>>)
        %dma_wait3A_240 = tpu.memref_slice %arg3[%add3A_237] : memref<320000xi32, #tpu.memory_space<hbm>> -> memref<80xi32, #tpu.memory_space<hbm>>
        %dma_wait3A_241 = tpu.memref_slice %arg3[%add3A_237] : memref<320000xi32, #tpu.memory_space<hbm>> -> memref<80xi32, #tpu.memory_space<hbm>>
        tpu.wait_dma2 semaphore(%arg25 : memref<!tpu.dma_semaphore, #tpu.memory_space<semaphore_mem>>) src(%dma_wait3A_241 : memref<80xi32, #tpu.memory_space<hbm>>) dst(%arg15 : memref<80xi32, #tpu.memory_space<vmem>>)
        %ge3A = arith.constant 1 : i32
        %ge3A_242 = arith.cmpi sge, %add3A_171, %ge3A : i32
        %convert_element_type3A_243 = arith.extui %ge3A_242 : i1 to i32
        %cond3A_244 = arith.constant 0 : i32
        %cond3A_245 = arith.cmpi ne, %convert_element_type3A_243, %cond3A_244 : i32
        scf.if %cond3A_245 {
          %dma_wait3A_362 = arith.constant 0 : i32
          %dma_wait3A_363 = arith.constant 0 : i32
          %dma_wait3A_364 = tpu.memref_slice %arg21[%dma_wait3A_362, %dma_wait3A_363] : memref<10000x128xf32, #tpu.memory_space<vmem_shared>> -> memref<10000x128xf32, #tpu.memory_space<vmem_shared>>
          tpu.wait_indirect_dma semaphore(%arg27 : memref<!tpu.dma_semaphore, #tpu.memory_space<semaphore_mem>>) src(%arg20 : memref<80x128xf32, #tpu.memory_space<vmem>>) dst(%dma_wait3A_364 : memref<10000x128xf32, #tpu.memory_space<vmem_shared>>)
        } else {
        }
        %get3A_246 = arith.constant 0 : index
        %get3A_247 = tpu.vector_load %arg14[%get3A_246] {strides = array<i32>} : memref<80xi32, #tpu.memory_space<vmem>>, vector<16xi32>,
        %get3A_248 = vector.shape_cast %get3A_247 : vector<16xi32> to vector<16xi32>
        %get3A_249 = arith.constant 0 : index
        %get3A_250 = tpu.vector_load %arg15[%get3A_249] {strides = array<i32>} : memref<80xi32, #tpu.memory_space<vmem>>, vector<16xi32>,
        %get3A_251 = vector.shape_cast %get3A_250 : vector<16xi32> to vector<16xi32>
        %add3A_252 = vector.broadcast %mul3A_0 : i32 to vector<16xi32>
        %add3A_253 = arith.addi %get3A_248, %add3A_252 : vector<16xi32>
        %swap3A_254 = arith.constant 0 : index
        %swap3A_255 = tpu.vector_load %arg16[%swap3A_254] {strides = array<i32>} : memref<80xi32, #tpu.memory_space<vmem>>, vector<16xi32>,
        %swap3A_256 = vector.shape_cast %swap3A_255 : vector<16xi32> to vector<16xi32>
        %swap3A_257 = vector.shape_cast %add3A_253 : vector<16xi32> to vector<16xi32>
        tpu.vector_store %arg16[%swap3A_254], %swap3A_257 {strides = array<i32>} : memref<80xi32, #tpu.memory_space<vmem>>, vector<16xi32>,
        %add3A_258 = vector.broadcast %mul3A_0 : i32 to vector<16xi32>
        %add3A_259 = arith.addi %get3A_251, %add3A_258 : vector<16xi32>
        %swap3A_260 = arith.constant 0 : index
        %swap3A_261 = tpu.vector_load %arg17[%swap3A_260] {strides = array<i32>} : memref<80xi32, #tpu.memory_space<vmem>>, vector<16xi32>,
        %swap3A_262 = vector.shape_cast %swap3A_261 : vector<16xi32> to vector<16xi32>
        %swap3A_263 = vector.shape_cast %add3A_259 : vector<16xi32> to vector<16xi32>
        tpu.vector_store %arg17[%swap3A_260], %swap3A_263 {strides = array<i32>} : memref<80xi32, #tpu.memory_space<vmem>>, vector<16xi32>,
        %swap3A_264 = arith.constant 0 : index
        %swap3A_265 = tpu.vector_load %arg18[%swap3A_264] {strides = array<i32>} : memref<80xi32, #tpu.memory_space<vmem>>, vector<16xi32>,
        %swap3A_266 = vector.shape_cast %swap3A_265 : vector<16xi32> to vector<16xi32>
        %swap3A_267 = vector.shape_cast %get3A_251 : vector<16xi32> to vector<16xi32>
        tpu.vector_store %arg18[%swap3A_264], %swap3A_267 {strides = array<i32>} : memref<80xi32, #tpu.memory_space<vmem>>, vector<16xi32>,
        %get3A_268 = arith.constant 16 : index
        %get3A_269 = tpu.vector_load %arg14[%get3A_268] {strides = array<i32>} : memref<80xi32, #tpu.memory_space<vmem>>, vector<16xi32>,
        %get3A_270 = vector.shape_cast %get3A_269 : vector<16xi32> to vector<16xi32>
        %get3A_271 = arith.constant 16 : index
        %get3A_272 = tpu.vector_load %arg15[%get3A_271] {strides = array<i32>} : memref<80xi32, #tpu.memory_space<vmem>>, vector<16xi32>,
        %get3A_273 = vector.shape_cast %get3A_272 : vector<16xi32> to vector<16xi32>
        %add3A_274 = vector.broadcast %mul3A_0 : i32 to vector<16xi32>
        %add3A_275 = arith.addi %get3A_270, %add3A_274 : vector<16xi32>
        %swap3A_276 = arith.constant 16 : index
        %swap3A_277 = tpu.vector_load %arg16[%swap3A_276] {strides = array<i32>} : memref<80xi32, #tpu.memory_space<vmem>>, vector<16xi32>,
        %swap3A_278 = vector.shape_cast %swap3A_277 : vector<16xi32> to vector<16xi32>
        %swap3A_279 = vector.shape_cast %add3A_275 : vector<16xi32> to vector<16xi32>
        tpu.vector_store %arg16[%swap3A_276], %swap3A_279 {strides = array<i32>} : memref<80xi32, #tpu.memory_space<vmem>>, vector<16xi32>,
        %add3A_280 = vector.broadcast %mul3A_0 : i32 to vector<16xi32>
        %add3A_281 = arith.addi %get3A_273, %add3A_280 : vector<16xi32>
        %swap3A_282 = arith.constant 16 : index
        %swap3A_283 = tpu.vector_load %arg17[%swap3A_282] {strides = array<i32>} : memref<80xi32, #tpu.memory_space<vmem>>, vector<16xi32>,
        %swap3A_284 = vector.shape_cast %swap3A_283 : vector<16xi32> to vector<16xi32>
        %swap3A_285 = vector.shape_cast %add3A_281 : vector<16xi32> to vector<16xi32>
        tpu.vector_store %arg17[%swap3A_282], %swap3A_285 {strides = array<i32>} : memref<80xi32, #tpu.memory_space<vmem>>, vector<16xi32>,
        %swap3A_286 = arith.constant 16 : index
        %swap3A_287 = tpu.vector_load %arg18[%swap3A_286] {strides = array<i32>} : memref<80xi32, #tpu.memory_space<vmem>>, vector<16xi32>,
        %swap3A_288 = vector.shape_cast %swap3A_287 : vector<16xi32> to vector<16xi32>
        %swap3A_289 = vector.shape_cast %get3A_273 : vector<16xi32> to vector<16xi32>
        tpu.vector_store %arg18[%swap3A_286], %swap3A_289 {strides = array<i32>} : memref<80xi32, #tpu.memory_space<vmem>>, vector<16xi32>,
        %get3A_290 = arith.constant 32 : index
        %get3A_291 = tpu.vector_load %arg14[%get3A_290] {strides = array<i32>} : memref<80xi32, #tpu.memory_space<vmem>>, vector<16xi32>,
        %get3A_292 = vector.shape_cast %get3A_291 : vector<16xi32> to vector<16xi32>
        %get3A_293 = arith.constant 32 : index
        %get3A_294 = tpu.vector_load %arg15[%get3A_293] {strides = array<i32>} : memref<80xi32, #tpu.memory_space<vmem>>, vector<16xi32>,
        %get3A_295 = vector.shape_cast %get3A_294 : vector<16xi32> to vector<16xi32>
        %add3A_296 = vector.broadcast %mul3A_0 : i32 to vector<16xi32>
        %add3A_297 = arith.addi %get3A_292, %add3A_296 : vector<16xi32>
        %swap3A_298 = arith.constant 32 : index
        %swap3A_299 = tpu.vector_load %arg16[%swap3A_298] {strides = array<i32>} : memref<80xi32, #tpu.memory_space<vmem>>, vector<16xi32>,
        %swap3A_300 = vector.shape_cast %swap3A_299 : vector<16xi32> to vector<16xi32>
        %swap3A_301 = vector.shape_cast %add3A_297 : vector<16xi32> to vector<16xi32>
        tpu.vector_store %arg16[%swap3A_298], %swap3A_301 {strides = array<i32>} : memref<80xi32, #tpu.memory_space<vmem>>, vector<16xi32>,
        %add3A_302 = vector.broadcast %mul3A_0 : i32 to vector<16xi32>
        %add3A_303 = arith.addi %get3A_295, %add3A_302 : vector<16xi32>
        %swap3A_304 = arith.constant 32 : index
        %swap3A_305 = tpu.vector_load %arg17[%swap3A_304] {strides = array<i32>} : memref<80xi32, #tpu.memory_space<vmem>>, vector<16xi32>,
        %swap3A_306 = vector.shape_cast %swap3A_305 : vector<16xi32> to vector<16xi32>
        %swap3A_307 = vector.shape_cast %add3A_303 : vector<16xi32> to vector<16xi32>
        tpu.vector_store %arg17[%swap3A_304], %swap3A_307 {strides = array<i32>} : memref<80xi32, #tpu.memory_space<vmem>>, vector<16xi32>,
        %swap3A_308 = arith.constant 32 : index
        %swap3A_309 = tpu.vector_load %arg18[%swap3A_308] {strides = array<i32>} : memref<80xi32, #tpu.memory_space<vmem>>, vector<16xi32>,
        %swap3A_310 = vector.shape_cast %swap3A_309 : vector<16xi32> to vector<16xi32>
        %swap3A_311 = vector.shape_cast %get3A_295 : vector<16xi32> to vector<16xi32>
        tpu.vector_store %arg18[%swap3A_308], %swap3A_311 {strides = array<i32>} : memref<80xi32, #tpu.memory_space<vmem>>, vector<16xi32>,
        %get3A_312 = arith.constant 48 : index
        %get3A_313 = tpu.vector_load %arg14[%get3A_312] {strides = array<i32>} : memref<80xi32, #tpu.memory_space<vmem>>, vector<16xi32>,
        %get3A_314 = vector.shape_cast %get3A_313 : vector<16xi32> to vector<16xi32>
        %get3A_315 = arith.constant 48 : index
        %get3A_316 = tpu.vector_load %arg15[%get3A_315] {strides = array<i32>} : memref<80xi32, #tpu.memory_space<vmem>>, vector<16xi32>,
        %get3A_317 = vector.shape_cast %get3A_316 : vector<16xi32> to vector<16xi32>
        %add3A_318 = vector.broadcast %mul3A_0 : i32 to vector<16xi32>
        %add3A_319 = arith.addi %get3A_314, %add3A_318 : vector<16xi32>
        %swap3A_320 = arith.constant 48 : index
        %swap3A_321 = tpu.vector_load %arg16[%swap3A_320] {strides = array<i32>} : memref<80xi32, #tpu.memory_space<vmem>>, vector<16xi32>,
        %swap3A_322 = vector.shape_cast %swap3A_321 : vector<16xi32> to vector<16xi32>
        %swap3A_323 = vector.shape_cast %add3A_319 : vector<16xi32> to vector<16xi32>
        tpu.vector_store %arg16[%swap3A_320], %swap3A_323 {strides = array<i32>} : memref<80xi32, #tpu.memory_space<vmem>>, vector<16xi32>,
        %add3A_324 = vector.broadcast %mul3A_0 : i32 to vector<16xi32>
        %add3A_325 = arith.addi %get3A_317, %add3A_324 : vector<16xi32>
        %swap3A_326 = arith.constant 48 : index
        %swap3A_327 = tpu.vector_load %arg17[%swap3A_326] {strides = array<i32>} : memref<80xi32, #tpu.memory_space<vmem>>, vector<16xi32>,
        %swap3A_328 = vector.shape_cast %swap3A_327 : vector<16xi32> to vector<16xi32>
        %swap3A_329 = vector.shape_cast %add3A_325 : vector<16xi32> to vector<16xi32>
        tpu.vector_store %arg17[%swap3A_326], %swap3A_329 {strides = array<i32>} : memref<80xi32, #tpu.memory_space<vmem>>, vector<16xi32>,
        %swap3A_330 = arith.constant 48 : index
        %swap3A_331 = tpu.vector_load %arg18[%swap3A_330] {strides = array<i32>} : memref<80xi32, #tpu.memory_space<vmem>>, vector<16xi32>,
        %swap3A_332 = vector.shape_cast %swap3A_331 : vector<16xi32> to vector<16xi32>
        %swap3A_333 = vector.shape_cast %get3A_317 : vector<16xi32> to vector<16xi32>
        tpu.vector_store %arg18[%swap3A_330], %swap3A_333 {strides = array<i32>} : memref<80xi32, #tpu.memory_space<vmem>>, vector<16xi32>,
        %get3A_334 = arith.constant 64 : index
        %get3A_335 = tpu.vector_load %arg14[%get3A_334] {strides = array<i32>} : memref<80xi32, #tpu.memory_space<vmem>>, vector<16xi32>,
        %get3A_336 = vector.shape_cast %get3A_335 : vector<16xi32> to vector<16xi32>
        %get3A_337 = arith.constant 64 : index
        %get3A_338 = tpu.vector_load %arg15[%get3A_337] {strides = array<i32>} : memref<80xi32, #tpu.memory_space<vmem>>, vector<16xi32>,
        %get3A_339 = vector.shape_cast %get3A_338 : vector<16xi32> to vector<16xi32>
        %add3A_340 = vector.broadcast %mul3A_0 : i32 to vector<16xi32>
        %add3A_341 = arith.addi %get3A_336, %add3A_340 : vector<16xi32>
        %swap3A_342 = arith.constant 64 : index
        %swap3A_343 = tpu.vector_load %arg16[%swap3A_342] {strides = array<i32>} : memref<80xi32, #tpu.memory_space<vmem>>, vector<16xi32>,
        %swap3A_344 = vector.shape_cast %swap3A_343 : vector<16xi32> to vector<16xi32>
        %swap3A_345 = vector.shape_cast %add3A_341 : vector<16xi32> to vector<16xi32>
        tpu.vector_store %arg16[%swap3A_342], %swap3A_345 {strides = array<i32>} : memref<80xi32, #tpu.memory_space<vmem>>, vector<16xi32>,
        %add3A_346 = vector.broadcast %mul3A_0 : i32 to vector<16xi32>
        %add3A_347 = arith.addi %get3A_339, %add3A_346 : vector<16xi32>
        %swap3A_348 = arith.constant 64 : index
        %swap3A_349 = tpu.vector_load %arg17[%swap3A_348] {strides = array<i32>} : memref<80xi32, #tpu.memory_space<vmem>>, vector<16xi32>,
        %swap3A_350 = vector.shape_cast %swap3A_349 : vector<16xi32> to vector<16xi32>
        %swap3A_351 = vector.shape_cast %add3A_347 : vector<16xi32> to vector<16xi32>
        tpu.vector_store %arg17[%swap3A_348], %swap3A_351 {strides = array<i32>} : memref<80xi32, #tpu.memory_space<vmem>>, vector<16xi32>,
        %swap3A_352 = arith.constant 64 : index
        %swap3A_353 = tpu.vector_load %arg18[%swap3A_352] {strides = array<i32>} : memref<80xi32, #tpu.memory_space<vmem>>, vector<16xi32>,
        %swap3A_354 = vector.shape_cast %swap3A_353 : vector<16xi32> to vector<16xi32>
        %swap3A_355 = vector.shape_cast %get3A_339 : vector<16xi32> to vector<16xi32>
        tpu.vector_store %arg18[%swap3A_352], %swap3A_355 {strides = array<i32>} : memref<80xi32, #tpu.memory_space<vmem>>, vector<16xi32>,
        %dma_start3A_356 = arith.constant 0 : i32
        %dma_start3A_357 = arith.constant 0 : i32
        %dma_start3A_358 = tpu.memref_slice %arg4[%dma_start3A_356, %dma_start3A_357] : memref<20000x128xf32, #tpu.memory_space<hbm>> -> memref<20000x128xf32, #tpu.memory_space<hbm>>
        tpu.enqueue_indirect_dma source(%dma_start3A_358 : memref<20000x128xf32, #tpu.memory_space<hbm>>) target(%arg19 : memref<80x128xf32, #tpu.memory_space<vmem>>) offsets(%arg17 : memref<80xi32, #tpu.memory_space<vmem>>) semaphore(%arg26 : memref<!tpu.dma_semaphore, #tpu.memory_space<semaphore_mem>>)
        %dma_start3A_359 = arith.constant 0 : i32
        %dma_start3A_360 = arith.constant 0 : i32
        %dma_start3A_361 = tpu.memref_slice %arg5[%dma_start3A_359, %dma_start3A_360] : memref<20000x128xf32, #tpu.memory_space<hbm>> -> memref<20000x128xf32, #tpu.memory_space<hbm>>
        tpu.enqueue_indirect_dma source(%dma_start3A_361 : memref<20000x128xf32, #tpu.memory_space<hbm>>) target(%arg20 : memref<80x128xf32, #tpu.memory_space<vmem>>) offsets(%arg16 : memref<80xi32, #tpu.memory_space<vmem>>) semaphore(%arg26 : memref<!tpu.dma_semaphore, #tpu.memory_space<semaphore_mem>>)
      } else {
      }
      %dma_wait3A_176 = arith.constant 0 : i32
      %dma_wait3A_177 = arith.constant 0 : i32
      %dma_wait3A_178 = tpu.memref_slice %arg4[%dma_wait3A_176, %dma_wait3A_177] : memref<20000x128xf32, #tpu.memory_space<hbm>> -> memref<20000x128xf32, #tpu.memory_space<hbm>>
      tpu.wait_indirect_dma semaphore(%arg23 : memref<!tpu.dma_semaphore, #tpu.memory_space<semaphore_mem>>) src(%dma_wait3A_178 : memref<20000x128xf32, #tpu.memory_space<hbm>>) dst(%arg12 : memref<80x128xf32, #tpu.memory_space<vmem>>)
      %dma_wait3A_179 = arith.constant 0 : i32
      %dma_wait3A_180 = arith.constant 0 : i32
      %dma_wait3A_181 = tpu.memref_slice %arg5[%dma_wait3A_179, %dma_wait3A_180] : memref<20000x128xf32, #tpu.memory_space<hbm>> -> memref<20000x128xf32, #tpu.memory_space<hbm>>
      tpu.wait_indirect_dma semaphore(%arg23 : memref<!tpu.dma_semaphore, #tpu.memory_space<semaphore_mem>>) src(%dma_wait3A_181 : memref<20000x128xf32, #tpu.memory_space<hbm>>) dst(%arg13 : memref<80x128xf32, #tpu.memory_space<vmem>>)
      %scan3A_182 = arith.constant 0 : i32
      %scan3A_183 = arith.constant 0 : i32
      %scan3A_184 = arith.constant 80 : i32
      %scan3A_185 = arith.addi %scan3A_183, %scan3A_184 : i32
      %scan3A_186 = arith.constant 1 : i32
      scf.for %scan3A_231 = %scan3A_183 to %scan3A_185 step %scan3A_186  : i32 {
        %get3A_232 = arith.index_cast %scan3A_231 : i32 to index
        %get3A_233 = arith.constant 0 : index
        %get3A_234 = tpu.vector_load %arg12[%get3A_232, %get3A_233] {strides = array<i32>} : memref<80x128xf32, #tpu.memory_space<vmem>>, vector<1x16xf32>,
        %get3A_235 = vector.shape_cast %get3A_234 : vector<1x16xf32> to vector<16xf32>
        %get3A_236 = arith.index_cast %scan3A_231 : i32 to index
        %get3A_237 = arith.constant 0 : index
        %get3A_238 = tpu.vector_load %arg13[%get3A_236, %get3A_237] {strides = array<i32>} : memref<80x128xf32, #tpu.memory_space<vmem>>, vector<1x16xf32>,
        %get3A_239 = vector.shape_cast %get3A_238 : vector<1x16xf32> to vector<16xf32>
        %add3A_240 = arith.addf %get3A_235, %get3A_239 : vector<16xf32>
        %max3A = arith.constant 0.000000e+00 : f32
        %max3A_241 = vector.broadcast %max3A : f32 to vector<16xf32>
        %max3A_242 = arith.maximumf %add3A_240, %max3A_241 : vector<16xf32>
        %swap3A_243 = arith.index_cast %scan3A_231 : i32 to index
        %swap3A_244 = arith.constant 0 : index
        %swap3A_245 = tpu.vector_load %arg13[%swap3A_243, %swap3A_244] {strides = array<i32>} : memref<80x128xf32, #tpu.memory_space<vmem>>, vector<1x16xf32>,
        %swap3A_246 = vector.shape_cast %swap3A_245 : vector<1x16xf32> to vector<16xf32>
        %swap3A_247 = vector.shape_cast %max3A_242 : vector<16xf32> to vector<1x16xf32>
        tpu.vector_store %arg13[%swap3A_243, %swap3A_244], %swap3A_247 {strides = array<i32>} : memref<80x128xf32, #tpu.memory_space<vmem>>, vector<1x16xf32>,
        %get3A_248 = arith.index_cast %scan3A_231 : i32 to index
        %get3A_249 = arith.constant 16 : index
        %get3A_250 = tpu.vector_load %arg12[%get3A_248, %get3A_249] {strides = array<i32>} : memref<80x128xf32, #tpu.memory_space<vmem>>, vector<1x16xf32>,
        %get3A_251 = vector.shape_cast %get3A_250 : vector<1x16xf32> to vector<16xf32>
        %get3A_252 = arith.index_cast %scan3A_231 : i32 to index
        %get3A_253 = arith.constant 16 : index
        %get3A_254 = tpu.vector_load %arg13[%get3A_252, %get3A_253] {strides = array<i32>} : memref<80x128xf32, #tpu.memory_space<vmem>>, vector<1x16xf32>,
        %get3A_255 = vector.shape_cast %get3A_254 : vector<1x16xf32> to vector<16xf32>
        %add3A_256 = arith.addf %get3A_251, %get3A_255 : vector<16xf32>
        %max3A_257 = arith.constant 0.000000e+00 : f32
        %max3A_258 = vector.broadcast %max3A_257 : f32 to vector<16xf32>
        %max3A_259 = arith.maximumf %add3A_256, %max3A_258 : vector<16xf32>
        %swap3A_260 = arith.index_cast %scan3A_231 : i32 to index
        %swap3A_261 = arith.constant 16 : index
        %swap3A_262 = tpu.vector_load %arg13[%swap3A_260, %swap3A_261] {strides = array<i32>} : memref<80x128xf32, #tpu.memory_space<vmem>>, vector<1x16xf32>,
        %swap3A_263 = vector.shape_cast %swap3A_262 : vector<1x16xf32> to vector<16xf32>
        %swap3A_264 = vector.shape_cast %max3A_259 : vector<16xf32> to vector<1x16xf32>
        tpu.vector_store %arg13[%swap3A_260, %swap3A_261], %swap3A_264 {strides = array<i32>} : memref<80x128xf32, #tpu.memory_space<vmem>>, vector<1x16xf32>,
        %get3A_265 = arith.index_cast %scan3A_231 : i32 to index
        %get3A_266 = arith.constant 32 : index
        %get3A_267 = tpu.vector_load %arg12[%get3A_265, %get3A_266] {strides = array<i32>} : memref<80x128xf32, #tpu.memory_space<vmem>>, vector<1x16xf32>,
        %get3A_268 = vector.shape_cast %get3A_267 : vector<1x16xf32> to vector<16xf32>
        %get3A_269 = arith.index_cast %scan3A_231 : i32 to index
        %get3A_270 = arith.constant 32 : index
        %get3A_271 = tpu.vector_load %arg13[%get3A_269, %get3A_270] {strides = array<i32>} : memref<80x128xf32, #tpu.memory_space<vmem>>, vector<1x16xf32>,
        %get3A_272 = vector.shape_cast %get3A_271 : vector<1x16xf32> to vector<16xf32>
        %add3A_273 = arith.addf %get3A_268, %get3A_272 : vector<16xf32>
        %max3A_274 = arith.constant 0.000000e+00 : f32
        %max3A_275 = vector.broadcast %max3A_274 : f32 to vector<16xf32>
        %max3A_276 = arith.maximumf %add3A_273, %max3A_275 : vector<16xf32>
        %swap3A_277 = arith.index_cast %scan3A_231 : i32 to index
        %swap3A_278 = arith.constant 32 : index
        %swap3A_279 = tpu.vector_load %arg13[%swap3A_277, %swap3A_278] {strides = array<i32>} : memref<80x128xf32, #tpu.memory_space<vmem>>, vector<1x16xf32>,
        %swap3A_280 = vector.shape_cast %swap3A_279 : vector<1x16xf32> to vector<16xf32>
        %swap3A_281 = vector.shape_cast %max3A_276 : vector<16xf32> to vector<1x16xf32>
        tpu.vector_store %arg13[%swap3A_277, %swap3A_278], %swap3A_281 {strides = array<i32>} : memref<80x128xf32, #tpu.memory_space<vmem>>, vector<1x16xf32>,
        %get3A_282 = arith.index_cast %scan3A_231 : i32 to index
        %get3A_283 = arith.constant 48 : index
        %get3A_284 = tpu.vector_load %arg12[%get3A_282, %get3A_283] {strides = array<i32>} : memref<80x128xf32, #tpu.memory_space<vmem>>, vector<1x16xf32>,
        %get3A_285 = vector.shape_cast %get3A_284 : vector<1x16xf32> to vector<16xf32>
        %get3A_286 = arith.index_cast %scan3A_231 : i32 to index
        %get3A_287 = arith.constant 48 : index
        %get3A_288 = tpu.vector_load %arg13[%get3A_286, %get3A_287] {strides = array<i32>} : memref<80x128xf32, #tpu.memory_space<vmem>>, vector<1x16xf32>,
        %get3A_289 = vector.shape_cast %get3A_288 : vector<1x16xf32> to vector<16xf32>
        %add3A_290 = arith.addf %get3A_285, %get3A_289 : vector<16xf32>
        %max3A_291 = arith.constant 0.000000e+00 : f32
        %max3A_292 = vector.broadcast %max3A_291 : f32 to vector<16xf32>
        %max3A_293 = arith.maximumf %add3A_290, %max3A_292 : vector<16xf32>
        %swap3A_294 = arith.index_cast %scan3A_231 : i32 to index
        %swap3A_295 = arith.constant 48 : index
        %swap3A_296 = tpu.vector_load %arg13[%swap3A_294, %swap3A_295] {strides = array<i32>} : memref<80x128xf32, #tpu.memory_space<vmem>>, vector<1x16xf32>,
        %swap3A_297 = vector.shape_cast %swap3A_296 : vector<1x16xf32> to vector<16xf32>
        %swap3A_298 = vector.shape_cast %max3A_293 : vector<16xf32> to vector<1x16xf32>
        tpu.vector_store %arg13[%swap3A_294, %swap3A_295], %swap3A_298 {strides = array<i32>} : memref<80x128xf32, #tpu.memory_space<vmem>>, vector<1x16xf32>,
        %get3A_299 = arith.index_cast %scan3A_231 : i32 to index
        %get3A_300 = arith.constant 64 : index
        %get3A_301 = tpu.vector_load %arg12[%get3A_299, %get3A_300] {strides = array<i32>} : memref<80x128xf32, #tpu.memory_space<vmem>>, vector<1x16xf32>,
        %get3A_302 = vector.shape_cast %get3A_301 : vector<1x16xf32> to vector<16xf32>
        %get3A_303 = arith.index_cast %scan3A_231 : i32 to index
        %get3A_304 = arith.constant 64 : index
        %get3A_305 = tpu.vector_load %arg13[%get3A_303, %get3A_304] {strides = array<i32>} : memref<80x128xf32, #tpu.memory_space<vmem>>, vector<1x16xf32>,
        %get3A_306 = vector.shape_cast %get3A_305 : vector<1x16xf32> to vector<16xf32>
        %add3A_307 = arith.addf %get3A_302, %get3A_306 : vector<16xf32>
        %max3A_308 = arith.constant 0.000000e+00 : f32
        %max3A_309 = vector.broadcast %max3A_308 : f32 to vector<16xf32>
        %max3A_310 = arith.maximumf %add3A_307, %max3A_309 : vector<16xf32>
        %swap3A_311 = arith.index_cast %scan3A_231 : i32 to index
        %swap3A_312 = arith.constant 64 : index
        %swap3A_313 = tpu.vector_load %arg13[%swap3A_311, %swap3A_312] {strides = array<i32>} : memref<80x128xf32, #tpu.memory_space<vmem>>, vector<1x16xf32>,
        %swap3A_314 = vector.shape_cast %swap3A_313 : vector<1x16xf32> to vector<16xf32>
        %swap3A_315 = vector.shape_cast %max3A_310 : vector<16xf32> to vector<1x16xf32>
        tpu.vector_store %arg13[%swap3A_311, %swap3A_312], %swap3A_315 {strides = array<i32>} : memref<80x128xf32, #tpu.memory_space<vmem>>, vector<1x16xf32>,
        %get3A_316 = arith.index_cast %scan3A_231 : i32 to index
        %get3A_317 = arith.constant 80 : index
        %get3A_318 = tpu.vector_load %arg12[%get3A_316, %get3A_317] {strides = array<i32>} : memref<80x128xf32, #tpu.memory_space<vmem>>, vector<1x16xf32>,
        %get3A_319 = vector.shape_cast %get3A_318 : vector<1x16xf32> to vector<16xf32>
        %get3A_320 = arith.index_cast %scan3A_231 : i32 to index
        %get3A_321 = arith.constant 80 : index
        %get3A_322 = tpu.vector_load %arg13[%get3A_320, %get3A_321] {strides = array<i32>} : memref<80x128xf32, #tpu.memory_space<vmem>>, vector<1x16xf32>,
        %get3A_323 = vector.shape_cast %get3A_322 : vector<1x16xf32> to vector<16xf32>
        %add3A_324 = arith.addf %get3A_319, %get3A_323 : vector<16xf32>
        %max3A_325 = arith.constant 0.000000e+00 : f32
        %max3A_326 = vector.broadcast %max3A_325 : f32 to vector<16xf32>
        %max3A_327 = arith.maximumf %add3A_324, %max3A_326 : vector<16xf32>
        %swap3A_328 = arith.index_cast %scan3A_231 : i32 to index
        %swap3A_329 = arith.constant 80 : index
        %swap3A_330 = tpu.vector_load %arg13[%swap3A_328, %swap3A_329] {strides = array<i32>} : memref<80x128xf32, #tpu.memory_space<vmem>>, vector<1x16xf32>,
        %swap3A_331 = vector.shape_cast %swap3A_330 : vector<1x16xf32> to vector<16xf32>
        %swap3A_332 = vector.shape_cast %max3A_327 : vector<16xf32> to vector<1x16xf32>
        tpu.vector_store %arg13[%swap3A_328, %swap3A_329], %swap3A_332 {strides = array<i32>} : memref<80x128xf32, #tpu.memory_space<vmem>>, vector<1x16xf32>,
        %get3A_333 = arith.index_cast %scan3A_231 : i32 to index
        %get3A_334 = arith.constant 96 : index
        %get3A_335 = tpu.vector_load %arg12[%get3A_333, %get3A_334] {strides = array<i32>} : memref<80x128xf32, #tpu.memory_space<vmem>>, vector<1x16xf32>,
        %get3A_336 = vector.shape_cast %get3A_335 : vector<1x16xf32> to vector<16xf32>
        %get3A_337 = arith.index_cast %scan3A_231 : i32 to index
        %get3A_338 = arith.constant 96 : index
        %get3A_339 = tpu.vector_load %arg13[%get3A_337, %get3A_338] {strides = array<i32>} : memref<80x128xf32, #tpu.memory_space<vmem>>, vector<1x16xf32>,
        %get3A_340 = vector.shape_cast %get3A_339 : vector<1x16xf32> to vector<16xf32>
        %add3A_341 = arith.addf %get3A_336, %get3A_340 : vector<16xf32>
        %max3A_342 = arith.constant 0.000000e+00 : f32
        %max3A_343 = vector.broadcast %max3A_342 : f32 to vector<16xf32>
        %max3A_344 = arith.maximumf %add3A_341, %max3A_343 : vector<16xf32>
        %swap3A_345 = arith.index_cast %scan3A_231 : i32 to index
        %swap3A_346 = arith.constant 96 : index
        %swap3A_347 = tpu.vector_load %arg13[%swap3A_345, %swap3A_346] {strides = array<i32>} : memref<80x128xf32, #tpu.memory_space<vmem>>, vector<1x16xf32>,
        %swap3A_348 = vector.shape_cast %swap3A_347 : vector<1x16xf32> to vector<16xf32>
        %swap3A_349 = vector.shape_cast %max3A_344 : vector<16xf32> to vector<1x16xf32>
        tpu.vector_store %arg13[%swap3A_345, %swap3A_346], %swap3A_349 {strides = array<i32>} : memref<80x128xf32, #tpu.memory_space<vmem>>, vector<1x16xf32>,
        %get3A_350 = arith.index_cast %scan3A_231 : i32 to index
        %get3A_351 = arith.constant 112 : index
        %get3A_352 = tpu.vector_load %arg12[%get3A_350, %get3A_351] {strides = array<i32>} : memref<80x128xf32, #tpu.memory_space<vmem>>, vector<1x16xf32>,
        %get3A_353 = vector.shape_cast %get3A_352 : vector<1x16xf32> to vector<16xf32>
        %get3A_354 = arith.index_cast %scan3A_231 : i32 to index
        %get3A_355 = arith.constant 112 : index
        %get3A_356 = tpu.vector_load %arg13[%get3A_354, %get3A_355] {strides = array<i32>} : memref<80x128xf32, #tpu.memory_space<vmem>>, vector<1x16xf32>,
        %get3A_357 = vector.shape_cast %get3A_356 : vector<1x16xf32> to vector<16xf32>
        %add3A_358 = arith.addf %get3A_353, %get3A_357 : vector<16xf32>
        %max3A_359 = arith.constant 0.000000e+00 : f32
        %max3A_360 = vector.broadcast %max3A_359 : f32 to vector<16xf32>
        %max3A_361 = arith.maximumf %add3A_358, %max3A_360 : vector<16xf32>
        %swap3A_362 = arith.index_cast %scan3A_231 : i32 to index
        %swap3A_363 = arith.constant 112 : index
        %swap3A_364 = tpu.vector_load %arg13[%swap3A_362, %swap3A_363] {strides = array<i32>} : memref<80x128xf32, #tpu.memory_space<vmem>>, vector<1x16xf32>,
        %swap3A_365 = vector.shape_cast %swap3A_364 : vector<1x16xf32> to vector<16xf32>
        %swap3A_366 = vector.shape_cast %max3A_361 : vector<16xf32> to vector<1x16xf32>
        tpu.vector_store %arg13[%swap3A_362, %swap3A_363], %swap3A_366 {strides = array<i32>} : memref<80x128xf32, #tpu.memory_space<vmem>>, vector<1x16xf32>,
      }
      %scan3A_187 = arith.constant 80 : i32
      %dma_start3A_188 = arith.constant 0 : i32
      %dma_start3A_189 = arith.constant 0 : i32
      %dma_start3A_190 = tpu.memref_slice %arg21[%dma_start3A_188, %dma_start3A_189] : memref<10000x128xf32, #tpu.memory_space<vmem_shared>> -> memref<10000x128xf32, #tpu.memory_space<vmem_shared>>
      tpu.enqueue_indirect_dma source(%arg13 : memref<80x128xf32, #tpu.memory_space<vmem>>) target(%dma_start3A_190 : memref<10000x128xf32, #tpu.memory_space<vmem_shared>>) offsets(%arg11 : memref<80xi32, #tpu.memory_space<vmem>>) semaphore(%arg24 : memref<!tpu.dma_semaphore, #tpu.memory_space<semaphore_mem>>) {add = true}
      %add3A_191 = arith.constant 2 : i32
      %add3A_192 = arith.addi %add3A_171, %add3A_191 : i32
      %lt3A_193 = arith.constant 250 : i32
      %lt3A_194 = arith.cmpi slt, %add3A_192, %lt3A_193 : i32
      %convert_element_type3A_195 = arith.extui %lt3A_194 : i1 to i32
      %cond3A_196 = arith.constant 0 : i32
      %cond3A_197 = arith.cmpi ne, %convert_element_type3A_195, %cond3A_196 : i32
      scf.if %cond3A_197 {
        %add3A_231 = arith.constant 2 : i32
        %add3A_232 = arith.addi %add3A_171, %add3A_231 : i32
        %mul3A_233 = arith.constant 20000 : i32
        %mul3A_234 = arith.muli %arg1, %mul3A_233 : i32
        %mul3A_235 = arith.constant 80 : i32
        %mul3A_236 = arith.muli %add3A_232, %mul3A_235 : i32
        %add3A_237 = arith.addi %mul3A_234, %mul3A_236 : i32
        %dma_start3A_238 = tpu.memref_slice %arg2[%add3A_237] : memref<320000xi32, #tpu.memory_space<hbm>> -> memref<80xi32, #tpu.memory_space<hbm>>
        %dma_start3A_239 = tpu.memref_slice %arg2[%add3A_237] : memref<320000xi32, #tpu.memory_space<hbm>> -> memref<80xi32, #tpu.memory_space<hbm>>
        tpu.enqueue_dma source(%dma_start3A_239 : memref<80xi32, #tpu.memory_space<hbm>>) target(%arg7 : memref<80xi32, #tpu.memory_space<vmem>>) target_semaphore(%arg22 : memref<!tpu.dma_semaphore, #tpu.memory_space<semaphore_mem>>)
        %dma_start3A_240 = tpu.memref_slice %arg3[%add3A_237] : memref<320000xi32, #tpu.memory_space<hbm>> -> memref<80xi32, #tpu.memory_space<hbm>>
        %dma_start3A_241 = tpu.memref_slice %arg3[%add3A_237] : memref<320000xi32, #tpu.memory_space<hbm>> -> memref<80xi32, #tpu.memory_space<hbm>>
        tpu.enqueue_dma source(%dma_start3A_241 : memref<80xi32, #tpu.memory_space<hbm>>) target(%arg8 : memref<80xi32, #tpu.memory_space<vmem>>) target_semaphore(%arg22 : memref<!tpu.dma_semaphore, #tpu.memory_space<semaphore_mem>>)
      } else {
      }
      %mul3A_198 = arith.constant 2 : i32
      %mul3A_199 = arith.muli %mul3A_198, %scan3A_167 : i32
      %add3A_200 = arith.constant 1 : i32
      %add3A_201 = arith.addi %mul3A_199, %add3A_200 : i32
      %add3A_202 = arith.constant 1 : i32
      %add3A_203 = arith.addi %add3A_201, %add3A_202 : i32
      %lt3A_204 = arith.constant 250 : i32
      %lt3A_205 = arith.cmpi slt, %add3A_203, %lt3A_204 : i32
      %convert_element_type3A_206 = arith.extui %lt3A_205 : i1 to i32
      %cond3A_207 = arith.constant 0 : i32
      %cond3A_208 = arith.cmpi ne, %convert_element_type3A_206, %cond3A_207 : i32
      scf.if %cond3A_208 {
        %add3A_231 = arith.constant 1 : i32
        %add3A_232 = arith.addi %add3A_201, %add3A_231 : i32
        %mul3A_233 = arith.constant 20000 : i32
        %mul3A_234 = arith.muli %arg1, %mul3A_233 : i32
        %mul3A_235 = arith.constant 80 : i32
        %mul3A_236 = arith.muli %add3A_232, %mul3A_235 : i32
        %add3A_237 = arith.addi %mul3A_234, %mul3A_236 : i32
        %dma_wait3A_238 = tpu.memref_slice %arg2[%add3A_237] : memref<320000xi32, #tpu.memory_space<hbm>> -> memref<80xi32, #tpu.memory_space<hbm>>
        %dma_wait3A_239 = tpu.memref_slice %arg2[%add3A_237] : memref<320000xi32, #tpu.memory_space<hbm>> -> memref<80xi32, #tpu.memory_space<hbm>>
        tpu.wait_dma2 semaphore(%arg22 : memref<!tpu.dma_semaphore, #tpu.memory_space<semaphore_mem>>) src(%dma_wait3A_239 : memref<80xi32, #tpu.memory_space<hbm>>) dst(%arg7 : memref<80xi32, #tpu.memory_space<vmem>>)
        %dma_wait3A_240 = tpu.memref_slice %arg3[%add3A_237] : memref<320000xi32, #tpu.memory_space<hbm>> -> memref<80xi32, #tpu.memory_space<hbm>>
        %dma_wait3A_241 = tpu.memref_slice %arg3[%add3A_237] : memref<320000xi32, #tpu.memory_space<hbm>> -> memref<80xi32, #tpu.memory_space<hbm>>
        tpu.wait_dma2 semaphore(%arg22 : memref<!tpu.dma_semaphore, #tpu.memory_space<semaphore_mem>>) src(%dma_wait3A_241 : memref<80xi32, #tpu.memory_space<hbm>>) dst(%arg8 : memref<80xi32, #tpu.memory_space<vmem>>)
        %ge3A = arith.constant 1 : i32
        %ge3A_242 = arith.cmpi sge, %add3A_201, %ge3A : i32
        %convert_element_type3A_243 = arith.extui %ge3A_242 : i1 to i32
        %cond3A_244 = arith.constant 0 : i32
        %cond3A_245 = arith.cmpi ne, %convert_element_type3A_243, %cond3A_244 : i32
        scf.if %cond3A_245 {
          %dma_wait3A_362 = arith.constant 0 : i32
          %dma_wait3A_363 = arith.constant 0 : i32
          %dma_wait3A_364 = tpu.memref_slice %arg21[%dma_wait3A_362, %dma_wait3A_363] : memref<10000x128xf32, #tpu.memory_space<vmem_shared>> -> memref<10000x128xf32, #tpu.memory_space<vmem_shared>>
          tpu.wait_indirect_dma semaphore(%arg24 : memref<!tpu.dma_semaphore, #tpu.memory_space<semaphore_mem>>) src(%arg13 : memref<80x128xf32, #tpu.memory_space<vmem>>) dst(%dma_wait3A_364 : memref<10000x128xf32, #tpu.memory_space<vmem_shared>>)
        } else {
        }
        %get3A_246 = arith.constant 0 : index
        %get3A_247 = tpu.vector_load %arg7[%get3A_246] {strides = array<i32>} : memref<80xi32, #tpu.memory_space<vmem>>, vector<16xi32>,
        %get3A_248 = vector.shape_cast %get3A_247 : vector<16xi32> to vector<16xi32>
        %get3A_249 = arith.constant 0 : index
        %get3A_250 = tpu.vector_load %arg8[%get3A_249] {strides = array<i32>} : memref<80xi32, #tpu.memory_space<vmem>>, vector<16xi32>,
        %get3A_251 = vector.shape_cast %get3A_250 : vector<16xi32> to vector<16xi32>
        %add3A_252 = vector.broadcast %mul3A_0 : i32 to vector<16xi32>
        %add3A_253 = arith.addi %get3A_248, %add3A_252 : vector<16xi32>
        %swap3A_254 = arith.constant 0 : index
        %swap3A_255 = tpu.vector_load %arg9[%swap3A_254] {strides = array<i32>} : memref<80xi32, #tpu.memory_space<vmem>>, vector<16xi32>,
        %swap3A_256 = vector.shape_cast %swap3A_255 : vector<16xi32> to vector<16xi32>
        %swap3A_257 = vector.shape_cast %add3A_253 : vector<16xi32> to vector<16xi32>
        tpu.vector_store %arg9[%swap3A_254], %swap3A_257 {strides = array<i32>} : memref<80xi32, #tpu.memory_space<vmem>>, vector<16xi32>,
        %add3A_258 = vector.broadcast %mul3A_0 : i32 to vector<16xi32>
        %add3A_259 = arith.addi %get3A_251, %add3A_258 : vector<16xi32>
        %swap3A_260 = arith.constant 0 : index
        %swap3A_261 = tpu.vector_load %arg10[%swap3A_260] {strides = array<i32>} : memref<80xi32, #tpu.memory_space<vmem>>, vector<16xi32>,
        %swap3A_262 = vector.shape_cast %swap3A_261 : vector<16xi32> to vector<16xi32>
        %swap3A_263 = vector.shape_cast %add3A_259 : vector<16xi32> to vector<16xi32>
        tpu.vector_store %arg10[%swap3A_260], %swap3A_263 {strides = array<i32>} : memref<80xi32, #tpu.memory_space<vmem>>, vector<16xi32>,
        %swap3A_264 = arith.constant 0 : index
        %swap3A_265 = tpu.vector_load %arg11[%swap3A_264] {strides = array<i32>} : memref<80xi32, #tpu.memory_space<vmem>>, vector<16xi32>,
        %swap3A_266 = vector.shape_cast %swap3A_265 : vector<16xi32> to vector<16xi32>
        %swap3A_267 = vector.shape_cast %get3A_251 : vector<16xi32> to vector<16xi32>
        tpu.vector_store %arg11[%swap3A_264], %swap3A_267 {strides = array<i32>} : memref<80xi32, #tpu.memory_space<vmem>>, vector<16xi32>,
        %get3A_268 = arith.constant 16 : index
        %get3A_269 = tpu.vector_load %arg7[%get3A_268] {strides = array<i32>} : memref<80xi32, #tpu.memory_space<vmem>>, vector<16xi32>,
        %get3A_270 = vector.shape_cast %get3A_269 : vector<16xi32> to vector<16xi32>
        %get3A_271 = arith.constant 16 : index
        %get3A_272 = tpu.vector_load %arg8[%get3A_271] {strides = array<i32>} : memref<80xi32, #tpu.memory_space<vmem>>, vector<16xi32>,
        %get3A_273 = vector.shape_cast %get3A_272 : vector<16xi32> to vector<16xi32>
        %add3A_274 = vector.broadcast %mul3A_0 : i32 to vector<16xi32>
        %add3A_275 = arith.addi %get3A_270, %add3A_274 : vector<16xi32>
        %swap3A_276 = arith.constant 16 : index
        %swap3A_277 = tpu.vector_load %arg9[%swap3A_276] {strides = array<i32>} : memref<80xi32, #tpu.memory_space<vmem>>, vector<16xi32>,
        %swap3A_278 = vector.shape_cast %swap3A_277 : vector<16xi32> to vector<16xi32>
        %swap3A_279 = vector.shape_cast %add3A_275 : vector<16xi32> to vector<16xi32>
        tpu.vector_store %arg9[%swap3A_276], %swap3A_279 {strides = array<i32>} : memref<80xi32, #tpu.memory_space<vmem>>, vector<16xi32>,
        %add3A_280 = vector.broadcast %mul3A_0 : i32 to vector<16xi32>
        %add3A_281 = arith.addi %get3A_273, %add3A_280 : vector<16xi32>
        %swap3A_282 = arith.constant 16 : index
        %swap3A_283 = tpu.vector_load %arg10[%swap3A_282] {strides = array<i32>} : memref<80xi32, #tpu.memory_space<vmem>>, vector<16xi32>,
        %swap3A_284 = vector.shape_cast %swap3A_283 : vector<16xi32> to vector<16xi32>
        %swap3A_285 = vector.shape_cast %add3A_281 : vector<16xi32> to vector<16xi32>
        tpu.vector_store %arg10[%swap3A_282], %swap3A_285 {strides = array<i32>} : memref<80xi32, #tpu.memory_space<vmem>>, vector<16xi32>,
        %swap3A_286 = arith.constant 16 : index
        %swap3A_287 = tpu.vector_load %arg11[%swap3A_286] {strides = array<i32>} : memref<80xi32, #tpu.memory_space<vmem>>, vector<16xi32>,
        %swap3A_288 = vector.shape_cast %swap3A_287 : vector<16xi32> to vector<16xi32>
        %swap3A_289 = vector.shape_cast %get3A_273 : vector<16xi32> to vector<16xi32>
        tpu.vector_store %arg11[%swap3A_286], %swap3A_289 {strides = array<i32>} : memref<80xi32, #tpu.memory_space<vmem>>, vector<16xi32>,
        %get3A_290 = arith.constant 32 : index
        %get3A_291 = tpu.vector_load %arg7[%get3A_290] {strides = array<i32>} : memref<80xi32, #tpu.memory_space<vmem>>, vector<16xi32>,
        %get3A_292 = vector.shape_cast %get3A_291 : vector<16xi32> to vector<16xi32>
        %get3A_293 = arith.constant 32 : index
        %get3A_294 = tpu.vector_load %arg8[%get3A_293] {strides = array<i32>} : memref<80xi32, #tpu.memory_space<vmem>>, vector<16xi32>,
        %get3A_295 = vector.shape_cast %get3A_294 : vector<16xi32> to vector<16xi32>
        %add3A_296 = vector.broadcast %mul3A_0 : i32 to vector<16xi32>
        %add3A_297 = arith.addi %get3A_292, %add3A_296 : vector<16xi32>
        %swap3A_298 = arith.constant 32 : index
        %swap3A_299 = tpu.vector_load %arg9[%swap3A_298] {strides = array<i32>} : memref<80xi32, #tpu.memory_space<vmem>>, vector<16xi32>,
        %swap3A_300 = vector.shape_cast %swap3A_299 : vector<16xi32> to vector<16xi32>
        %swap3A_301 = vector.shape_cast %add3A_297 : vector<16xi32> to vector<16xi32>
        tpu.vector_store %arg9[%swap3A_298], %swap3A_301 {strides = array<i32>} : memref<80xi32, #tpu.memory_space<vmem>>, vector<16xi32>,
        %add3A_302 = vector.broadcast %mul3A_0 : i32 to vector<16xi32>
        %add3A_303 = arith.addi %get3A_295, %add3A_302 : vector<16xi32>
        %swap3A_304 = arith.constant 32 : index
        %swap3A_305 = tpu.vector_load %arg10[%swap3A_304] {strides = array<i32>} : memref<80xi32, #tpu.memory_space<vmem>>, vector<16xi32>,
        %swap3A_306 = vector.shape_cast %swap3A_305 : vector<16xi32> to vector<16xi32>
        %swap3A_307 = vector.shape_cast %add3A_303 : vector<16xi32> to vector<16xi32>
        tpu.vector_store %arg10[%swap3A_304], %swap3A_307 {strides = array<i32>} : memref<80xi32, #tpu.memory_space<vmem>>, vector<16xi32>,
        %swap3A_308 = arith.constant 32 : index
        %swap3A_309 = tpu.vector_load %arg11[%swap3A_308] {strides = array<i32>} : memref<80xi32, #tpu.memory_space<vmem>>, vector<16xi32>,
        %swap3A_310 = vector.shape_cast %swap3A_309 : vector<16xi32> to vector<16xi32>
        %swap3A_311 = vector.shape_cast %get3A_295 : vector<16xi32> to vector<16xi32>
        tpu.vector_store %arg11[%swap3A_308], %swap3A_311 {strides = array<i32>} : memref<80xi32, #tpu.memory_space<vmem>>, vector<16xi32>,
        %get3A_312 = arith.constant 48 : index
        %get3A_313 = tpu.vector_load %arg7[%get3A_312] {strides = array<i32>} : memref<80xi32, #tpu.memory_space<vmem>>, vector<16xi32>,
        %get3A_314 = vector.shape_cast %get3A_313 : vector<16xi32> to vector<16xi32>
        %get3A_315 = arith.constant 48 : index
        %get3A_316 = tpu.vector_load %arg8[%get3A_315] {strides = array<i32>} : memref<80xi32, #tpu.memory_space<vmem>>, vector<16xi32>,
        %get3A_317 = vector.shape_cast %get3A_316 : vector<16xi32> to vector<16xi32>
        %add3A_318 = vector.broadcast %mul3A_0 : i32 to vector<16xi32>
        %add3A_319 = arith.addi %get3A_314, %add3A_318 : vector<16xi32>
        %swap3A_320 = arith.constant 48 : index
        %swap3A_321 = tpu.vector_load %arg9[%swap3A_320] {strides = array<i32>} : memref<80xi32, #tpu.memory_space<vmem>>, vector<16xi32>,
        %swap3A_322 = vector.shape_cast %swap3A_321 : vector<16xi32> to vector<16xi32>
        %swap3A_323 = vector.shape_cast %add3A_319 : vector<16xi32> to vector<16xi32>
        tpu.vector_store %arg9[%swap3A_320], %swap3A_323 {strides = array<i32>} : memref<80xi32, #tpu.memory_space<vmem>>, vector<16xi32>,
        %add3A_324 = vector.broadcast %mul3A_0 : i32 to vector<16xi32>
        %add3A_325 = arith.addi %get3A_317, %add3A_324 : vector<16xi32>
        %swap3A_326 = arith.constant 48 : index
        %swap3A_327 = tpu.vector_load %arg10[%swap3A_326] {strides = array<i32>} : memref<80xi32, #tpu.memory_space<vmem>>, vector<16xi32>,
        %swap3A_328 = vector.shape_cast %swap3A_327 : vector<16xi32> to vector<16xi32>
        %swap3A_329 = vector.shape_cast %add3A_325 : vector<16xi32> to vector<16xi32>
        tpu.vector_store %arg10[%swap3A_326], %swap3A_329 {strides = array<i32>} : memref<80xi32, #tpu.memory_space<vmem>>, vector<16xi32>,
        %swap3A_330 = arith.constant 48 : index
        %swap3A_331 = tpu.vector_load %arg11[%swap3A_330] {strides = array<i32>} : memref<80xi32, #tpu.memory_space<vmem>>, vector<16xi32>,
        %swap3A_332 = vector.shape_cast %swap3A_331 : vector<16xi32> to vector<16xi32>
        %swap3A_333 = vector.shape_cast %get3A_317 : vector<16xi32> to vector<16xi32>
        tpu.vector_store %arg11[%swap3A_330], %swap3A_333 {strides = array<i32>} : memref<80xi32, #tpu.memory_space<vmem>>, vector<16xi32>,
        %get3A_334 = arith.constant 64 : index
        %get3A_335 = tpu.vector_load %arg7[%get3A_334] {strides = array<i32>} : memref<80xi32, #tpu.memory_space<vmem>>, vector<16xi32>,
        %get3A_336 = vector.shape_cast %get3A_335 : vector<16xi32> to vector<16xi32>
        %get3A_337 = arith.constant 64 : index
        %get3A_338 = tpu.vector_load %arg8[%get3A_337] {strides = array<i32>} : memref<80xi32, #tpu.memory_space<vmem>>, vector<16xi32>,
        %get3A_339 = vector.shape_cast %get3A_338 : vector<16xi32> to vector<16xi32>
        %add3A_340 = vector.broadcast %mul3A_0 : i32 to vector<16xi32>
        %add3A_341 = arith.addi %get3A_336, %add3A_340 : vector<16xi32>
        %swap3A_342 = arith.constant 64 : index
        %swap3A_343 = tpu.vector_load %arg9[%swap3A_342] {strides = array<i32>} : memref<80xi32, #tpu.memory_space<vmem>>, vector<16xi32>,
        %swap3A_344 = vector.shape_cast %swap3A_343 : vector<16xi32> to vector<16xi32>
        %swap3A_345 = vector.shape_cast %add3A_341 : vector<16xi32> to vector<16xi32>
        tpu.vector_store %arg9[%swap3A_342], %swap3A_345 {strides = array<i32>} : memref<80xi32, #tpu.memory_space<vmem>>, vector<16xi32>,
        %add3A_346 = vector.broadcast %mul3A_0 : i32 to vector<16xi32>
        %add3A_347 = arith.addi %get3A_339, %add3A_346 : vector<16xi32>
        %swap3A_348 = arith.constant 64 : index
        %swap3A_349 = tpu.vector_load %arg10[%swap3A_348] {strides = array<i32>} : memref<80xi32, #tpu.memory_space<vmem>>, vector<16xi32>,
        %swap3A_350 = vector.shape_cast %swap3A_349 : vector<16xi32> to vector<16xi32>
        %swap3A_351 = vector.shape_cast %add3A_347 : vector<16xi32> to vector<16xi32>
        tpu.vector_store %arg10[%swap3A_348], %swap3A_351 {strides = array<i32>} : memref<80xi32, #tpu.memory_space<vmem>>, vector<16xi32>,
        %swap3A_352 = arith.constant 64 : index
        %swap3A_353 = tpu.vector_load %arg11[%swap3A_352] {strides = array<i32>} : memref<80xi32, #tpu.memory_space<vmem>>, vector<16xi32>,
        %swap3A_354 = vector.shape_cast %swap3A_353 : vector<16xi32> to vector<16xi32>
        %swap3A_355 = vector.shape_cast %get3A_339 : vector<16xi32> to vector<16xi32>
        tpu.vector_store %arg11[%swap3A_352], %swap3A_355 {strides = array<i32>} : memref<80xi32, #tpu.memory_space<vmem>>, vector<16xi32>,
        %dma_start3A_356 = arith.constant 0 : i32
        %dma_start3A_357 = arith.constant 0 : i32
        %dma_start3A_358 = tpu.memref_slice %arg4[%dma_start3A_356, %dma_start3A_357] : memref<20000x128xf32, #tpu.memory_space<hbm>> -> memref<20000x128xf32, #tpu.memory_space<hbm>>
        tpu.enqueue_indirect_dma source(%dma_start3A_358 : memref<20000x128xf32, #tpu.memory_space<hbm>>) target(%arg12 : memref<80x128xf32, #tpu.memory_space<vmem>>) offsets(%arg10 : memref<80xi32, #tpu.memory_space<vmem>>) semaphore(%arg23 : memref<!tpu.dma_semaphore, #tpu.memory_space<semaphore_mem>>)
        %dma_start3A_359 = arith.constant 0 : i32
        %dma_start3A_360 = arith.constant 0 : i32
        %dma_start3A_361 = tpu.memref_slice %arg5[%dma_start3A_359, %dma_start3A_360] : memref<20000x128xf32, #tpu.memory_space<hbm>> -> memref<20000x128xf32, #tpu.memory_space<hbm>>
        tpu.enqueue_indirect_dma source(%dma_start3A_361 : memref<20000x128xf32, #tpu.memory_space<hbm>>) target(%arg13 : memref<80x128xf32, #tpu.memory_space<vmem>>) offsets(%arg9 : memref<80xi32, #tpu.memory_space<vmem>>) semaphore(%arg23 : memref<!tpu.dma_semaphore, #tpu.memory_space<semaphore_mem>>)
      } else {
      }
      %dma_wait3A_209 = arith.constant 0 : i32
      %dma_wait3A_210 = arith.constant 0 : i32
      %dma_wait3A_211 = tpu.memref_slice %arg4[%dma_wait3A_209, %dma_wait3A_210] : memref<20000x128xf32, #tpu.memory_space<hbm>> -> memref<20000x128xf32, #tpu.memory_space<hbm>>
      tpu.wait_indirect_dma semaphore(%arg26 : memref<!tpu.dma_semaphore, #tpu.memory_space<semaphore_mem>>) src(%dma_wait3A_211 : memref<20000x128xf32, #tpu.memory_space<hbm>>) dst(%arg19 : memref<80x128xf32, #tpu.memory_space<vmem>>)
      %dma_wait3A_212 = arith.constant 0 : i32
      %dma_wait3A_213 = arith.constant 0 : i32
      %dma_wait3A_214 = tpu.memref_slice %arg5[%dma_wait3A_212, %dma_wait3A_213] : memref<20000x128xf32, #tpu.memory_space<hbm>> -> memref<20000x128xf32, #tpu.memory_space<hbm>>
      tpu.wait_indirect_dma semaphore(%arg26 : memref<!tpu.dma_semaphore, #tpu.memory_space<semaphore_mem>>) src(%dma_wait3A_214 : memref<20000x128xf32, #tpu.memory_space<hbm>>) dst(%arg20 : memref<80x128xf32, #tpu.memory_space<vmem>>)
      %scan3A_215 = arith.constant 0 : i32
      %scan3A_216 = arith.constant 0 : i32
      %scan3A_217 = arith.constant 80 : i32
      %scan3A_218 = arith.addi %scan3A_216, %scan3A_217 : i32
      %scan3A_219 = arith.constant 1 : i32
      scf.for %scan3A_231 = %scan3A_216 to %scan3A_218 step %scan3A_219  : i32 {
        %get3A_232 = arith.index_cast %scan3A_231 : i32 to index
        %get3A_233 = arith.constant 0 : index
        %get3A_234 = tpu.vector_load %arg19[%get3A_232, %get3A_233] {strides = array<i32>} : memref<80x128xf32, #tpu.memory_space<vmem>>, vector<1x16xf32>,
        %get3A_235 = vector.shape_cast %get3A_234 : vector<1x16xf32> to vector<16xf32>
        %get3A_236 = arith.index_cast %scan3A_231 : i32 to index
        %get3A_237 = arith.constant 0 : index
        %get3A_238 = tpu.vector_load %arg20[%get3A_236, %get3A_237] {strides = array<i32>} : memref<80x128xf32, #tpu.memory_space<vmem>>, vector<1x16xf32>,
        %get3A_239 = vector.shape_cast %get3A_238 : vector<1x16xf32> to vector<16xf32>
        %add3A_240 = arith.addf %get3A_235, %get3A_239 : vector<16xf32>
        %max3A = arith.constant 0.000000e+00 : f32
        %max3A_241 = vector.broadcast %max3A : f32 to vector<16xf32>
        %max3A_242 = arith.maximumf %add3A_240, %max3A_241 : vector<16xf32>
        %swap3A_243 = arith.index_cast %scan3A_231 : i32 to index
        %swap3A_244 = arith.constant 0 : index
        %swap3A_245 = tpu.vector_load %arg20[%swap3A_243, %swap3A_244] {strides = array<i32>} : memref<80x128xf32, #tpu.memory_space<vmem>>, vector<1x16xf32>,
        %swap3A_246 = vector.shape_cast %swap3A_245 : vector<1x16xf32> to vector<16xf32>
        %swap3A_247 = vector.shape_cast %max3A_242 : vector<16xf32> to vector<1x16xf32>
        tpu.vector_store %arg20[%swap3A_243, %swap3A_244], %swap3A_247 {strides = array<i32>} : memref<80x128xf32, #tpu.memory_space<vmem>>, vector<1x16xf32>,
        %get3A_248 = arith.index_cast %scan3A_231 : i32 to index
        %get3A_249 = arith.constant 16 : index
        %get3A_250 = tpu.vector_load %arg19[%get3A_248, %get3A_249] {strides = array<i32>} : memref<80x128xf32, #tpu.memory_space<vmem>>, vector<1x16xf32>,
        %get3A_251 = vector.shape_cast %get3A_250 : vector<1x16xf32> to vector<16xf32>
        %get3A_252 = arith.index_cast %scan3A_231 : i32 to index
        %get3A_253 = arith.constant 16 : index
        %get3A_254 = tpu.vector_load %arg20[%get3A_252, %get3A_253] {strides = array<i32>} : memref<80x128xf32, #tpu.memory_space<vmem>>, vector<1x16xf32>,
        %get3A_255 = vector.shape_cast %get3A_254 : vector<1x16xf32> to vector<16xf32>
        %add3A_256 = arith.addf %get3A_251, %get3A_255 : vector<16xf32>
        %max3A_257 = arith.constant 0.000000e+00 : f32
        %max3A_258 = vector.broadcast %max3A_257 : f32 to vector<16xf32>
        %max3A_259 = arith.maximumf %add3A_256, %max3A_258 : vector<16xf32>
        %swap3A_260 = arith.index_cast %scan3A_231 : i32 to index
        %swap3A_261 = arith.constant 16 : index
        %swap3A_262 = tpu.vector_load %arg20[%swap3A_260, %swap3A_261] {strides = array<i32>} : memref<80x128xf32, #tpu.memory_space<vmem>>, vector<1x16xf32>,
        %swap3A_263 = vector.shape_cast %swap3A_262 : vector<1x16xf32> to vector<16xf32>
        %swap3A_264 = vector.shape_cast %max3A_259 : vector<16xf32> to vector<1x16xf32>
        tpu.vector_store %arg20[%swap3A_260, %swap3A_261], %swap3A_264 {strides = array<i32>} : memref<80x128xf32, #tpu.memory_space<vmem>>, vector<1x16xf32>,
        %get3A_265 = arith.index_cast %scan3A_231 : i32 to index
        %get3A_266 = arith.constant 32 : index
        %get3A_267 = tpu.vector_load %arg19[%get3A_265, %get3A_266] {strides = array<i32>} : memref<80x128xf32, #tpu.memory_space<vmem>>, vector<1x16xf32>,
        %get3A_268 = vector.shape_cast %get3A_267 : vector<1x16xf32> to vector<16xf32>
        %get3A_269 = arith.index_cast %scan3A_231 : i32 to index
        %get3A_270 = arith.constant 32 : index
        %get3A_271 = tpu.vector_load %arg20[%get3A_269, %get3A_270] {strides = array<i32>} : memref<80x128xf32, #tpu.memory_space<vmem>>, vector<1x16xf32>,
        %get3A_272 = vector.shape_cast %get3A_271 : vector<1x16xf32> to vector<16xf32>
        %add3A_273 = arith.addf %get3A_268, %get3A_272 : vector<16xf32>
        %max3A_274 = arith.constant 0.000000e+00 : f32
        %max3A_275 = vector.broadcast %max3A_274 : f32 to vector<16xf32>
        %max3A_276 = arith.maximumf %add3A_273, %max3A_275 : vector<16xf32>
        %swap3A_277 = arith.index_cast %scan3A_231 : i32 to index
        %swap3A_278 = arith.constant 32 : index
        %swap3A_279 = tpu.vector_load %arg20[%swap3A_277, %swap3A_278] {strides = array<i32>} : memref<80x128xf32, #tpu.memory_space<vmem>>, vector<1x16xf32>,
        %swap3A_280 = vector.shape_cast %swap3A_279 : vector<1x16xf32> to vector<16xf32>
        %swap3A_281 = vector.shape_cast %max3A_276 : vector<16xf32> to vector<1x16xf32>
        tpu.vector_store %arg20[%swap3A_277, %swap3A_278], %swap3A_281 {strides = array<i32>} : memref<80x128xf32, #tpu.memory_space<vmem>>, vector<1x16xf32>,
        %get3A_282 = arith.index_cast %scan3A_231 : i32 to index
        %get3A_283 = arith.constant 48 : index
        %get3A_284 = tpu.vector_load %arg19[%get3A_282, %get3A_283] {strides = array<i32>} : memref<80x128xf32, #tpu.memory_space<vmem>>, vector<1x16xf32>,
        %get3A_285 = vector.shape_cast %get3A_284 : vector<1x16xf32> to vector<16xf32>
        %get3A_286 = arith.index_cast %scan3A_231 : i32 to index
        %get3A_287 = arith.constant 48 : index
        %get3A_288 = tpu.vector_load %arg20[%get3A_286, %get3A_287] {strides = array<i32>} : memref<80x128xf32, #tpu.memory_space<vmem>>, vector<1x16xf32>,
        %get3A_289 = vector.shape_cast %get3A_288 : vector<1x16xf32> to vector<16xf32>
        %add3A_290 = arith.addf %get3A_285, %get3A_289 : vector<16xf32>
        %max3A_291 = arith.constant 0.000000e+00 : f32
        %max3A_292 = vector.broadcast %max3A_291 : f32 to vector<16xf32>
        %max3A_293 = arith.maximumf %add3A_290, %max3A_292 : vector<16xf32>
        %swap3A_294 = arith.index_cast %scan3A_231 : i32 to index
        %swap3A_295 = arith.constant 48 : index
        %swap3A_296 = tpu.vector_load %arg20[%swap3A_294, %swap3A_295] {strides = array<i32>} : memref<80x128xf32, #tpu.memory_space<vmem>>, vector<1x16xf32>,
        %swap3A_297 = vector.shape_cast %swap3A_296 : vector<1x16xf32> to vector<16xf32>
        %swap3A_298 = vector.shape_cast %max3A_293 : vector<16xf32> to vector<1x16xf32>
        tpu.vector_store %arg20[%swap3A_294, %swap3A_295], %swap3A_298 {strides = array<i32>} : memref<80x128xf32, #tpu.memory_space<vmem>>, vector<1x16xf32>,
        %get3A_299 = arith.index_cast %scan3A_231 : i32 to index
        %get3A_300 = arith.constant 64 : index
        %get3A_301 = tpu.vector_load %arg19[%get3A_299, %get3A_300] {strides = array<i32>} : memref<80x128xf32, #tpu.memory_space<vmem>>, vector<1x16xf32>,
        %get3A_302 = vector.shape_cast %get3A_301 : vector<1x16xf32> to vector<16xf32>
        %get3A_303 = arith.index_cast %scan3A_231 : i32 to index
        %get3A_304 = arith.constant 64 : index
        %get3A_305 = tpu.vector_load %arg20[%get3A_303, %get3A_304] {strides = array<i32>} : memref<80x128xf32, #tpu.memory_space<vmem>>, vector<1x16xf32>,
        %get3A_306 = vector.shape_cast %get3A_305 : vector<1x16xf32> to vector<16xf32>
        %add3A_307 = arith.addf %get3A_302, %get3A_306 : vector<16xf32>
        %max3A_308 = arith.constant 0.000000e+00 : f32
        %max3A_309 = vector.broadcast %max3A_308 : f32 to vector<16xf32>
        %max3A_310 = arith.maximumf %add3A_307, %max3A_309 : vector<16xf32>
        %swap3A_311 = arith.index_cast %scan3A_231 : i32 to index
        %swap3A_312 = arith.constant 64 : index
        %swap3A_313 = tpu.vector_load %arg20[%swap3A_311, %swap3A_312] {strides = array<i32>} : memref<80x128xf32, #tpu.memory_space<vmem>>, vector<1x16xf32>,
        %swap3A_314 = vector.shape_cast %swap3A_313 : vector<1x16xf32> to vector<16xf32>
        %swap3A_315 = vector.shape_cast %max3A_310 : vector<16xf32> to vector<1x16xf32>
        tpu.vector_store %arg20[%swap3A_311, %swap3A_312], %swap3A_315 {strides = array<i32>} : memref<80x128xf32, #tpu.memory_space<vmem>>, vector<1x16xf32>,
        %get3A_316 = arith.index_cast %scan3A_231 : i32 to index
        %get3A_317 = arith.constant 80 : index
        %get3A_318 = tpu.vector_load %arg19[%get3A_316, %get3A_317] {strides = array<i32>} : memref<80x128xf32, #tpu.memory_space<vmem>>, vector<1x16xf32>,
        %get3A_319 = vector.shape_cast %get3A_318 : vector<1x16xf32> to vector<16xf32>
        %get3A_320 = arith.index_cast %scan3A_231 : i32 to index
        %get3A_321 = arith.constant 80 : index
        %get3A_322 = tpu.vector_load %arg20[%get3A_320, %get3A_321] {strides = array<i32>} : memref<80x128xf32, #tpu.memory_space<vmem>>, vector<1x16xf32>,
        %get3A_323 = vector.shape_cast %get3A_322 : vector<1x16xf32> to vector<16xf32>
        %add3A_324 = arith.addf %get3A_319, %get3A_323 : vector<16xf32>
        %max3A_325 = arith.constant 0.000000e+00 : f32
        %max3A_326 = vector.broadcast %max3A_325 : f32 to vector<16xf32>
        %max3A_327 = arith.maximumf %add3A_324, %max3A_326 : vector<16xf32>
        %swap3A_328 = arith.index_cast %scan3A_231 : i32 to index
        %swap3A_329 = arith.constant 80 : index
        %swap3A_330 = tpu.vector_load %arg20[%swap3A_328, %swap3A_329] {strides = array<i32>} : memref<80x128xf32, #tpu.memory_space<vmem>>, vector<1x16xf32>,
        %swap3A_331 = vector.shape_cast %swap3A_330 : vector<1x16xf32> to vector<16xf32>
        %swap3A_332 = vector.shape_cast %max3A_327 : vector<16xf32> to vector<1x16xf32>
        tpu.vector_store %arg20[%swap3A_328, %swap3A_329], %swap3A_332 {strides = array<i32>} : memref<80x128xf32, #tpu.memory_space<vmem>>, vector<1x16xf32>,
        %get3A_333 = arith.index_cast %scan3A_231 : i32 to index
        %get3A_334 = arith.constant 96 : index
        %get3A_335 = tpu.vector_load %arg19[%get3A_333, %get3A_334] {strides = array<i32>} : memref<80x128xf32, #tpu.memory_space<vmem>>, vector<1x16xf32>,
        %get3A_336 = vector.shape_cast %get3A_335 : vector<1x16xf32> to vector<16xf32>
        %get3A_337 = arith.index_cast %scan3A_231 : i32 to index
        %get3A_338 = arith.constant 96 : index
        %get3A_339 = tpu.vector_load %arg20[%get3A_337, %get3A_338] {strides = array<i32>} : memref<80x128xf32, #tpu.memory_space<vmem>>, vector<1x16xf32>,
        %get3A_340 = vector.shape_cast %get3A_339 : vector<1x16xf32> to vector<16xf32>
        %add3A_341 = arith.addf %get3A_336, %get3A_340 : vector<16xf32>
        %max3A_342 = arith.constant 0.000000e+00 : f32
        %max3A_343 = vector.broadcast %max3A_342 : f32 to vector<16xf32>
        %max3A_344 = arith.maximumf %add3A_341, %max3A_343 : vector<16xf32>
        %swap3A_345 = arith.index_cast %scan3A_231 : i32 to index
        %swap3A_346 = arith.constant 96 : index
        %swap3A_347 = tpu.vector_load %arg20[%swap3A_345, %swap3A_346] {strides = array<i32>} : memref<80x128xf32, #tpu.memory_space<vmem>>, vector<1x16xf32>,
        %swap3A_348 = vector.shape_cast %swap3A_347 : vector<1x16xf32> to vector<16xf32>
        %swap3A_349 = vector.shape_cast %max3A_344 : vector<16xf32> to vector<1x16xf32>
        tpu.vector_store %arg20[%swap3A_345, %swap3A_346], %swap3A_349 {strides = array<i32>} : memref<80x128xf32, #tpu.memory_space<vmem>>, vector<1x16xf32>,
        %get3A_350 = arith.index_cast %scan3A_231 : i32 to index
        %get3A_351 = arith.constant 112 : index
        %get3A_352 = tpu.vector_load %arg19[%get3A_350, %get3A_351] {strides = array<i32>} : memref<80x128xf32, #tpu.memory_space<vmem>>, vector<1x16xf32>,
        %get3A_353 = vector.shape_cast %get3A_352 : vector<1x16xf32> to vector<16xf32>
        %get3A_354 = arith.index_cast %scan3A_231 : i32 to index
        %get3A_355 = arith.constant 112 : index
        %get3A_356 = tpu.vector_load %arg20[%get3A_354, %get3A_355] {strides = array<i32>} : memref<80x128xf32, #tpu.memory_space<vmem>>, vector<1x16xf32>,
        %get3A_357 = vector.shape_cast %get3A_356 : vector<1x16xf32> to vector<16xf32>
        %add3A_358 = arith.addf %get3A_353, %get3A_357 : vector<16xf32>
        %max3A_359 = arith.constant 0.000000e+00 : f32
        %max3A_360 = vector.broadcast %max3A_359 : f32 to vector<16xf32>
        %max3A_361 = arith.maximumf %add3A_358, %max3A_360 : vector<16xf32>
        %swap3A_362 = arith.index_cast %scan3A_231 : i32 to index
        %swap3A_363 = arith.constant 112 : index
        %swap3A_364 = tpu.vector_load %arg20[%swap3A_362, %swap3A_363] {strides = array<i32>} : memref<80x128xf32, #tpu.memory_space<vmem>>, vector<1x16xf32>,
        %swap3A_365 = vector.shape_cast %swap3A_364 : vector<1x16xf32> to vector<16xf32>
        %swap3A_366 = vector.shape_cast %max3A_361 : vector<16xf32> to vector<1x16xf32>
        tpu.vector_store %arg20[%swap3A_362, %swap3A_363], %swap3A_366 {strides = array<i32>} : memref<80x128xf32, #tpu.memory_space<vmem>>, vector<1x16xf32>,
      }
      %scan3A_220 = arith.constant 80 : i32
      %dma_start3A_221 = arith.constant 0 : i32
      %dma_start3A_222 = arith.constant 0 : i32
      %dma_start3A_223 = tpu.memref_slice %arg21[%dma_start3A_221, %dma_start3A_222] : memref<10000x128xf32, #tpu.memory_space<vmem_shared>> -> memref<10000x128xf32, #tpu.memory_space<vmem_shared>>
      tpu.enqueue_indirect_dma source(%arg20 : memref<80x128xf32, #tpu.memory_space<vmem>>) target(%dma_start3A_223 : memref<10000x128xf32, #tpu.memory_space<vmem_shared>>) offsets(%arg18 : memref<80xi32, #tpu.memory_space<vmem>>) semaphore(%arg27 : memref<!tpu.dma_semaphore, #tpu.memory_space<semaphore_mem>>) {add = true}
      %add3A_224 = arith.constant 2 : i32
      %add3A_225 = arith.addi %add3A_201, %add3A_224 : i32
      %lt3A_226 = arith.constant 250 : i32
      %lt3A_227 = arith.cmpi slt, %add3A_225, %lt3A_226 : i32
      %convert_element_type3A_228 = arith.extui %lt3A_227 : i1 to i32
      %cond3A_229 = arith.constant 0 : i32
      %cond3A_230 = arith.cmpi ne, %convert_element_type3A_228, %cond3A_229 : i32
      scf.if %cond3A_230 {
        %add3A_231 = arith.constant 2 : i32
        %add3A_232 = arith.addi %add3A_201, %add3A_231 : i32
        %mul3A_233 = arith.constant 20000 : i32
        %mul3A_234 = arith.muli %arg1, %mul3A_233 : i32
        %mul3A_235 = arith.constant 80 : i32
        %mul3A_236 = arith.muli %add3A_232, %mul3A_235 : i32
        %add3A_237 = arith.addi %mul3A_234, %mul3A_236 : i32
        %dma_start3A_238 = tpu.memref_slice %arg2[%add3A_237] : memref<320000xi32, #tpu.memory_space<hbm>> -> memref<80xi32, #tpu.memory_space<hbm>>
        %dma_start3A_239 = tpu.memref_slice %arg2[%add3A_237] : memref<320000xi32, #tpu.memory_space<hbm>> -> memref<80xi32, #tpu.memory_space<hbm>>
        tpu.enqueue_dma source(%dma_start3A_239 : memref<80xi32, #tpu.memory_space<hbm>>) target(%arg14 : memref<80xi32, #tpu.memory_space<vmem>>) target_semaphore(%arg25 : memref<!tpu.dma_semaphore, #tpu.memory_space<semaphore_mem>>)
        %dma_start3A_240 = tpu.memref_slice %arg3[%add3A_237] : memref<320000xi32, #tpu.memory_space<hbm>> -> memref<80xi32, #tpu.memory_space<hbm>>
        %dma_start3A_241 = tpu.memref_slice %arg3[%add3A_237] : memref<320000xi32, #tpu.memory_space<hbm>> -> memref<80xi32, #tpu.memory_space<hbm>>
        tpu.enqueue_dma source(%dma_start3A_241 : memref<80xi32, #tpu.memory_space<hbm>>) target(%arg15 : memref<80xi32, #tpu.memory_space<vmem>>) target_semaphore(%arg25 : memref<!tpu.dma_semaphore, #tpu.memory_space<semaphore_mem>>)
      } else {
      }
    }
    %scan3A_153 = arith.constant 125 : i32
    %dma_wait3A_154 = arith.constant 0 : i32
    %dma_wait3A_155 = arith.constant 0 : i32
    %dma_wait3A_156 = tpu.memref_slice %arg21[%dma_wait3A_154, %dma_wait3A_155] : memref<10000x128xf32, #tpu.memory_space<vmem_shared>> -> memref<10000x128xf32, #tpu.memory_space<vmem_shared>>
    tpu.wait_indirect_dma semaphore(%arg24 : memref<!tpu.dma_semaphore, #tpu.memory_space<semaphore_mem>>) src(%arg13 : memref<80x128xf32, #tpu.memory_space<vmem>>) dst(%dma_wait3A_156 : memref<10000x128xf32, #tpu.memory_space<vmem_shared>>)
    %dma_wait3A_157 = arith.constant 0 : i32
    %dma_wait3A_158 = arith.constant 0 : i32
    %dma_wait3A_159 = tpu.memref_slice %arg21[%dma_wait3A_157, %dma_wait3A_158] : memref<10000x128xf32, #tpu.memory_space<vmem_shared>> -> memref<10000x128xf32, #tpu.memory_space<vmem_shared>>
    tpu.wait_indirect_dma semaphore(%arg27 : memref<!tpu.dma_semaphore, #tpu.memory_space<semaphore_mem>>) src(%arg20 : memref<80x128xf32, #tpu.memory_space<vmem>>) dst(%dma_wait3A_159 : memref<10000x128xf32, #tpu.memory_space<vmem_shared>>)
    %barrier3A_160 = arith.constant 0 : index
    tpu.barrier barrier_id(%barrier3A_160)
    %scan3A_161 = arith.constant 0 : i32
    %scan3A_162 = arith.constant 0 : i32
    %scan3A_163 = arith.constant 8 : i32
    %scan3A_164 = arith.addi %scan3A_162, %scan3A_163 : i32
    %scan3A_165 = arith.constant 1 : i32
    scf.for %scan3A_167 = %scan3A_162 to %scan3A_164 step %scan3A_165  : i32 {
      %mul3A_168 = arith.constant 16 : i32
      %mul3A_169 = arith.muli %mul3A_168, %scan3A_167 : i32
      %add3A_170 = arith.addi %arg1, %mul3A_169 : i32
      %lt3A = arith.constant 125 : i32
      %lt3A_171 = arith.cmpi slt, %add3A_170, %lt3A : i32
      %convert_element_type3A = arith.extui %lt3A_171 : i1 to i32
      %cond3A = arith.constant 0 : i32
      %cond3A_172 = arith.cmpi ne, %convert_element_type3A, %cond3A : i32
      scf.if %cond3A_172 {
        %mul3A_173 = arith.constant 80 : i32
        %mul3A_174 = arith.muli %add3A_170, %mul3A_173 : i32
        %add3A_175 = arith.addi %mul3A_0, %mul3A_174 : i32
        "tpu.region"() ({
          %run_scoped3A = tpu.sem_alloc : memref<!tpu.dma_semaphore, #tpu.memory_space<semaphore_mem>>
          %dma_start3A_176 = arith.constant 0 : i32
          %dma_start3A_177 = tpu.memref_slice %arg6[%add3A_175, %dma_start3A_176] : memref<20000x128xf32, #tpu.memory_space<hbm>> -> memref<80x128xf32, #tpu.memory_space<hbm>>
          %dma_start3A_178 = arith.constant 0 : i32
          %dma_start3A_179 = tpu.memref_slice %arg21[%mul3A_174, %dma_start3A_178] : memref<10000x128xf32, #tpu.memory_space<vmem_shared>> -> memref<80x128xf32, #tpu.memory_space<vmem_shared>>
          tpu.enqueue_dma source(%dma_start3A_179 : memref<80x128xf32, #tpu.memory_space<vmem_shared>>) target(%dma_start3A_177 : memref<80x128xf32, #tpu.memory_space<hbm>>) target_semaphore(%run_scoped3A : memref<!tpu.dma_semaphore, #tpu.memory_space<semaphore_mem>>)
          %dma_wait3A_180 = arith.constant 0 : i32
          %dma_wait3A_181 = tpu.memref_slice %arg6[%add3A_175, %dma_wait3A_180] : memref<20000x128xf32, #tpu.memory_space<hbm>> -> memref<80x128xf32, #tpu.memory_space<hbm>>
          %dma_wait3A_182 = arith.constant 0 : i32
          %dma_wait3A_183 = tpu.memref_slice %arg21[%mul3A_174, %dma_wait3A_182] : memref<10000x128xf32, #tpu.memory_space<vmem_shared>> -> memref<80x128xf32, #tpu.memory_space<vmem_shared>>
          tpu.wait_dma2 semaphore(%run_scoped3A : memref<!tpu.dma_semaphore, #tpu.memory_space<semaphore_mem>>) src(%dma_wait3A_183 : memref<80x128xf32, #tpu.memory_space<vmem_shared>>) dst(%dma_wait3A_181 : memref<80x128xf32, #tpu.memory_space<hbm>>)
          tpu.yield
        }) : () -> ()
      } else {
      }
    }
    %scan3A_166 = arith.constant 8 : i32
    return
  }
}

#map = affine_map<(d0, d1) -> (0)>
#map1 = affine_map<(d0, d1) -> (0, 0)>
module attributes {stable_mosaic.version = 14 : i64} {
  func.func @_sc_agg_body(%arg0: i32, %arg1: i32, %arg2: memref<320000xi32, #tpu.memory_space<hbm>>, %arg3: memref<320000xi32, #tpu.memory_space<hbm>>, %arg4: memref<10000x128xf32, #tpu.memory_space<hbm>>, %arg5: memref<20000x128xf32, #tpu.memory_space<hbm>>, %arg6: memref<80xi32, #tpu.memory_space<vmem>>, %arg7: memref<80xi32, #tpu.memory_space<vmem>>, %arg8: memref<80xi32, #tpu.memory_space<vmem>>, %arg9: memref<80x128xf32, #tpu.memory_space<vmem>>, %arg10: memref<80xi32, #tpu.memory_space<vmem>>, %arg11: memref<80xi32, #tpu.memory_space<vmem>>, %arg12: memref<80xi32, #tpu.memory_space<vmem>>, %arg13: memref<80x128xf32, #tpu.memory_space<vmem>>, %arg14: memref<10000x128xf32, #tpu.memory_space<vmem_shared>>, %arg15: memref<!tpu.dma_semaphore, #tpu.memory_space<semaphore_mem>>, %arg16: memref<!tpu.dma_semaphore, #tpu.memory_space<semaphore_mem>>, %arg17: memref<!tpu.dma_semaphore, #tpu.memory_space<semaphore_mem>>, %arg18: memref<!tpu.dma_semaphore, #tpu.memory_space<semaphore_mem>>, %arg19: memref<!tpu.dma_semaphore, #tpu.memory_space<semaphore_mem>>, %arg20: memref<!tpu.dma_semaphore, #tpu.memory_space<semaphore_mem>>) attributes {dimension_semantics = [#tpu.dimension_semantics<core_parallel>, #tpu.dimension_semantics<subcore_parallel>], iteration_bounds = array<i64: 2, 16>, scalar_prefetch = 0 : i64, scratch_operands = 15 : i64, tpu.core_type = #tpu.core_type<sc_vector_subcore>, window_params = [{transform_indices = #map}, {transform_indices = #map}, {transform_indices = #map1}, {transform_indices = #map1}]} {
    %mul3A = arith.constant 10000 : i32
    %mul3A_0 = arith.muli %arg0, %mul3A : i32
    %broadcast_in_dim3A = arith.constant 0.000000e+00 : f32
    %broadcast_in_dim3A_1 = vector.broadcast %broadcast_in_dim3A : f32 to vector<16xf32>
    %scan3A = arith.constant 0 : i32
    %scan3A_2 = arith.constant 0 : i32
    %scan3A_3 = arith.constant 80 : i32
    %scan3A_4 = arith.addi %scan3A_2, %scan3A_3 : i32
    %scan3A_5 = arith.constant 1 : i32
    scf.for %scan3A_104 = %scan3A_2 to %scan3A_4 step %scan3A_5  : i32 {
      %swap3A_105 = arith.index_cast %scan3A_104 : i32 to index
      %swap3A_106 = arith.constant 0 : index
      %swap3A_107 = tpu.vector_load %arg9[%swap3A_105, %swap3A_106] {strides = array<i32>} : memref<80x128xf32, #tpu.memory_space<vmem>>, vector<1x16xf32>,
      %swap3A_108 = vector.shape_cast %swap3A_107 : vector<1x16xf32> to vector<16xf32>
      %swap3A_109 = vector.shape_cast %broadcast_in_dim3A_1 : vector<16xf32> to vector<1x16xf32>
      tpu.vector_store %arg9[%swap3A_105, %swap3A_106], %swap3A_109 {strides = array<i32>} : memref<80x128xf32, #tpu.memory_space<vmem>>, vector<1x16xf32>,
      %swap3A_110 = arith.index_cast %scan3A_104 : i32 to index
      %swap3A_111 = arith.constant 16 : index
      %swap3A_112 = tpu.vector_load %arg9[%swap3A_110, %swap3A_111] {strides = array<i32>} : memref<80x128xf32, #tpu.memory_space<vmem>>, vector<1x16xf32>,
      %swap3A_113 = vector.shape_cast %swap3A_112 : vector<1x16xf32> to vector<16xf32>
      %swap3A_114 = vector.shape_cast %broadcast_in_dim3A_1 : vector<16xf32> to vector<1x16xf32>
      tpu.vector_store %arg9[%swap3A_110, %swap3A_111], %swap3A_114 {strides = array<i32>} : memref<80x128xf32, #tpu.memory_space<vmem>>, vector<1x16xf32>,
      %swap3A_115 = arith.index_cast %scan3A_104 : i32 to index
      %swap3A_116 = arith.constant 32 : index
      %swap3A_117 = tpu.vector_load %arg9[%swap3A_115, %swap3A_116] {strides = array<i32>} : memref<80x128xf32, #tpu.memory_space<vmem>>, vector<1x16xf32>,
      %swap3A_118 = vector.shape_cast %swap3A_117 : vector<1x16xf32> to vector<16xf32>
      %swap3A_119 = vector.shape_cast %broadcast_in_dim3A_1 : vector<16xf32> to vector<1x16xf32>
      tpu.vector_store %arg9[%swap3A_115, %swap3A_116], %swap3A_119 {strides = array<i32>} : memref<80x128xf32, #tpu.memory_space<vmem>>, vector<1x16xf32>,
      %swap3A_120 = arith.index_cast %scan3A_104 : i32 to index
      %swap3A_121 = arith.constant 48 : index
      %swap3A_122 = tpu.vector_load %arg9[%swap3A_120, %swap3A_121] {strides = array<i32>} : memref<80x128xf32, #tpu.memory_space<vmem>>, vector<1x16xf32>,
      %swap3A_123 = vector.shape_cast %swap3A_122 : vector<1x16xf32> to vector<16xf32>
      %swap3A_124 = vector.shape_cast %broadcast_in_dim3A_1 : vector<16xf32> to vector<1x16xf32>
      tpu.vector_store %arg9[%swap3A_120, %swap3A_121], %swap3A_124 {strides = array<i32>} : memref<80x128xf32, #tpu.memory_space<vmem>>, vector<1x16xf32>,
      %swap3A_125 = arith.index_cast %scan3A_104 : i32 to index
      %swap3A_126 = arith.constant 64 : index
      %swap3A_127 = tpu.vector_load %arg9[%swap3A_125, %swap3A_126] {strides = array<i32>} : memref<80x128xf32, #tpu.memory_space<vmem>>, vector<1x16xf32>,
      %swap3A_128 = vector.shape_cast %swap3A_127 : vector<1x16xf32> to vector<16xf32>
      %swap3A_129 = vector.shape_cast %broadcast_in_dim3A_1 : vector<16xf32> to vector<1x16xf32>
      tpu.vector_store %arg9[%swap3A_125, %swap3A_126], %swap3A_129 {strides = array<i32>} : memref<80x128xf32, #tpu.memory_space<vmem>>, vector<1x16xf32>,
      %swap3A_130 = arith.index_cast %scan3A_104 : i32 to index
      %swap3A_131 = arith.constant 80 : index
      %swap3A_132 = tpu.vector_load %arg9[%swap3A_130, %swap3A_131] {strides = array<i32>} : memref<80x128xf32, #tpu.memory_space<vmem>>, vector<1x16xf32>,
      %swap3A_133 = vector.shape_cast %swap3A_132 : vector<1x16xf32> to vector<16xf32>
      %swap3A_134 = vector.shape_cast %broadcast_in_dim3A_1 : vector<16xf32> to vector<1x16xf32>
      tpu.vector_store %arg9[%swap3A_130, %swap3A_131], %swap3A_134 {strides = array<i32>} : memref<80x128xf32, #tpu.memory_space<vmem>>, vector<1x16xf32>,
      %swap3A_135 = arith.index_cast %scan3A_104 : i32 to index
      %swap3A_136 = arith.constant 96 : index
      %swap3A_137 = tpu.vector_load %arg9[%swap3A_135, %swap3A_136] {strides = array<i32>} : memref<80x128xf32, #tpu.memory_space<vmem>>, vector<1x16xf32>,
      %swap3A_138 = vector.shape_cast %swap3A_137 : vector<1x16xf32> to vector<16xf32>
      %swap3A_139 = vector.shape_cast %broadcast_in_dim3A_1 : vector<16xf32> to vector<1x16xf32>
      tpu.vector_store %arg9[%swap3A_135, %swap3A_136], %swap3A_139 {strides = array<i32>} : memref<80x128xf32, #tpu.memory_space<vmem>>, vector<1x16xf32>,
      %swap3A_140 = arith.index_cast %scan3A_104 : i32 to index
      %swap3A_141 = arith.constant 112 : index
      %swap3A_142 = tpu.vector_load %arg9[%swap3A_140, %swap3A_141] {strides = array<i32>} : memref<80x128xf32, #tpu.memory_space<vmem>>, vector<1x16xf32>,
      %swap3A_143 = vector.shape_cast %swap3A_142 : vector<1x16xf32> to vector<16xf32>
      %swap3A_144 = vector.shape_cast %broadcast_in_dim3A_1 : vector<16xf32> to vector<1x16xf32>
      tpu.vector_store %arg9[%swap3A_140, %swap3A_141], %swap3A_144 {strides = array<i32>} : memref<80x128xf32, #tpu.memory_space<vmem>>, vector<1x16xf32>,
    }
    %scan3A_6 = arith.constant 80 : i32
    %scan3A_7 = arith.constant 0 : i32
    %scan3A_8 = arith.constant 0 : i32
    %scan3A_9 = arith.constant 8 : i32
    %scan3A_10 = arith.addi %scan3A_8, %scan3A_9 : i32
    %scan3A_11 = arith.constant 1 : i32
    scf.for %scan3A_104 = %scan3A_8 to %scan3A_10 step %scan3A_11  : i32 {
      %mul3A_105 = arith.constant 16 : i32
      %mul3A_106 = arith.muli %mul3A_105, %scan3A_104 : i32
      %add3A_107 = arith.addi %arg1, %mul3A_106 : i32
      %lt3A = arith.constant 125 : i32
      %lt3A_108 = arith.cmpi slt, %add3A_107, %lt3A : i32
      %convert_element_type3A = arith.extui %lt3A_108 : i1 to i32
      %cond3A = arith.constant 0 : i32
      %cond3A_109 = arith.cmpi ne, %convert_element_type3A, %cond3A : i32
      scf.if %cond3A_109 {
        %mul3A_110 = arith.constant 80 : i32
        %mul3A_111 = arith.muli %add3A_107, %mul3A_110 : i32
        "tpu.region"() ({
          %run_scoped3A = tpu.sem_alloc : memref<!tpu.dma_semaphore, #tpu.memory_space<semaphore_mem>>
          %dma_start3A_112 = arith.constant 0 : i32
          %dma_start3A_113 = tpu.memref_slice %arg14[%mul3A_111, %dma_start3A_112] : memref<10000x128xf32, #tpu.memory_space<vmem_shared>> -> memref<80x128xf32, #tpu.memory_space<vmem_shared>>
          %dma_start3A_114 = arith.constant 0 : i32
          %dma_start3A_115 = tpu.memref_slice %arg14[%mul3A_111, %dma_start3A_114] : memref<10000x128xf32, #tpu.memory_space<vmem_shared>> -> memref<80x128xf32, #tpu.memory_space<vmem_shared>>
          tpu.enqueue_dma source(%arg9 : memref<80x128xf32, #tpu.memory_space<vmem>>) target(%dma_start3A_115 : memref<80x128xf32, #tpu.memory_space<vmem_shared>>) target_semaphore(%run_scoped3A : memref<!tpu.dma_semaphore, #tpu.memory_space<semaphore_mem>>)
          %dma_wait3A_116 = arith.constant 0 : i32
          %dma_wait3A_117 = tpu.memref_slice %arg14[%mul3A_111, %dma_wait3A_116] : memref<10000x128xf32, #tpu.memory_space<vmem_shared>> -> memref<80x128xf32, #tpu.memory_space<vmem_shared>>
          %dma_wait3A_118 = arith.constant 0 : i32
          %dma_wait3A_119 = tpu.memref_slice %arg14[%mul3A_111, %dma_wait3A_118] : memref<10000x128xf32, #tpu.memory_space<vmem_shared>> -> memref<80x128xf32, #tpu.memory_space<vmem_shared>>
          tpu.wait_dma2 semaphore(%run_scoped3A : memref<!tpu.dma_semaphore, #tpu.memory_space<semaphore_mem>>) src(%arg9 : memref<80x128xf32, #tpu.memory_space<vmem>>) dst(%dma_wait3A_119 : memref<80x128xf32, #tpu.memory_space<vmem_shared>>)
          tpu.yield
        }) : () -> ()
      } else {
      }
    }
    %scan3A_12 = arith.constant 8 : i32
    %barrier3A = arith.constant 0 : index
    tpu.barrier barrier_id(%barrier3A)
    %mul3A_13 = arith.constant 160000 : i32
    %mul3A_14 = arith.muli %arg0, %mul3A_13 : i32
    %mul3A_15 = arith.constant 10000 : i32
    %mul3A_16 = arith.muli %arg1, %mul3A_15 : i32
    %add3A = arith.addi %mul3A_14, %mul3A_16 : i32
    %add3A_17 = arith.constant 0 : i32
    %add3A_18 = arith.addi %add3A, %add3A_17 : i32
    %dma_start3A = tpu.memref_slice %arg2[%add3A_18] : memref<320000xi32, #tpu.memory_space<hbm>> -> memref<80xi32, #tpu.memory_space<hbm>>
    %dma_start3A_19 = tpu.memref_slice %arg2[%add3A_18] : memref<320000xi32, #tpu.memory_space<hbm>> -> memref<80xi32, #tpu.memory_space<hbm>>
    tpu.enqueue_dma source(%dma_start3A_19 : memref<80xi32, #tpu.memory_space<hbm>>) target(%arg6 : memref<80xi32, #tpu.memory_space<vmem>>) target_semaphore(%arg15 : memref<!tpu.dma_semaphore, #tpu.memory_space<semaphore_mem>>)
    %dma_start3A_20 = tpu.memref_slice %arg3[%add3A_18] : memref<320000xi32, #tpu.memory_space<hbm>> -> memref<80xi32, #tpu.memory_space<hbm>>
    %dma_start3A_21 = tpu.memref_slice %arg3[%add3A_18] : memref<320000xi32, #tpu.memory_space<hbm>> -> memref<80xi32, #tpu.memory_space<hbm>>
    tpu.enqueue_dma source(%dma_start3A_21 : memref<80xi32, #tpu.memory_space<hbm>>) target(%arg7 : memref<80xi32, #tpu.memory_space<vmem>>) target_semaphore(%arg15 : memref<!tpu.dma_semaphore, #tpu.memory_space<semaphore_mem>>)
    %mul3A_22 = arith.constant 160000 : i32
    %mul3A_23 = arith.muli %arg0, %mul3A_22 : i32
    %mul3A_24 = arith.constant 10000 : i32
    %mul3A_25 = arith.muli %arg1, %mul3A_24 : i32
    %add3A_26 = arith.addi %mul3A_23, %mul3A_25 : i32
    %add3A_27 = arith.constant 80 : i32
    %add3A_28 = arith.addi %add3A_26, %add3A_27 : i32
    %dma_start3A_29 = tpu.memref_slice %arg2[%add3A_28] : memref<320000xi32, #tpu.memory_space<hbm>> -> memref<80xi32, #tpu.memory_space<hbm>>
    %dma_start3A_30 = tpu.memref_slice %arg2[%add3A_28] : memref<320000xi32, #tpu.memory_space<hbm>> -> memref<80xi32, #tpu.memory_space<hbm>>
    tpu.enqueue_dma source(%dma_start3A_30 : memref<80xi32, #tpu.memory_space<hbm>>) target(%arg10 : memref<80xi32, #tpu.memory_space<vmem>>) target_semaphore(%arg18 : memref<!tpu.dma_semaphore, #tpu.memory_space<semaphore_mem>>)
    %dma_start3A_31 = tpu.memref_slice %arg3[%add3A_28] : memref<320000xi32, #tpu.memory_space<hbm>> -> memref<80xi32, #tpu.memory_space<hbm>>
    %dma_start3A_32 = tpu.memref_slice %arg3[%add3A_28] : memref<320000xi32, #tpu.memory_space<hbm>> -> memref<80xi32, #tpu.memory_space<hbm>>
    tpu.enqueue_dma source(%dma_start3A_32 : memref<80xi32, #tpu.memory_space<hbm>>) target(%arg11 : memref<80xi32, #tpu.memory_space<vmem>>) target_semaphore(%arg18 : memref<!tpu.dma_semaphore, #tpu.memory_space<semaphore_mem>>)
    %mul3A_33 = arith.constant 160000 : i32
    %mul3A_34 = arith.muli %arg0, %mul3A_33 : i32
    %mul3A_35 = arith.constant 10000 : i32
    %mul3A_36 = arith.muli %arg1, %mul3A_35 : i32
    %add3A_37 = arith.addi %mul3A_34, %mul3A_36 : i32
    %add3A_38 = arith.constant 0 : i32
    %add3A_39 = arith.addi %add3A_37, %add3A_38 : i32
    %dma_wait3A = tpu.memref_slice %arg2[%add3A_39] : memref<320000xi32, #tpu.memory_space<hbm>> -> memref<80xi32, #tpu.memory_space<hbm>>
    %dma_wait3A_40 = tpu.memref_slice %arg2[%add3A_39] : memref<320000xi32, #tpu.memory_space<hbm>> -> memref<80xi32, #tpu.memory_space<hbm>>
    tpu.wait_dma2 semaphore(%arg15 : memref<!tpu.dma_semaphore, #tpu.memory_space<semaphore_mem>>) src(%dma_wait3A_40 : memref<80xi32, #tpu.memory_space<hbm>>) dst(%arg6 : memref<80xi32, #tpu.memory_space<vmem>>)
    %dma_wait3A_41 = tpu.memref_slice %arg3[%add3A_39] : memref<320000xi32, #tpu.memory_space<hbm>> -> memref<80xi32, #tpu.memory_space<hbm>>
    %dma_wait3A_42 = tpu.memref_slice %arg3[%add3A_39] : memref<320000xi32, #tpu.memory_space<hbm>> -> memref<80xi32, #tpu.memory_space<hbm>>
    tpu.wait_dma2 semaphore(%arg15 : memref<!tpu.dma_semaphore, #tpu.memory_space<semaphore_mem>>) src(%dma_wait3A_42 : memref<80xi32, #tpu.memory_space<hbm>>) dst(%arg7 : memref<80xi32, #tpu.memory_space<vmem>>)
    %get3A = arith.constant 0 : index
    %get3A_43 = tpu.vector_load %arg7[%get3A] {strides = array<i32>} : memref<80xi32, #tpu.memory_space<vmem>>, vector<16xi32>,
    %get3A_44 = vector.shape_cast %get3A_43 : vector<16xi32> to vector<16xi32>
    %swap3A = arith.constant 0 : index
    %swap3A_45 = tpu.vector_load %arg8[%swap3A] {strides = array<i32>} : memref<80xi32, #tpu.memory_space<vmem>>, vector<16xi32>,
    %swap3A_46 = vector.shape_cast %swap3A_45 : vector<16xi32> to vector<16xi32>
    %swap3A_47 = vector.shape_cast %get3A_44 : vector<16xi32> to vector<16xi32>
    tpu.vector_store %arg8[%swap3A], %swap3A_47 {strides = array<i32>} : memref<80xi32, #tpu.memory_space<vmem>>, vector<16xi32>,
    %get3A_48 = arith.constant 16 : index
    %get3A_49 = tpu.vector_load %arg7[%get3A_48] {strides = array<i32>} : memref<80xi32, #tpu.memory_space<vmem>>, vector<16xi32>,
    %get3A_50 = vector.shape_cast %get3A_49 : vector<16xi32> to vector<16xi32>
    %swap3A_51 = arith.constant 16 : index
    %swap3A_52 = tpu.vector_load %arg8[%swap3A_51] {strides = array<i32>} : memref<80xi32, #tpu.memory_space<vmem>>, vector<16xi32>,
    %swap3A_53 = vector.shape_cast %swap3A_52 : vector<16xi32> to vector<16xi32>
    %swap3A_54 = vector.shape_cast %get3A_50 : vector<16xi32> to vector<16xi32>
    tpu.vector_store %arg8[%swap3A_51], %swap3A_54 {strides = array<i32>} : memref<80xi32, #tpu.memory_space<vmem>>, vector<16xi32>,
    %get3A_55 = arith.constant 32 : index
    %get3A_56 = tpu.vector_load %arg7[%get3A_55] {strides = array<i32>} : memref<80xi32, #tpu.memory_space<vmem>>, vector<16xi32>,
    %get3A_57 = vector.shape_cast %get3A_56 : vector<16xi32> to vector<16xi32>
    %swap3A_58 = arith.constant 32 : index
    %swap3A_59 = tpu.vector_load %arg8[%swap3A_58] {strides = array<i32>} : memref<80xi32, #tpu.memory_space<vmem>>, vector<16xi32>,
    %swap3A_60 = vector.shape_cast %swap3A_59 : vector<16xi32> to vector<16xi32>
    %swap3A_61 = vector.shape_cast %get3A_57 : vector<16xi32> to vector<16xi32>
    tpu.vector_store %arg8[%swap3A_58], %swap3A_61 {strides = array<i32>} : memref<80xi32, #tpu.memory_space<vmem>>, vector<16xi32>,
    %get3A_62 = arith.constant 48 : index
    %get3A_63 = tpu.vector_load %arg7[%get3A_62] {strides = array<i32>} : memref<80xi32, #tpu.memory_space<vmem>>, vector<16xi32>,
    %get3A_64 = vector.shape_cast %get3A_63 : vector<16xi32> to vector<16xi32>
    %swap3A_65 = arith.constant 48 : index
    %swap3A_66 = tpu.vector_load %arg8[%swap3A_65] {strides = array<i32>} : memref<80xi32, #tpu.memory_space<vmem>>, vector<16xi32>,
    %swap3A_67 = vector.shape_cast %swap3A_66 : vector<16xi32> to vector<16xi32>
    %swap3A_68 = vector.shape_cast %get3A_64 : vector<16xi32> to vector<16xi32>
    tpu.vector_store %arg8[%swap3A_65], %swap3A_68 {strides = array<i32>} : memref<80xi32, #tpu.memory_space<vmem>>, vector<16xi32>,
    %get3A_69 = arith.constant 64 : index
    %get3A_70 = tpu.vector_load %arg7[%get3A_69] {strides = array<i32>} : memref<80xi32, #tpu.memory_space<vmem>>, vector<16xi32>,
    %get3A_71 = vector.shape_cast %get3A_70 : vector<16xi32> to vector<16xi32>
    %swap3A_72 = arith.constant 64 : index
    %swap3A_73 = tpu.vector_load %arg8[%swap3A_72] {strides = array<i32>} : memref<80xi32, #tpu.memory_space<vmem>>, vector<16xi32>,
    %swap3A_74 = vector.shape_cast %swap3A_73 : vector<16xi32> to vector<16xi32>
    %swap3A_75 = vector.shape_cast %get3A_71 : vector<16xi32> to vector<16xi32>
    tpu.vector_store %arg8[%swap3A_72], %swap3A_75 {strides = array<i32>} : memref<80xi32, #tpu.memory_space<vmem>>, vector<16xi32>,
    %dma_start3A_76 = arith.constant 0 : i32
    %dma_start3A_77 = arith.constant 0 : i32
    %dma_start3A_78 = tpu.memref_slice %arg4[%dma_start3A_76, %dma_start3A_77] : memref<10000x128xf32, #tpu.memory_space<hbm>> -> memref<10000x128xf32, #tpu.memory_space<hbm>>
    tpu.enqueue_indirect_dma source(%dma_start3A_78 : memref<10000x128xf32, #tpu.memory_space<hbm>>) target(%arg9 : memref<80x128xf32, #tpu.memory_space<vmem>>) offsets(%arg6 : memref<80xi32, #tpu.memory_space<vmem>>) semaphore(%arg16 : memref<!tpu.dma_semaphore, #tpu.memory_space<semaphore_mem>>)
    %scan3A_79 = arith.constant 0 : i32
    %scan3A_80 = arith.constant 0 : i32
    %scan3A_81 = arith.constant 62 : i32
    %scan3A_82 = arith.addi %scan3A_80, %scan3A_81 : i32
    %scan3A_83 = arith.constant 1 : i32
    scf.for %scan3A_104 = %scan3A_80 to %scan3A_82 step %scan3A_83  : i32 {
      %mul3A_105 = arith.constant 2 : i32
      %mul3A_106 = arith.muli %mul3A_105, %scan3A_104 : i32
      %add3A_107 = arith.constant 0 : i32
      %add3A_108 = arith.addi %mul3A_106, %add3A_107 : i32
      %add3A_109 = arith.constant 1 : i32
      %add3A_110 = arith.addi %add3A_108, %add3A_109 : i32
      %lt3A = arith.constant 125 : i32
      %lt3A_111 = arith.cmpi slt, %add3A_110, %lt3A : i32
      %convert_element_type3A = arith.extui %lt3A_111 : i1 to i32
      %cond3A = arith.constant 0 : i32
      %cond3A_112 = arith.cmpi ne, %convert_element_type3A, %cond3A : i32
      scf.if %cond3A_112 {
        %add3A_150 = arith.constant 1 : i32
        %add3A_151 = arith.addi %add3A_108, %add3A_150 : i32
        %mul3A_152 = arith.constant 160000 : i32
        %mul3A_153 = arith.muli %arg0, %mul3A_152 : i32
        %mul3A_154 = arith.constant 10000 : i32
        %mul3A_155 = arith.muli %arg1, %mul3A_154 : i32
        %add3A_156 = arith.addi %mul3A_153, %mul3A_155 : i32
        %mul3A_157 = arith.constant 80 : i32
        %mul3A_158 = arith.muli %add3A_151, %mul3A_157 : i32
        %add3A_159 = arith.addi %add3A_156, %mul3A_158 : i32
        %dma_wait3A_160 = tpu.memref_slice %arg2[%add3A_159] : memref<320000xi32, #tpu.memory_space<hbm>> -> memref<80xi32, #tpu.memory_space<hbm>>
        %dma_wait3A_161 = tpu.memref_slice %arg2[%add3A_159] : memref<320000xi32, #tpu.memory_space<hbm>> -> memref<80xi32, #tpu.memory_space<hbm>>
        tpu.wait_dma2 semaphore(%arg18 : memref<!tpu.dma_semaphore, #tpu.memory_space<semaphore_mem>>) src(%dma_wait3A_161 : memref<80xi32, #tpu.memory_space<hbm>>) dst(%arg10 : memref<80xi32, #tpu.memory_space<vmem>>)
        %dma_wait3A_162 = tpu.memref_slice %arg3[%add3A_159] : memref<320000xi32, #tpu.memory_space<hbm>> -> memref<80xi32, #tpu.memory_space<hbm>>
        %dma_wait3A_163 = tpu.memref_slice %arg3[%add3A_159] : memref<320000xi32, #tpu.memory_space<hbm>> -> memref<80xi32, #tpu.memory_space<hbm>>
        tpu.wait_dma2 semaphore(%arg18 : memref<!tpu.dma_semaphore, #tpu.memory_space<semaphore_mem>>) src(%dma_wait3A_163 : memref<80xi32, #tpu.memory_space<hbm>>) dst(%arg11 : memref<80xi32, #tpu.memory_space<vmem>>)
        %ge3A = arith.constant 1 : i32
        %ge3A_164 = arith.cmpi sge, %add3A_108, %ge3A : i32
        %convert_element_type3A_165 = arith.extui %ge3A_164 : i1 to i32
        %cond3A_166 = arith.constant 0 : i32
        %cond3A_167 = arith.cmpi ne, %convert_element_type3A_165, %cond3A_166 : i32
        scf.if %cond3A_167 {
          %dma_wait3A_206 = arith.constant 0 : i32
          %dma_wait3A_207 = arith.constant 0 : i32
          %dma_wait3A_208 = tpu.memref_slice %arg14[%dma_wait3A_206, %dma_wait3A_207] : memref<10000x128xf32, #tpu.memory_space<vmem_shared>> -> memref<10000x128xf32, #tpu.memory_space<vmem_shared>>
          tpu.wait_indirect_dma semaphore(%arg20 : memref<!tpu.dma_semaphore, #tpu.memory_space<semaphore_mem>>) src(%arg13 : memref<80x128xf32, #tpu.memory_space<vmem>>) dst(%dma_wait3A_208 : memref<10000x128xf32, #tpu.memory_space<vmem_shared>>)
        } else {
        }
        %get3A_168 = arith.constant 0 : index
        %get3A_169 = tpu.vector_load %arg11[%get3A_168] {strides = array<i32>} : memref<80xi32, #tpu.memory_space<vmem>>, vector<16xi32>,
        %get3A_170 = vector.shape_cast %get3A_169 : vector<16xi32> to vector<16xi32>
        %swap3A_171 = arith.constant 0 : index
        %swap3A_172 = tpu.vector_load %arg12[%swap3A_171] {strides = array<i32>} : memref<80xi32, #tpu.memory_space<vmem>>, vector<16xi32>,
        %swap3A_173 = vector.shape_cast %swap3A_172 : vector<16xi32> to vector<16xi32>
        %swap3A_174 = vector.shape_cast %get3A_170 : vector<16xi32> to vector<16xi32>
        tpu.vector_store %arg12[%swap3A_171], %swap3A_174 {strides = array<i32>} : memref<80xi32, #tpu.memory_space<vmem>>, vector<16xi32>,
        %get3A_175 = arith.constant 16 : index
        %get3A_176 = tpu.vector_load %arg11[%get3A_175] {strides = array<i32>} : memref<80xi32, #tpu.memory_space<vmem>>, vector<16xi32>,
        %get3A_177 = vector.shape_cast %get3A_176 : vector<16xi32> to vector<16xi32>
        %swap3A_178 = arith.constant 16 : index
        %swap3A_179 = tpu.vector_load %arg12[%swap3A_178] {strides = array<i32>} : memref<80xi32, #tpu.memory_space<vmem>>, vector<16xi32>,
        %swap3A_180 = vector.shape_cast %swap3A_179 : vector<16xi32> to vector<16xi32>
        %swap3A_181 = vector.shape_cast %get3A_177 : vector<16xi32> to vector<16xi32>
        tpu.vector_store %arg12[%swap3A_178], %swap3A_181 {strides = array<i32>} : memref<80xi32, #tpu.memory_space<vmem>>, vector<16xi32>,
        %get3A_182 = arith.constant 32 : index
        %get3A_183 = tpu.vector_load %arg11[%get3A_182] {strides = array<i32>} : memref<80xi32, #tpu.memory_space<vmem>>, vector<16xi32>,
        %get3A_184 = vector.shape_cast %get3A_183 : vector<16xi32> to vector<16xi32>
        %swap3A_185 = arith.constant 32 : index
        %swap3A_186 = tpu.vector_load %arg12[%swap3A_185] {strides = array<i32>} : memref<80xi32, #tpu.memory_space<vmem>>, vector<16xi32>,
        %swap3A_187 = vector.shape_cast %swap3A_186 : vector<16xi32> to vector<16xi32>
        %swap3A_188 = vector.shape_cast %get3A_184 : vector<16xi32> to vector<16xi32>
        tpu.vector_store %arg12[%swap3A_185], %swap3A_188 {strides = array<i32>} : memref<80xi32, #tpu.memory_space<vmem>>, vector<16xi32>,
        %get3A_189 = arith.constant 48 : index
        %get3A_190 = tpu.vector_load %arg11[%get3A_189] {strides = array<i32>} : memref<80xi32, #tpu.memory_space<vmem>>, vector<16xi32>,
        %get3A_191 = vector.shape_cast %get3A_190 : vector<16xi32> to vector<16xi32>
        %swap3A_192 = arith.constant 48 : index
        %swap3A_193 = tpu.vector_load %arg12[%swap3A_192] {strides = array<i32>} : memref<80xi32, #tpu.memory_space<vmem>>, vector<16xi32>,
        %swap3A_194 = vector.shape_cast %swap3A_193 : vector<16xi32> to vector<16xi32>
        %swap3A_195 = vector.shape_cast %get3A_191 : vector<16xi32> to vector<16xi32>
        tpu.vector_store %arg12[%swap3A_192], %swap3A_195 {strides = array<i32>} : memref<80xi32, #tpu.memory_space<vmem>>, vector<16xi32>,
        %get3A_196 = arith.constant 64 : index
        %get3A_197 = tpu.vector_load %arg11[%get3A_196] {strides = array<i32>} : memref<80xi32, #tpu.memory_space<vmem>>, vector<16xi32>,
        %get3A_198 = vector.shape_cast %get3A_197 : vector<16xi32> to vector<16xi32>
        %swap3A_199 = arith.constant 64 : index
        %swap3A_200 = tpu.vector_load %arg12[%swap3A_199] {strides = array<i32>} : memref<80xi32, #tpu.memory_space<vmem>>, vector<16xi32>,
        %swap3A_201 = vector.shape_cast %swap3A_200 : vector<16xi32> to vector<16xi32>
        %swap3A_202 = vector.shape_cast %get3A_198 : vector<16xi32> to vector<16xi32>
        tpu.vector_store %arg12[%swap3A_199], %swap3A_202 {strides = array<i32>} : memref<80xi32, #tpu.memory_space<vmem>>, vector<16xi32>,
        %dma_start3A_203 = arith.constant 0 : i32
        %dma_start3A_204 = arith.constant 0 : i32
        %dma_start3A_205 = tpu.memref_slice %arg4[%dma_start3A_203, %dma_start3A_204] : memref<10000x128xf32, #tpu.memory_space<hbm>> -> memref<10000x128xf32, #tpu.memory_space<hbm>>
        tpu.enqueue_indirect_dma source(%dma_start3A_205 : memref<10000x128xf32, #tpu.memory_space<hbm>>) target(%arg13 : memref<80x128xf32, #tpu.memory_space<vmem>>) offsets(%arg10 : memref<80xi32, #tpu.memory_space<vmem>>) semaphore(%arg19 : memref<!tpu.dma_semaphore, #tpu.memory_space<semaphore_mem>>)
      } else {
      }
      %dma_wait3A_113 = arith.constant 0 : i32
      %dma_wait3A_114 = arith.constant 0 : i32
      %dma_wait3A_115 = tpu.memref_slice %arg4[%dma_wait3A_113, %dma_wait3A_114] : memref<10000x128xf32, #tpu.memory_space<hbm>> -> memref<10000x128xf32, #tpu.memory_space<hbm>>
      tpu.wait_indirect_dma semaphore(%arg16 : memref<!tpu.dma_semaphore, #tpu.memory_space<semaphore_mem>>) src(%dma_wait3A_115 : memref<10000x128xf32, #tpu.memory_space<hbm>>) dst(%arg9 : memref<80x128xf32, #tpu.memory_space<vmem>>)
      %dma_start3A_116 = arith.constant 0 : i32
      %dma_start3A_117 = arith.constant 0 : i32
      %dma_start3A_118 = tpu.memref_slice %arg14[%dma_start3A_116, %dma_start3A_117] : memref<10000x128xf32, #tpu.memory_space<vmem_shared>> -> memref<10000x128xf32, #tpu.memory_space<vmem_shared>>
      tpu.enqueue_indirect_dma source(%arg9 : memref<80x128xf32, #tpu.memory_space<vmem>>) target(%dma_start3A_118 : memref<10000x128xf32, #tpu.memory_space<vmem_shared>>) offsets(%arg8 : memref<80xi32, #tpu.memory_space<vmem>>) semaphore(%arg17 : memref<!tpu.dma_semaphore, #tpu.memory_space<semaphore_mem>>) {add = true}
      %add3A_119 = arith.constant 2 : i32
      %add3A_120 = arith.addi %add3A_108, %add3A_119 : i32
      %lt3A_121 = arith.constant 125 : i32
      %lt3A_122 = arith.cmpi slt, %add3A_120, %lt3A_121 : i32
      %convert_element_type3A_123 = arith.extui %lt3A_122 : i1 to i32
      %cond3A_124 = arith.constant 0 : i32
      %cond3A_125 = arith.cmpi ne, %convert_element_type3A_123, %cond3A_124 : i32
      scf.if %cond3A_125 {
        %add3A_150 = arith.constant 2 : i32
        %add3A_151 = arith.addi %add3A_108, %add3A_150 : i32
        %mul3A_152 = arith.constant 160000 : i32
        %mul3A_153 = arith.muli %arg0, %mul3A_152 : i32
        %mul3A_154 = arith.constant 10000 : i32
        %mul3A_155 = arith.muli %arg1, %mul3A_154 : i32
        %add3A_156 = arith.addi %mul3A_153, %mul3A_155 : i32
        %mul3A_157 = arith.constant 80 : i32
        %mul3A_158 = arith.muli %add3A_151, %mul3A_157 : i32
        %add3A_159 = arith.addi %add3A_156, %mul3A_158 : i32
        %dma_start3A_160 = tpu.memref_slice %arg2[%add3A_159] : memref<320000xi32, #tpu.memory_space<hbm>> -> memref<80xi32, #tpu.memory_space<hbm>>
        %dma_start3A_161 = tpu.memref_slice %arg2[%add3A_159] : memref<320000xi32, #tpu.memory_space<hbm>> -> memref<80xi32, #tpu.memory_space<hbm>>
        tpu.enqueue_dma source(%dma_start3A_161 : memref<80xi32, #tpu.memory_space<hbm>>) target(%arg6 : memref<80xi32, #tpu.memory_space<vmem>>) target_semaphore(%arg15 : memref<!tpu.dma_semaphore, #tpu.memory_space<semaphore_mem>>)
        %dma_start3A_162 = tpu.memref_slice %arg3[%add3A_159] : memref<320000xi32, #tpu.memory_space<hbm>> -> memref<80xi32, #tpu.memory_space<hbm>>
        %dma_start3A_163 = tpu.memref_slice %arg3[%add3A_159] : memref<320000xi32, #tpu.memory_space<hbm>> -> memref<80xi32, #tpu.memory_space<hbm>>
        tpu.enqueue_dma source(%dma_start3A_163 : memref<80xi32, #tpu.memory_space<hbm>>) target(%arg7 : memref<80xi32, #tpu.memory_space<vmem>>) target_semaphore(%arg15 : memref<!tpu.dma_semaphore, #tpu.memory_space<semaphore_mem>>)
      } else {
      }
      %mul3A_126 = arith.constant 2 : i32
      %mul3A_127 = arith.muli %mul3A_126, %scan3A_104 : i32
      %add3A_128 = arith.constant 1 : i32
      %add3A_129 = arith.addi %mul3A_127, %add3A_128 : i32
      %add3A_130 = arith.constant 1 : i32
      %add3A_131 = arith.addi %add3A_129, %add3A_130 : i32
      %lt3A_132 = arith.constant 125 : i32
      %lt3A_133 = arith.cmpi slt, %add3A_131, %lt3A_132 : i32
      %convert_element_type3A_134 = arith.extui %lt3A_133 : i1 to i32
      %cond3A_135 = arith.constant 0 : i32
      %cond3A_136 = arith.cmpi ne, %convert_element_type3A_134, %cond3A_135 : i32
      scf.if %cond3A_136 {
        %add3A_150 = arith.constant 1 : i32
        %add3A_151 = arith.addi %add3A_129, %add3A_150 : i32
        %mul3A_152 = arith.constant 160000 : i32
        %mul3A_153 = arith.muli %arg0, %mul3A_152 : i32
        %mul3A_154 = arith.constant 10000 : i32
        %mul3A_155 = arith.muli %arg1, %mul3A_154 : i32
        %add3A_156 = arith.addi %mul3A_153, %mul3A_155 : i32
        %mul3A_157 = arith.constant 80 : i32
        %mul3A_158 = arith.muli %add3A_151, %mul3A_157 : i32
        %add3A_159 = arith.addi %add3A_156, %mul3A_158 : i32
        %dma_wait3A_160 = tpu.memref_slice %arg2[%add3A_159] : memref<320000xi32, #tpu.memory_space<hbm>> -> memref<80xi32, #tpu.memory_space<hbm>>
        %dma_wait3A_161 = tpu.memref_slice %arg2[%add3A_159] : memref<320000xi32, #tpu.memory_space<hbm>> -> memref<80xi32, #tpu.memory_space<hbm>>
        tpu.wait_dma2 semaphore(%arg15 : memref<!tpu.dma_semaphore, #tpu.memory_space<semaphore_mem>>) src(%dma_wait3A_161 : memref<80xi32, #tpu.memory_space<hbm>>) dst(%arg6 : memref<80xi32, #tpu.memory_space<vmem>>)
        %dma_wait3A_162 = tpu.memref_slice %arg3[%add3A_159] : memref<320000xi32, #tpu.memory_space<hbm>> -> memref<80xi32, #tpu.memory_space<hbm>>
        %dma_wait3A_163 = tpu.memref_slice %arg3[%add3A_159] : memref<320000xi32, #tpu.memory_space<hbm>> -> memref<80xi32, #tpu.memory_space<hbm>>
        tpu.wait_dma2 semaphore(%arg15 : memref<!tpu.dma_semaphore, #tpu.memory_space<semaphore_mem>>) src(%dma_wait3A_163 : memref<80xi32, #tpu.memory_space<hbm>>) dst(%arg7 : memref<80xi32, #tpu.memory_space<vmem>>)
        %ge3A = arith.constant 1 : i32
        %ge3A_164 = arith.cmpi sge, %add3A_129, %ge3A : i32
        %convert_element_type3A_165 = arith.extui %ge3A_164 : i1 to i32
        %cond3A_166 = arith.constant 0 : i32
        %cond3A_167 = arith.cmpi ne, %convert_element_type3A_165, %cond3A_166 : i32
        scf.if %cond3A_167 {
          %dma_wait3A_206 = arith.constant 0 : i32
          %dma_wait3A_207 = arith.constant 0 : i32
          %dma_wait3A_208 = tpu.memref_slice %arg14[%dma_wait3A_206, %dma_wait3A_207] : memref<10000x128xf32, #tpu.memory_space<vmem_shared>> -> memref<10000x128xf32, #tpu.memory_space<vmem_shared>>
          tpu.wait_indirect_dma semaphore(%arg17 : memref<!tpu.dma_semaphore, #tpu.memory_space<semaphore_mem>>) src(%arg9 : memref<80x128xf32, #tpu.memory_space<vmem>>) dst(%dma_wait3A_208 : memref<10000x128xf32, #tpu.memory_space<vmem_shared>>)
        } else {
        }
        %get3A_168 = arith.constant 0 : index
        %get3A_169 = tpu.vector_load %arg7[%get3A_168] {strides = array<i32>} : memref<80xi32, #tpu.memory_space<vmem>>, vector<16xi32>,
        %get3A_170 = vector.shape_cast %get3A_169 : vector<16xi32> to vector<16xi32>
        %swap3A_171 = arith.constant 0 : index
        %swap3A_172 = tpu.vector_load %arg8[%swap3A_171] {strides = array<i32>} : memref<80xi32, #tpu.memory_space<vmem>>, vector<16xi32>,
        %swap3A_173 = vector.shape_cast %swap3A_172 : vector<16xi32> to vector<16xi32>
        %swap3A_174 = vector.shape_cast %get3A_170 : vector<16xi32> to vector<16xi32>
        tpu.vector_store %arg8[%swap3A_171], %swap3A_174 {strides = array<i32>} : memref<80xi32, #tpu.memory_space<vmem>>, vector<16xi32>,
        %get3A_175 = arith.constant 16 : index
        %get3A_176 = tpu.vector_load %arg7[%get3A_175] {strides = array<i32>} : memref<80xi32, #tpu.memory_space<vmem>>, vector<16xi32>,
        %get3A_177 = vector.shape_cast %get3A_176 : vector<16xi32> to vector<16xi32>
        %swap3A_178 = arith.constant 16 : index
        %swap3A_179 = tpu.vector_load %arg8[%swap3A_178] {strides = array<i32>} : memref<80xi32, #tpu.memory_space<vmem>>, vector<16xi32>,
        %swap3A_180 = vector.shape_cast %swap3A_179 : vector<16xi32> to vector<16xi32>
        %swap3A_181 = vector.shape_cast %get3A_177 : vector<16xi32> to vector<16xi32>
        tpu.vector_store %arg8[%swap3A_178], %swap3A_181 {strides = array<i32>} : memref<80xi32, #tpu.memory_space<vmem>>, vector<16xi32>,
        %get3A_182 = arith.constant 32 : index
        %get3A_183 = tpu.vector_load %arg7[%get3A_182] {strides = array<i32>} : memref<80xi32, #tpu.memory_space<vmem>>, vector<16xi32>,
        %get3A_184 = vector.shape_cast %get3A_183 : vector<16xi32> to vector<16xi32>
        %swap3A_185 = arith.constant 32 : index
        %swap3A_186 = tpu.vector_load %arg8[%swap3A_185] {strides = array<i32>} : memref<80xi32, #tpu.memory_space<vmem>>, vector<16xi32>,
        %swap3A_187 = vector.shape_cast %swap3A_186 : vector<16xi32> to vector<16xi32>
        %swap3A_188 = vector.shape_cast %get3A_184 : vector<16xi32> to vector<16xi32>
        tpu.vector_store %arg8[%swap3A_185], %swap3A_188 {strides = array<i32>} : memref<80xi32, #tpu.memory_space<vmem>>, vector<16xi32>,
        %get3A_189 = arith.constant 48 : index
        %get3A_190 = tpu.vector_load %arg7[%get3A_189] {strides = array<i32>} : memref<80xi32, #tpu.memory_space<vmem>>, vector<16xi32>,
        %get3A_191 = vector.shape_cast %get3A_190 : vector<16xi32> to vector<16xi32>
        %swap3A_192 = arith.constant 48 : index
        %swap3A_193 = tpu.vector_load %arg8[%swap3A_192] {strides = array<i32>} : memref<80xi32, #tpu.memory_space<vmem>>, vector<16xi32>,
        %swap3A_194 = vector.shape_cast %swap3A_193 : vector<16xi32> to vector<16xi32>
        %swap3A_195 = vector.shape_cast %get3A_191 : vector<16xi32> to vector<16xi32>
        tpu.vector_store %arg8[%swap3A_192], %swap3A_195 {strides = array<i32>} : memref<80xi32, #tpu.memory_space<vmem>>, vector<16xi32>,
        %get3A_196 = arith.constant 64 : index
        %get3A_197 = tpu.vector_load %arg7[%get3A_196] {strides = array<i32>} : memref<80xi32, #tpu.memory_space<vmem>>, vector<16xi32>,
        %get3A_198 = vector.shape_cast %get3A_197 : vector<16xi32> to vector<16xi32>
        %swap3A_199 = arith.constant 64 : index
        %swap3A_200 = tpu.vector_load %arg8[%swap3A_199] {strides = array<i32>} : memref<80xi32, #tpu.memory_space<vmem>>, vector<16xi32>,
        %swap3A_201 = vector.shape_cast %swap3A_200 : vector<16xi32> to vector<16xi32>
        %swap3A_202 = vector.shape_cast %get3A_198 : vector<16xi32> to vector<16xi32>
        tpu.vector_store %arg8[%swap3A_199], %swap3A_202 {strides = array<i32>} : memref<80xi32, #tpu.memory_space<vmem>>, vector<16xi32>,
        %dma_start3A_203 = arith.constant 0 : i32
        %dma_start3A_204 = arith.constant 0 : i32
        %dma_start3A_205 = tpu.memref_slice %arg4[%dma_start3A_203, %dma_start3A_204] : memref<10000x128xf32, #tpu.memory_space<hbm>> -> memref<10000x128xf32, #tpu.memory_space<hbm>>
        tpu.enqueue_indirect_dma source(%dma_start3A_205 : memref<10000x128xf32, #tpu.memory_space<hbm>>) target(%arg9 : memref<80x128xf32, #tpu.memory_space<vmem>>) offsets(%arg6 : memref<80xi32, #tpu.memory_space<vmem>>) semaphore(%arg16 : memref<!tpu.dma_semaphore, #tpu.memory_space<semaphore_mem>>)
      } else {
      }
      %dma_wait3A_137 = arith.constant 0 : i32
      %dma_wait3A_138 = arith.constant 0 : i32
      %dma_wait3A_139 = tpu.memref_slice %arg4[%dma_wait3A_137, %dma_wait3A_138] : memref<10000x128xf32, #tpu.memory_space<hbm>> -> memref<10000x128xf32, #tpu.memory_space<hbm>>
      tpu.wait_indirect_dma semaphore(%arg19 : memref<!tpu.dma_semaphore, #tpu.memory_space<semaphore_mem>>) src(%dma_wait3A_139 : memref<10000x128xf32, #tpu.memory_space<hbm>>) dst(%arg13 : memref<80x128xf32, #tpu.memory_space<vmem>>)
      %dma_start3A_140 = arith.constant 0 : i32
      %dma_start3A_141 = arith.constant 0 : i32
      %dma_start3A_142 = tpu.memref_slice %arg14[%dma_start3A_140, %dma_start3A_141] : memref<10000x128xf32, #tpu.memory_space<vmem_shared>> -> memref<10000x128xf32, #tpu.memory_space<vmem_shared>>
      tpu.enqueue_indirect_dma source(%arg13 : memref<80x128xf32, #tpu.memory_space<vmem>>) target(%dma_start3A_142 : memref<10000x128xf32, #tpu.memory_space<vmem_shared>>) offsets(%arg12 : memref<80xi32, #tpu.memory_space<vmem>>) semaphore(%arg20 : memref<!tpu.dma_semaphore, #tpu.memory_space<semaphore_mem>>) {add = true}
      %add3A_143 = arith.constant 2 : i32
      %add3A_144 = arith.addi %add3A_129, %add3A_143 : i32
      %lt3A_145 = arith.constant 125 : i32
      %lt3A_146 = arith.cmpi slt, %add3A_144, %lt3A_145 : i32
      %convert_element_type3A_147 = arith.extui %lt3A_146 : i1 to i32
      %cond3A_148 = arith.constant 0 : i32
      %cond3A_149 = arith.cmpi ne, %convert_element_type3A_147, %cond3A_148 : i32
      scf.if %cond3A_149 {
        %add3A_150 = arith.constant 2 : i32
        %add3A_151 = arith.addi %add3A_129, %add3A_150 : i32
        %mul3A_152 = arith.constant 160000 : i32
        %mul3A_153 = arith.muli %arg0, %mul3A_152 : i32
        %mul3A_154 = arith.constant 10000 : i32
        %mul3A_155 = arith.muli %arg1, %mul3A_154 : i32
        %add3A_156 = arith.addi %mul3A_153, %mul3A_155 : i32
        %mul3A_157 = arith.constant 80 : i32
        %mul3A_158 = arith.muli %add3A_151, %mul3A_157 : i32
        %add3A_159 = arith.addi %add3A_156, %mul3A_158 : i32
        %dma_start3A_160 = tpu.memref_slice %arg2[%add3A_159] : memref<320000xi32, #tpu.memory_space<hbm>> -> memref<80xi32, #tpu.memory_space<hbm>>
        %dma_start3A_161 = tpu.memref_slice %arg2[%add3A_159] : memref<320000xi32, #tpu.memory_space<hbm>> -> memref<80xi32, #tpu.memory_space<hbm>>
        tpu.enqueue_dma source(%dma_start3A_161 : memref<80xi32, #tpu.memory_space<hbm>>) target(%arg10 : memref<80xi32, #tpu.memory_space<vmem>>) target_semaphore(%arg18 : memref<!tpu.dma_semaphore, #tpu.memory_space<semaphore_mem>>)
        %dma_start3A_162 = tpu.memref_slice %arg3[%add3A_159] : memref<320000xi32, #tpu.memory_space<hbm>> -> memref<80xi32, #tpu.memory_space<hbm>>
        %dma_start3A_163 = tpu.memref_slice %arg3[%add3A_159] : memref<320000xi32, #tpu.memory_space<hbm>> -> memref<80xi32, #tpu.memory_space<hbm>>
        tpu.enqueue_dma source(%dma_start3A_163 : memref<80xi32, #tpu.memory_space<hbm>>) target(%arg11 : memref<80xi32, #tpu.memory_space<vmem>>) target_semaphore(%arg18 : memref<!tpu.dma_semaphore, #tpu.memory_space<semaphore_mem>>)
      } else {
      }
    }
    %scan3A_84 = arith.constant 62 : i32
    %dma_wait3A_85 = arith.constant 0 : i32
    %dma_wait3A_86 = arith.constant 0 : i32
    %dma_wait3A_87 = tpu.memref_slice %arg4[%dma_wait3A_85, %dma_wait3A_86] : memref<10000x128xf32, #tpu.memory_space<hbm>> -> memref<10000x128xf32, #tpu.memory_space<hbm>>
    tpu.wait_indirect_dma semaphore(%arg16 : memref<!tpu.dma_semaphore, #tpu.memory_space<semaphore_mem>>) src(%dma_wait3A_87 : memref<10000x128xf32, #tpu.memory_space<hbm>>) dst(%arg9 : memref<80x128xf32, #tpu.memory_space<vmem>>)
    %dma_start3A_88 = arith.constant 0 : i32
    %dma_start3A_89 = arith.constant 0 : i32
    %dma_start3A_90 = tpu.memref_slice %arg14[%dma_start3A_88, %dma_start3A_89] : memref<10000x128xf32, #tpu.memory_space<vmem_shared>> -> memref<10000x128xf32, #tpu.memory_space<vmem_shared>>
    tpu.enqueue_indirect_dma source(%arg9 : memref<80x128xf32, #tpu.memory_space<vmem>>) target(%dma_start3A_90 : memref<10000x128xf32, #tpu.memory_space<vmem_shared>>) offsets(%arg8 : memref<80xi32, #tpu.memory_space<vmem>>) semaphore(%arg17 : memref<!tpu.dma_semaphore, #tpu.memory_space<semaphore_mem>>) {add = true}
    %dma_wait3A_91 = arith.constant 0 : i32
    %dma_wait3A_92 = arith.constant 0 : i32
    %dma_wait3A_93 = tpu.memref_slice %arg14[%dma_wait3A_91, %dma_wait3A_92] : memref<10000x128xf32, #tpu.memory_space<vmem_shared>> -> memref<10000x128xf32, #tpu.memory_space<vmem_shared>>
    tpu.wait_indirect_dma semaphore(%arg20 : memref<!tpu.dma_semaphore, #tpu.memory_space<semaphore_mem>>) src(%arg13 : memref<80x128xf32, #tpu.memory_space<vmem>>) dst(%dma_wait3A_93 : memref<10000x128xf32, #tpu.memory_space<vmem_shared>>)
    %dma_wait3A_94 = arith.constant 0 : i32
    %dma_wait3A_95 = arith.constant 0 : i32
    %dma_wait3A_96 = tpu.memref_slice %arg14[%dma_wait3A_94, %dma_wait3A_95] : memref<10000x128xf32, #tpu.memory_space<vmem_shared>> -> memref<10000x128xf32, #tpu.memory_space<vmem_shared>>
    tpu.wait_indirect_dma semaphore(%arg17 : memref<!tpu.dma_semaphore, #tpu.memory_space<semaphore_mem>>) src(%arg9 : memref<80x128xf32, #tpu.memory_space<vmem>>) dst(%dma_wait3A_96 : memref<10000x128xf32, #tpu.memory_space<vmem_shared>>)
    %barrier3A_97 = arith.constant 0 : index
    tpu.barrier barrier_id(%barrier3A_97)
    %scan3A_98 = arith.constant 0 : i32
    %scan3A_99 = arith.constant 0 : i32
    %scan3A_100 = arith.constant 8 : i32
    %scan3A_101 = arith.addi %scan3A_99, %scan3A_100 : i32
    %scan3A_102 = arith.constant 1 : i32
    scf.for %scan3A_104 = %scan3A_99 to %scan3A_101 step %scan3A_102  : i32 {
      %mul3A_105 = arith.constant 16 : i32
      %mul3A_106 = arith.muli %mul3A_105, %scan3A_104 : i32
      %add3A_107 = arith.addi %arg1, %mul3A_106 : i32
      %lt3A = arith.constant 125 : i32
      %lt3A_108 = arith.cmpi slt, %add3A_107, %lt3A : i32
      %convert_element_type3A = arith.extui %lt3A_108 : i1 to i32
      %cond3A = arith.constant 0 : i32
      %cond3A_109 = arith.cmpi ne, %convert_element_type3A, %cond3A : i32
      scf.if %cond3A_109 {
        %mul3A_110 = arith.constant 80 : i32
        %mul3A_111 = arith.muli %add3A_107, %mul3A_110 : i32
        %add3A_112 = arith.addi %mul3A_0, %mul3A_111 : i32
        "tpu.region"() ({
          %run_scoped3A = tpu.sem_alloc : memref<!tpu.dma_semaphore, #tpu.memory_space<semaphore_mem>>
          %dma_start3A_113 = arith.constant 0 : i32
          %dma_start3A_114 = tpu.memref_slice %arg5[%add3A_112, %dma_start3A_113] : memref<20000x128xf32, #tpu.memory_space<hbm>> -> memref<80x128xf32, #tpu.memory_space<hbm>>
          %dma_start3A_115 = arith.constant 0 : i32
          %dma_start3A_116 = tpu.memref_slice %arg14[%mul3A_111, %dma_start3A_115] : memref<10000x128xf32, #tpu.memory_space<vmem_shared>> -> memref<80x128xf32, #tpu.memory_space<vmem_shared>>
          tpu.enqueue_dma source(%dma_start3A_116 : memref<80x128xf32, #tpu.memory_space<vmem_shared>>) target(%dma_start3A_114 : memref<80x128xf32, #tpu.memory_space<hbm>>) target_semaphore(%run_scoped3A : memref<!tpu.dma_semaphore, #tpu.memory_space<semaphore_mem>>)
          %dma_wait3A_117 = arith.constant 0 : i32
          %dma_wait3A_118 = tpu.memref_slice %arg5[%add3A_112, %dma_wait3A_117] : memref<20000x128xf32, #tpu.memory_space<hbm>> -> memref<80x128xf32, #tpu.memory_space<hbm>>
          %dma_wait3A_119 = arith.constant 0 : i32
          %dma_wait3A_120 = tpu.memref_slice %arg14[%mul3A_111, %dma_wait3A_119] : memref<10000x128xf32, #tpu.memory_space<vmem_shared>> -> memref<80x128xf32, #tpu.memory_space<vmem_shared>>
          tpu.wait_dma2 semaphore(%run_scoped3A : memref<!tpu.dma_semaphore, #tpu.memory_space<semaphore_mem>>) src(%dma_wait3A_120 : memref<80x128xf32, #tpu.memory_space<vmem_shared>>) dst(%dma_wait3A_118 : memref<80x128xf32, #tpu.memory_space<hbm>>)
          tpu.yield
        }) : () -> ()
      } else {
      }
    }
    %scan3A_103 = arith.constant 8 : i32
    return
  }
}

module attributes {stable_mosaic.version = 14 : i64} {
  func.func @_prep_body(%arg0: i32, %arg1: i32, %arg2: memref<1000x128xf32, #tpu.memory_space<vmem>>, %arg3: memref<256x128xf32, #tpu.memory_space<vmem>>, %arg4: memref<1x128xf32, #tpu.memory_space<vmem>>, %arg5: memref<1x1000x128xf32, #tpu.memory_space<vmem>>, %arg6: memref<1x1000x128xf32, #tpu.memory_space<vmem>>) attributes {dimension_semantics = [#tpu.dimension_semantics<arbitrary>, #tpu.dimension_semantics<arbitrary>], iteration_bounds = array<i64: 10, 2>, scalar_prefetch = 0 : i64, scratch_operands = 0 : i64, tpu.core_type = #tpu.core_type<tc>, window_params = [{transform_indices = @transform_0, window_bounds = array<i64: 1000, 128>}, {transform_indices = @transform_1, window_bounds = array<i64: 256, 128>}, {transform_indices = @transform_2, window_bounds = array<i64: 1, 128>}, {transform_indices = @transform_3, window_bounds = array<i64: 1, 1000, 128>}, {transform_indices = @transform_4, window_bounds = array<i64: 1, 1000, 128>}]} {
    %get3A = arith.constant 0 : index
    %get3A_0 = arith.constant 0 : index
    %get3A_1 = vector.load %arg2[%get3A, %get3A_0] : memref<1000x128xf32, #tpu.memory_space<vmem>>, vector<1000x128xf32>
    %get3A_2 = arith.constant 0 : index
    %get3A_3 = arith.constant 0 : index
    %get3A_4 = vector.load %arg3[%get3A_2, %get3A_3] : memref<256x128xf32, #tpu.memory_space<vmem>>, vector<128x128xf32>
    %get3A_5 = arith.constant 128 : index
    %get3A_6 = arith.constant 0 : index
    %get3A_7 = vector.load %arg3[%get3A_5, %get3A_6] : memref<256x128xf32, #tpu.memory_space<vmem>>, vector<128x128xf32>
    %sub3A = arith.subf %get3A_4, %get3A_7 : vector<128x128xf32>
    %dot_general3A = arith.constant dense<0.000000e+00> : vector<1000x128xf32>
    %dot_general3A_8 = tpu.matmul %get3A_1, %sub3A, %dot_general3A {dimension_numbers = #tpu.dot_dimension_numbers<[1], [0], [0], [1], [0, 0, 1, 1], [], []>, transpose_lhs_hint = false} : vector<1000x128xf32>, vector<128x128xf32>, vector<1000x128xf32> -> vector<1000x128xf32>
    %get3A_9 = arith.constant 0 : index
    %get3A_10 = arith.constant 0 : index
    %get3A_11 = vector.load %arg4[%get3A_9, %get3A_10] : memref<1x128xf32, #tpu.memory_space<vmem>>, vector<1x128xf32>
    %add3A = vector.broadcast %get3A_11 : vector<1x128xf32> to vector<1000x128xf32>
    %add3A_12 = arith.addf %dot_general3A_8, %add3A : vector<1000x128xf32>
    %swap3A = arith.constant 0 : index
    %swap3A_13 = arith.constant 0 : index
    %swap3A_14 = arith.constant 0 : index
    %swap3A_15 = vector.load %arg5[%swap3A, %swap3A_13, %swap3A_14] : memref<1x1000x128xf32, #tpu.memory_space<vmem>>, vector<1x1000x128xf32>
    %swap3A_16 = vector.shape_cast %swap3A_15 : vector<1x1000x128xf32> to vector<1000x128xf32>
    %swap3A_17 = vector.shape_cast %add3A_12 : vector<1000x128xf32> to vector<1x1000x128xf32>
    tpu.vector_store %arg5[%swap3A, %swap3A_13, %swap3A_14], %swap3A_17 {strides = array<i32>} : memref<1x1000x128xf32, #tpu.memory_space<vmem>>, vector<1x1000x128xf32>,
    %dot_general3A_18 = arith.constant dense<0.000000e+00> : vector<1000x128xf32>
    %dot_general3A_19 = tpu.matmul %get3A_1, %get3A_7, %dot_general3A_18 {dimension_numbers = #tpu.dot_dimension_numbers<[1], [0], [0], [1], [0, 0, 1, 1], [], []>, transpose_lhs_hint = false} : vector<1000x128xf32>, vector<128x128xf32>, vector<1000x128xf32> -> vector<1000x128xf32>
    %swap3A_20 = arith.constant 0 : index
    %swap3A_21 = arith.constant 0 : index
    %swap3A_22 = arith.constant 0 : index
    %swap3A_23 = vector.load %arg6[%swap3A_20, %swap3A_21, %swap3A_22] : memref<1x1000x128xf32, #tpu.memory_space<vmem>>, vector<1x1000x128xf32>
    %swap3A_24 = vector.shape_cast %swap3A_23 : vector<1x1000x128xf32> to vector<1000x128xf32>
    %swap3A_25 = vector.shape_cast %dot_general3A_19 : vector<1000x128xf32> to vector<1x1000x128xf32>
    tpu.vector_store %arg6[%swap3A_20, %swap3A_21, %swap3A_22], %swap3A_25 {strides = array<i32>} : memref<1x1000x128xf32, #tpu.memory_space<vmem>>, vector<1x1000x128xf32>,
    return
  }
  func.func @transform_0(%arg0: i32, %arg1: i32) -> (i32, i32) {
    %c0_i32 = arith.constant 0 : i32
    %c0_i32_0 = arith.constant 0 : i32
    return %arg0, %c0_i32 : i32, i32
  }
  func.func @transform_1(%arg0: i32, %arg1: i32) -> (i32, i32) {
    %c0_i32 = arith.constant 0 : i32
    %c0_i32_0 = arith.constant 0 : i32
    return %c0_i32, %arg1 : i32, i32
  }
  func.func @transform_2(%arg0: i32, %arg1: i32) -> (i32, i32) {
    %c0_i32 = arith.constant 0 : i32
    %c0_i32_0 = arith.constant 0 : i32
    return %c0_i32, %arg1 : i32, i32
  }
  func.func @transform_3(%arg0: i32, %arg1: i32) -> (i32, i32, i32) {
    %c0_i32 = arith.constant 0 : i32
    %c0_i32_0 = arith.constant 0 : i32
    return %arg1, %arg0, %c0_i32 : i32, i32, i32
  }
  func.func @transform_4(%arg0: i32, %arg1: i32) -> (i32, i32, i32) {
    %c0_i32 = arith.constant 0 : i32
    %c0_i32_0 = arith.constant 0 : i32
    return %arg1, %arg0, %c0_i32 : i32, i32, i32
  }
}

module attributes {stable_mosaic.version = 14 : i64} {
  func.func @_head_body(%arg0: i32, %arg1: memref<1000x128xf32, #tpu.memory_space<vmem>>, %arg2: memref<1000x128xf32, #tpu.memory_space<vmem>>, %arg3: memref<1000x128xf32, #tpu.memory_space<vmem>>, %arg4: memref<1000x128xf32, #tpu.memory_space<vmem>>, %arg5: memref<128x256xf32, #tpu.memory_space<vmem>>, %arg6: memref<1x256xf32, #tpu.memory_space<vmem>>, %arg7: memref<256x128xf32, #tpu.memory_space<vmem>>, %arg8: memref<1x128xf32, #tpu.memory_space<vmem>>, %arg9: memref<384x32xf32, #tpu.memory_space<vmem>>, %arg10: memref<1x32xf32, #tpu.memory_space<vmem>>, %arg11: memref<32x1xf32, #tpu.memory_space<vmem>>, %arg12: memref<1x1xf32, #tpu.memory_space<vmem>>, %arg13: memref<1000x1xf32, #tpu.memory_space<vmem>>) attributes {dimension_semantics = [#tpu.dimension_semantics<arbitrary>], iteration_bounds = array<i64: 10>, scalar_prefetch = 0 : i64, scratch_operands = 0 : i64, tpu.core_type = #tpu.core_type<tc>, window_params = [{transform_indices = @transform_0, window_bounds = array<i64: 1000, 128>}, {transform_indices = @transform_1, window_bounds = array<i64: 1000, 128>}, {transform_indices = @transform_2, window_bounds = array<i64: 1000, 128>}, {transform_indices = @transform_3, window_bounds = array<i64: 1000, 128>}, {pipeline_mode = #tpu.pipeline_mode<synchronous>, transform_indices = @transform_4, window_bounds = array<i64: 128, 256>}, {pipeline_mode = #tpu.pipeline_mode<synchronous>, transform_indices = @transform_5, window_bounds = array<i64: 1, 256>}, {pipeline_mode = #tpu.pipeline_mode<synchronous>, transform_indices = @transform_6, window_bounds = array<i64: 256, 128>}, {pipeline_mode = #tpu.pipeline_mode<synchronous>, transform_indices = @transform_7, window_bounds = array<i64: 1, 128>}, {pipeline_mode = #tpu.pipeline_mode<synchronous>, transform_indices = @transform_8, window_bounds = array<i64: 384, 32>}, {pipeline_mode = #tpu.pipeline_mode<synchronous>, transform_indices = @transform_9, window_bounds = array<i64: 1, 32>}, {pipeline_mode = #tpu.pipeline_mode<synchronous>, transform_indices = @transform_10, window_bounds = array<i64: 32, 1>}, {pipeline_mode = #tpu.pipeline_mode<synchronous>, transform_indices = @transform_11, window_bounds = array<i64: 1, 1>}, {transform_indices = @transform_12, window_bounds = array<i64: 1000, 1>}]} {
    %get3A = arith.constant 0 : index
    %get3A_0 = arith.constant 0 : index
    %get3A_1 = vector.load %arg1[%get3A, %get3A_0] : memref<1000x128xf32, #tpu.memory_space<vmem>>, vector<1000x128xf32>
    %get3A_2 = arith.constant 0 : index
    %get3A_3 = arith.constant 0 : index
    %get3A_4 = vector.load %arg2[%get3A_2, %get3A_3] : memref<1000x128xf32, #tpu.memory_space<vmem>>, vector<1000x128xf32>
    %add3A = arith.addf %get3A_1, %get3A_4 : vector<1000x128xf32>
    %get3A_5 = arith.constant 0 : index
    %get3A_6 = arith.constant 0 : index
    %get3A_7 = vector.load %arg5[%get3A_5, %get3A_6] : memref<128x256xf32, #tpu.memory_space<vmem>>, vector<128x256xf32>
    %dot_general3A = arith.constant dense<0.000000e+00> : vector<1000x256xf32>
    %dot_general3A_8 = tpu.matmul %add3A, %get3A_7, %dot_general3A {dimension_numbers = #tpu.dot_dimension_numbers<[1], [0], [0], [1], [0, 0, 1, 1], [], []>, transpose_lhs_hint = false} : vector<1000x128xf32>, vector<128x256xf32>, vector<1000x256xf32> -> vector<1000x256xf32>
    %get3A_9 = arith.constant 0 : index
    %get3A_10 = arith.constant 0 : index
    %get3A_11 = vector.load %arg6[%get3A_9, %get3A_10] : memref<1x256xf32, #tpu.memory_space<vmem>>, vector<1x256xf32>
    %add3A_12 = vector.broadcast %get3A_11 : vector<1x256xf32> to vector<1000x256xf32>
    %add3A_13 = arith.addf %dot_general3A_8, %add3A_12 : vector<1000x256xf32>
    %max3A = arith.constant 0.000000e+00 : f32
    %max3A_14 = vector.broadcast %max3A : f32 to vector<1000x256xf32>
    %max3A_15 = arith.maximumf %add3A_13, %max3A_14 : vector<1000x256xf32>
    %get3A_16 = arith.constant 0 : index
    %get3A_17 = arith.constant 0 : index
    %get3A_18 = vector.load %arg3[%get3A_16, %get3A_17] : memref<1000x128xf32, #tpu.memory_space<vmem>>, vector<1000x128xf32>
    %get3A_19 = arith.constant 0 : index
    %get3A_20 = arith.constant 0 : index
    %get3A_21 = vector.load %arg7[%get3A_19, %get3A_20] : memref<256x128xf32, #tpu.memory_space<vmem>>, vector<128x128xf32>
    %dot_general3A_22 = arith.constant dense<0.000000e+00> : vector<1000x128xf32>
    %dot_general3A_23 = tpu.matmul %get3A_18, %get3A_21, %dot_general3A_22 {dimension_numbers = #tpu.dot_dimension_numbers<[1], [0], [0], [1], [0, 0, 1, 1], [], []>, transpose_lhs_hint = false} : vector<1000x128xf32>, vector<128x128xf32>, vector<1000x128xf32> -> vector<1000x128xf32>
    %get3A_24 = arith.constant 0 : index
    %get3A_25 = arith.constant 0 : index
    %get3A_26 = vector.load %arg4[%get3A_24, %get3A_25] : memref<1000x128xf32, #tpu.memory_space<vmem>>, vector<1000x128xf32>
    %get3A_27 = arith.constant 128 : index
    %get3A_28 = arith.constant 0 : index
    %get3A_29 = vector.load %arg7[%get3A_27, %get3A_28] : memref<256x128xf32, #tpu.memory_space<vmem>>, vector<128x128xf32>
    %dot_general3A_30 = arith.constant dense<0.000000e+00> : vector<1000x128xf32>
    %dot_general3A_31 = tpu.matmul %get3A_26, %get3A_29, %dot_general3A_30 {dimension_numbers = #tpu.dot_dimension_numbers<[1], [0], [0], [1], [0, 0, 1, 1], [], []>, transpose_lhs_hint = false} : vector<1000x128xf32>, vector<128x128xf32>, vector<1000x128xf32> -> vector<1000x128xf32>
    %add3A_32 = arith.addf %dot_general3A_23, %dot_general3A_31 : vector<1000x128xf32>
    %get3A_33 = arith.constant 0 : index
    %get3A_34 = arith.constant 0 : index
    %get3A_35 = vector.load %arg8[%get3A_33, %get3A_34] : memref<1x128xf32, #tpu.memory_space<vmem>>, vector<1x128xf32>
    %add3A_36 = vector.broadcast %get3A_35 : vector<1x128xf32> to vector<1000x128xf32>
    %add3A_37 = arith.addf %add3A_32, %add3A_36 : vector<1000x128xf32>
    %max3A_38 = arith.constant 0.000000e+00 : f32
    %max3A_39 = vector.broadcast %max3A_38 : f32 to vector<1000x128xf32>
    %max3A_40 = arith.maximumf %add3A_37, %max3A_39 : vector<1000x128xf32>
    %get3A_41 = arith.constant 0 : index
    %get3A_42 = arith.constant 0 : index
    %get3A_43 = vector.load %arg9[%get3A_41, %get3A_42] : memref<384x32xf32, #tpu.memory_space<vmem>>, vector<256x32xf32>
    %dot_general3A_44 = arith.constant dense<0.000000e+00> : vector<1000x32xf32>
    %dot_general3A_45 = tpu.matmul %max3A_15, %get3A_43, %dot_general3A_44 {dimension_numbers = #tpu.dot_dimension_numbers<[1], [0], [0], [1], [0, 0, 1, 1], [], []>, transpose_lhs_hint = false} : vector<1000x256xf32>, vector<256x32xf32>, vector<1000x32xf32> -> vector<1000x32xf32>
    %get3A_46 = arith.constant 256 : index
    %get3A_47 = arith.constant 0 : index
    %get3A_48 = vector.load %arg9[%get3A_46, %get3A_47] : memref<384x32xf32, #tpu.memory_space<vmem>>, vector<128x32xf32>
    %dot_general3A_49 = arith.constant dense<0.000000e+00> : vector<1000x32xf32>
    %dot_general3A_50 = tpu.matmul %max3A_40, %get3A_48, %dot_general3A_49 {dimension_numbers = #tpu.dot_dimension_numbers<[1], [0], [0], [1], [0, 0, 1, 1], [], []>, transpose_lhs_hint = false} : vector<1000x128xf32>, vector<128x32xf32>, vector<1000x32xf32> -> vector<1000x32xf32>
    %add3A_51 = arith.addf %dot_general3A_45, %dot_general3A_50 : vector<1000x32xf32>
    %get3A_52 = arith.constant 0 : index
    %get3A_53 = arith.constant 0 : index
    %get3A_54 = vector.load %arg10[%get3A_52, %get3A_53] : memref<1x32xf32, #tpu.memory_space<vmem>>, vector<1x32xf32>
    %add3A_55 = vector.broadcast %get3A_54 : vector<1x32xf32> to vector<1000x32xf32>
    %add3A_56 = arith.addf %add3A_51, %add3A_55 : vector<1000x32xf32>
    %max3A_57 = arith.constant 0.000000e+00 : f32
    %max3A_58 = vector.broadcast %max3A_57 : f32 to vector<1000x32xf32>
    %max3A_59 = arith.maximumf %add3A_56, %max3A_58 : vector<1000x32xf32>
    %get3A_60 = arith.constant 0 : index
    %get3A_61 = arith.constant 0 : index
    %get3A_62 = vector.load %arg11[%get3A_60, %get3A_61] : memref<32x1xf32, #tpu.memory_space<vmem>>, vector<32x1xf32>
    %dot_general3A_63 = arith.constant dense<0.000000e+00> : vector<1000x1xf32>
    %dot_general3A_64 = tpu.matmul %max3A_59, %get3A_62, %dot_general3A_63 {dimension_numbers = #tpu.dot_dimension_numbers<[1], [0], [0], [1], [0, 0, 1, 1], [], []>, transpose_lhs_hint = false} : vector<1000x32xf32>, vector<32x1xf32>, vector<1000x1xf32> -> vector<1000x1xf32>
    %get3A_65 = arith.constant 0 : index
    %get3A_66 = arith.constant 0 : index
    %get3A_67 = vector.load %arg12[%get3A_65, %get3A_66] : memref<1x1xf32, #tpu.memory_space<vmem>>, vector<1x1xf32>
    %add3A_68 = vector.broadcast %get3A_67 : vector<1x1xf32> to vector<1000x1xf32>
    %add3A_69 = arith.addf %dot_general3A_64, %add3A_68 : vector<1000x1xf32>
    %neg3A = arith.constant 0.000000e+00 : f32
    %neg3A_70 = vector.broadcast %neg3A : f32 to vector<1000x1xf32>
    %neg3A_71 = arith.subf %neg3A_70, %add3A_69 : vector<1000x1xf32>
    %exp3A = math.exp %neg3A_71 : vector<1000x1xf32>
    %add3A_72 = arith.constant 1.000000e+00 : f32
    %add3A_73 = vector.broadcast %add3A_72 : f32 to vector<1000x1xf32>
    %add3A_74 = arith.addf %add3A_73, %exp3A : vector<1000x1xf32>
    %div3A = arith.constant 1.000000e+00 : f32
    %div3A_75 = vector.broadcast %div3A : f32 to vector<1000x1xf32>
    %div3A_76 = arith.divf %div3A_75, %add3A_74 : vector<1000x1xf32>
    %swap3A = arith.constant 0 : index
    %swap3A_77 = arith.constant 0 : index
    %swap3A_78 = vector.load %arg13[%swap3A, %swap3A_77] : memref<1000x1xf32, #tpu.memory_space<vmem>>, vector<1000x1xf32>
    tpu.vector_store %arg13[%swap3A, %swap3A_77], %div3A_76 {strides = array<i32>} : memref<1000x1xf32, #tpu.memory_space<vmem>>, vector<1000x1xf32>,
    return
  }
  func.func @transform_0(%arg0: i32) -> (i32, i32) {
    %c0_i32 = arith.constant 0 : i32
    %c0_i32_0 = arith.constant 0 : i32
    return %arg0, %c0_i32 : i32, i32
  }
  func.func @transform_1(%arg0: i32) -> (i32, i32) {
    %add3A = arith.constant 10 : i32
    %add3A_0 = arith.addi %arg0, %add3A : i32
    %c0_i32 = arith.constant 0 : i32
    %c0_i32_1 = arith.constant 0 : i32
    return %add3A_0, %c0_i32 : i32, i32
  }
  func.func @transform_2(%arg0: i32) -> (i32, i32) {
    %c0_i32 = arith.constant 0 : i32
    %c0_i32_0 = arith.constant 0 : i32
    return %arg0, %c0_i32 : i32, i32
  }
  func.func @transform_3(%arg0: i32) -> (i32, i32) {
    %add3A = arith.constant 10 : i32
    %add3A_0 = arith.addi %arg0, %add3A : i32
    %c0_i32 = arith.constant 0 : i32
    %c0_i32_1 = arith.constant 0 : i32
    return %add3A_0, %c0_i32 : i32, i32
  }
  func.func @transform_4(%arg0: i32) -> (i32, i32) {
    %c0_i32 = arith.constant 0 : i32
    %c0_i32_0 = arith.constant 0 : i32
    %c0_i32_1 = arith.constant 0 : i32
    return %c0_i32, %c0_i32_0 : i32, i32
  }
  func.func @transform_5(%arg0: i32) -> (i32, i32) {
    %c0_i32 = arith.constant 0 : i32
    %c0_i32_0 = arith.constant 0 : i32
    %c0_i32_1 = arith.constant 0 : i32
    return %c0_i32, %c0_i32_0 : i32, i32
  }
  func.func @transform_6(%arg0: i32) -> (i32, i32) {
    %c0_i32 = arith.constant 0 : i32
    %c0_i32_0 = arith.constant 0 : i32
    %c0_i32_1 = arith.constant 0 : i32
    return %c0_i32, %c0_i32_0 : i32, i32
  }
  func.func @transform_7(%arg0: i32) -> (i32, i32) {
    %c0_i32 = arith.constant 0 : i32
    %c0_i32_0 = arith.constant 0 : i32
    %c0_i32_1 = arith.constant 0 : i32
    return %c0_i32, %c0_i32_0 : i32, i32
  }
  func.func @transform_8(%arg0: i32) -> (i32, i32) {
    %c0_i32 = arith.constant 0 : i32
    %c0_i32_0 = arith.constant 0 : i32
    %c0_i32_1 = arith.constant 0 : i32
    return %c0_i32, %c0_i32_0 : i32, i32
  }
  func.func @transform_9(%arg0: i32) -> (i32, i32) {
    %c0_i32 = arith.constant 0 : i32
    %c0_i32_0 = arith.constant 0 : i32
    %c0_i32_1 = arith.constant 0 : i32
    return %c0_i32, %c0_i32_0 : i32, i32
  }
  func.func @transform_10(%arg0: i32) -> (i32, i32) {
    %c0_i32 = arith.constant 0 : i32
    %c0_i32_0 = arith.constant 0 : i32
    %c0_i32_1 = arith.constant 0 : i32
    return %c0_i32, %c0_i32_0 : i32, i32
  }
  func.func @transform_11(%arg0: i32) -> (i32, i32) {
    %c0_i32 = arith.constant 0 : i32
    %c0_i32_0 = arith.constant 0 : i32
    %c0_i32_1 = arith.constant 0 : i32
    return %c0_i32, %c0_i32_0 : i32, i32
  }
  func.func @transform_12(%arg0: i32) -> (i32, i32) {
    %c0_i32 = arith.constant 0 : i32
    %c0_i32_0 = arith.constant 0 : i32
    return %arg0, %c0_i32 : i32, i32
  }
}

</mosaic_0001>

<sc_bundles>
// kernel: kernel.6.cloned.1.call-start
scs
__scs_entry_jumppad:
0x0: {  	(pc) =	sbr.rel $0x88, $3  }
0x1: {  	(tag) =	ssettag $0x0;
	lr =	simm.s32 $0x1  }
0x2: {  	[smem:$0x3F95] =	sst lr;
	_ =	strace $0xD0000000  }
0x3: {  	_ = 	snop  }
0x4: {  	_ = 	snop  }
0x5: {  	_ = 	snop  }
0x6: {  	_ = 	snop  }
0x7: {  	_ = 	snop  }
__scs_overlays_trampoline_lowered:
0x8: {  	[smem:$0x3FA4] =	sst s0  }
0x9: {  	[smem:$0x3FA5] =	sst s1  }
0xa: {  	[smem:$0x3FA6] =	sst s2  }
0xb: {  	[smem:$0x3FA7] =	sst s3  }
0xc: {  	[smem:$0x3FA8] =	sst s4  }
0xd: {  	[smem:$0x3FA9] =	sst s5  }
0xe: {  	[smem:$0x3FAA] =	sst s6  }
0xf: {  	[smem:$0x3FAB] =	sst s7  }
0x10: {  	[smem:$0x3FAC] =	sst s8  }
0x11: {  	[smem:$0x3FAD] =	sst s9;
	s0 =	simm.s32 @!p0 $0x0  }
0x12: {  	s1 =	sld [smem:$0x3F93];
	s0 =	simm.s32 @p0 $0x1  }
0x13: {  	[smem:$0x3FAE] =	sst s0;
	s0 =	simm.s32 @!p1 $0x0  }
0x14: {  	s2 =	sld [smem:$0x3F92];
	s0 =	simm.s32 @p1 $0x1  }
0x15: {  	[smem:$0x3FAF] =	sst s0;
	s0 =	simm.s32 @!p2 $0x0  }
0x16: {  	s3 =	sld [smem:$0x3FDB];
	s0 =	simm.s32 @p2 $0x1  }
0x17: {  	s4 =	simm.s32 $0x1BF5;
	[smem:$0x3FB1] =	sst s0  }
0x18: {  	s0 =	sld [smem:$0x3F94];
	_ =	swait.ge [sflag:s4], $0x0  }
0x19: {  	s7 =	sld [smem:$0x3F95]  }
0x1a: {  	s8 =	sadd.s32 $0xFFFFE003, lr  }
0x1b: {  	s9 =	sadd.s32 $0xFFFFFEF7, lr;
	s5 =	simm.s32 $0xFFFFFFFF;
	p2 =	slt.u32 s8, $0xFFFFF086  }
0x1c: {  	p1 =	slt.u32 s9, $0xF7A;
	s5 =	simm.s32 @!p2 $0x0  }
0x1d: {  	s5 =	simm.s32 @p1 $0x1;
	p0 =	seq.s32 s7, s2  }
0x1e: {  	s7 =	smul.u32 @!p0 $0xF7A, s2;
	p2 =	seq.s32 @!p0 s5, $0x0  }
0x1f: {  	s9 =	smul.u32 $0xF7A, s1;
	s8 =	simm.s32 @!p0 $0x1BF5;
	p2 =	por !p2, p0  }
0x20: {  	[sflag:s8] =	ssyncset.s32 @!p0 $0xFFFFF086;
	s6 =	sadd.s32 @!p0 s3, s7;
	s7 =	simm.s32 @!p0 $0x108  }
0x21: {  	s3 =	sadd.s32 s3, s9;
	s6 =	sadd.s32 @!p0 $0x88, s6;
	s7 =	simm.s32 @p2 $0x1082  }
0x22: {  	[simem:s7], [sflag:s8] =	dma.local @!p0 [hbm:s6], $0xF7A  }
0x23: {  	s9 =	sor.u32 $0xD0000000, s2;
	s6 =	simm.s32 $0x108;
	_ =	swait.ge @!p0 [sflag:s8], $0x0  }
0x24: {  	s3 =	sadd.s32 $0x88, s3;
	s6 =	simm.s32 @!p1 $0x1082;
	[sflag:s4] =	ssyncset.s32 $0xFFFFF086  }
0x25: {  	[simem:s6], [sflag:s4] =	dma.local [hbm:s3], $0xF7A  }
0x26: {  	[smem:$0x3F95] =	sst s1;
	(tag) =	ssettag s2;
	_ =	strace s9  }
0x27: {  	s1 =	sld [smem:$0x3FA5]  }
0x28: {  	s2 =	sld [smem:$0x3FA6]  }
0x29: {  	s4 =	sld [smem:$0x3FA8]  }
0x2a: {  	p0 =	seq.s32 s5, $0x0;
	s5 =	sld [smem:$0x3FA9]  }
0x2b: {  	s6 =	sld [smem:$0x3FAA]  }
0x2c: {  	s7 =	sld [smem:$0x3FAB]  }
0x2d: {  	s3 =	simm.s32 $0x108;
	s8 =	sld [smem:$0x3FAC]  }
0x2e: {  	s3 =	simm.s32 @!p0 $0x1082;
	s9 =	sld [smem:$0x3FAD]  }
0x2f: {  	lr =	sadd.s32 s0, s3;
	s0 =	sld [smem:$0x3FA4]  }
0x30: {  	s3 =	sld [smem:$0x3FA7]  }
0x31: {  	[smem:$0x3FB0] =	sst s10  }
0x32: {  	s10 =	sld [smem:$0x3FAE];
	_ =	sdelay $0x3  }
0x33: {  	p0 =	seq.s32 s10, $0x1;
	s10 =	sld [smem:$0x3FB0];
	_ =	sdelay $0x3  }
0x34: {  	[smem:$0x3FB0] =	sst s10  }
0x35: {  	s10 =	sld [smem:$0x3FAF];
	_ =	sdelay $0x3  }
0x36: {  	p1 =	seq.s32 s10, $0x1;
	s10 =	sld [smem:$0x3FB0];
	_ =	sdelay $0x3  }
0x37: {  	[smem:$0x3FB0] =	sst s10  }
0x38: {  	s10 =	sld [smem:$0x3FB1]  }
0x39: {  	_ = 	snop;
	(pc) =	sbr.ind lr, $3  }
0x3a: {  	_ = 	snop  }
0x3b: {  	_ = 	snop  }
0x3c: {  	p2 =	seq.s32 s10, $0x1;
	s10 =	sld [smem:$0x3FB0]  }
0x3d: {  	_ =	shalt  }
0x3e: {  	_ =	shalt  }
0x3f: {  	_ =	shalt  }
0x40: {  	_ =	shalt  }
0x41: {  	_ =	shalt  }
0x42: {  	_ =	shalt  }
0x43: {  	_ =	shalt  }
0x44: {  	_ =	shalt  }
0x45: {  	_ =	shalt  }
0x46: {  	_ =	shalt  }
0x47: {  	_ =	shalt  }
0x48: {  	_ =	shalt  }
0x49: {  	_ =	shalt  }
0x4a: {  	_ =	shalt  }
0x4b: {  	_ =	shalt  }
0x4c: {  	_ =	shalt  }
0x4d: {  	_ =	shalt  }
0x4e: {  	_ =	shalt  }
0x4f: {  	_ =	shalt  }
0x50: {  	_ =	shalt  }
0x51: {  	_ =	shalt  }
0x52: {  	_ =	shalt  }
0x53: {  	_ =	shalt  }
0x54: {  	_ =	shalt  }
0x55: {  	_ =	shalt  }
0x56: {  	_ =	shalt  }
0x57: {  	_ =	shalt  }
0x58: {  	_ =	shalt  }
0x59: {  	_ =	shalt  }
0x5a: {  	_ =	shalt  }
0x5b: {  	_ =	shalt  }
0x5c: {  	_ =	shalt  }
0x5d: {  	_ =	shalt  }
0x5e: {  	_ =	shalt  }
0x5f: {  	_ =	shalt  }
0x60: {  	_ =	shalt  }
0x61: {  	_ =	shalt  }
0x62: {  	_ =	shalt  }
0x63: {  	_ =	shalt  }
0x64: {  	_ =	shalt  }
0x65: {  	_ =	shalt  }
0x66: {  	_ =	shalt  }
0x67: {  	_ =	shalt  }
0x68: {  	_ =	shalt  }
0x69: {  	_ =	shalt  }
0x6a: {  	_ =	shalt  }
0x6b: {  	_ =	shalt  }
0x6c: {  	_ =	shalt  }
0x6d: {  	_ =	shalt  }
0x6e: {  	_ =	shalt  }
0x6f: {  	_ =	shalt  }
0x70: {  	_ =	shalt  }
0x71: {  	_ =	shalt  }
0x72: {  	_ =	shalt  }
0x73: {  	_ =	shalt  }
0x74: {  	_ =	shalt  }
0x75: {  	_ =	shalt  }
0x76: {  	_ =	shalt  }
0x77: {  	_ =	shalt  }
0x78: {  	_ =	shalt  }
0x79: {  	_ =	shalt  }
0x7a: {  	_ =	shalt  }
0x7b: {  	_ =	shalt  }
0x7c: {  	_ =	shalt  }
0x7d: {  	_ =	shalt  }
0x7e: {  	_ =	shalt  }
0x7f: {  	_ =	shalt  }
0x80: {  	_ =	shalt  }
0x81: {  	_ =	shalt  }
0x82: {  	_ =	shalt  }
0x83: {  	_ =	shalt  }
0x84: {  	_ =	shalt  }
0x85: {  	_ =	shalt  }
0x86: {  	_ =	shalt  }
0x87: {  	_ =	shalt  }
.Lfunc_end0:
.L_simem_size_0:
called_computation_lowered:
.L_overlay_start_0:
0x88: {  	s2 =	sld [smem:$0x3FD9]  }
0x89: {  	s3 =	sld [smem:$0x3FFE];
	_ =	sdelay $0x1  }
0x8a: {  	s1 =	srdreg.scid  }
0x8b: {  	s0 =	sand.u32 $0x1, s1  }
0x8c: {  	s17 =	sshll.u32 s0, $0xA;
	s2 =	sadd.s32 s3, s2  }
0x8d: {  	s2 =	sadd.s32 s2, s17  }
0x8e: {  	[smem:$0x3FBC] =	sst s2  }
0x8f: {  	_ = 	snop  }
0x90: {  	s18 =	sld [smem:$0x3FC9];
	(tm) =	ssettm $0x1  }
0x91: {  	s19 =	sld [smem:$0x3FFB];
	_ =	sdelay $0x3  }
0x92: {  	_ =	strace s19  }
0x93: {  	s2 =	sld [smem:$0x3FFC];
	_ =	sdelay $0x3  }
0x94: {  	_ =	strace s2  }
0x95: {  	s2 =	sld [smem:$0x3FFD];
	_ =	sdelay $0x3  }
0x96: {  	_ =	strace s2  }
0x97: {  	_ =	strace $0x8FFFFFFF  }
0x98: {  	s20 =	sld [smem:$0x3FDB];
	_ =	sdelay $0x1  }
0x99: {  	s4 =	simm.s32 $_scs_section_size  }
0x9a: {  	s5 =	simm.s32 $_size__tile_overlayer_lowered;
	s6 =	simm.s32 $_tile_overlayer_lowered  }
0x9b: {  	s7 =	simm.s32 $0x1BFF;
	s21 =	sshll.u32 s6, $0x1;
	s4 =	sadd.s32 s4, s20  }
0x9c: {  	s22 =	simm.s32 $0x0;
	s5 =	sshll.u32 s5, $0x1;
	s6 =	sadd.s32 s21, s4  }
0x9d: {  	[timem:s22], [sflag:s7] =	dma.local [hbm:s6], s5  }
0x9e: {  	_ =	swait.ge [sflag:s7], s5  }
0x9f: {  	s5 =	ssub.s32 $0x0, s5;
	[sflag:s7] =	ssyncset.done $0x0  }
0xa0: {  	[sflag:s7] =	ssyncadd.s32 s5;
	_ =	sdelay $0x1  }
0xa1: {  	s23 =	simm.s32 $0x1B8B  }
0xa2: {  	_ =	swait.ge [sflag:s23], $0x1  }
0xa3: {  	[sflag:s23] =	ssyncset.done $0x0  }
0xa4: {  	[sflag:s23] =	ssyncadd.s32 $0xFFFFFFFF  }
0xa5: {  	s5 =	sld [smem:$0x0]  }
0xa6: {  	s6 =	sand.u32 $0xFFFFFFFE, s1  }
0xa7: {  	p0 =	sne.s32 s1, s6  }
0xa8: {  	s6 =	sshll.u32 @p0 s6, $0xE  }
0xa9: {  	s6 =	sadd.s32 @p0 $0x11B8D, s6;
	s7 =	sshll.u32 @p0 s5, $0x11  }
0xaa: {  	s6 =	sor.u32 @p0 s7, s6  }
0xab: {  	[sflag:s6] =	ssyncadd.remote.s32 @p0 $0x1;
	_ =	sdelay $0x1  }
0xac: {  	s6 =	simm.s32 @p0 $0x1B8D  }
0xad: {  	_ =	swait.eq @p0 [sflag:s6], $0x1  }
0xae: {  	[sflag:s6] =	ssyncadd.s32 @p0 $0xFFFFFFFF  }
0xaf: {  	s7 =	sshll.u32 @!p0 s1, $0xE  }
0xb0: {  	s7 =	sor.u32 @!p0 $0x4000, s7;
	s6 =	simm.s32 @!p0 $0x1B8D  }
0xb1: {  	s5 =	sshll.u32 @!p0 s5, $0x11;
	s7 =	sadd.s32 @!p0 $0x11B8D, s7;
	_ =	swait.eq @!p0 [sflag:s6], $0x1  }
0xb2: {  	s5 =	sor.u32 @!p0 s5, s7;
	[sflag:s6] =	ssyncadd.s32 @!p0 $0xFFFFFFFF  }
0xb3: {  	s25 =	simm.s32 $0x1B8E;
	s24 =	sld [smem:$0x3FFE];
	[sflag:s5] =	ssyncadd.remote.s32 @!p0 $0x1  }
0xb4: {  	s26 =	simm.s32 $execute0_lowered;
	[smem:$0x3FD2] =	sst s25  }
0xb5: {  	s6 =	sshll.u32 s26, $0x1;
	_ =	strace $0x80000049;
	[dreg:$0x1] =	wrdreg $0xFFFFFFFF  }
0xb6: {  	s28 =	simm.s32 $_size_execute0_lowered;
	s4 =	sadd.s32 s4, s6;
	[dreg:$0x0] =	wrdreg $0x0  }
0xb7: {  	s6 =	sshll.u32 s28, $0x1;
	[dreg:$0x2] =	wrdreg s4  }
0xb8: {  	[dreg:$0x3] =	wrdreg s6  }
0xb9: {  	[dreg:$0x4] =	wrdreg $0xC0  }
0xba: {  	_ =	task [dreg:s22], $0x5FFFF  }
0xbb: {  	[dreg:$0x1] =	wrdreg $0xFFFFFFFF  }
0xbc: {  	[dreg:$0x0] =	wrdreg $0x60  }
0xbd: {  	[dreg:$0x2] =	wrdreg s24  }
0xbe: {  	[dreg:$0x3] =	wrdreg s18  }
0xbf: {  	[dreg:$0x4] =	wrdreg $0x53000  }
0xc0: {  	[dreg:$0x5] =	wrdreg $0x9  }
0xc1: {  	_ =	task.clear_ibuf [dreg:s22], $0x6FFFF;
	_ =	strace $0x90000049  }
0xc2: {  	s29 =	simm.s32 $0x9;
	_ =	strace $0x8000004B  }
0xc3: {  	_ =	swait.ge [sflag:s29], $0x1  }
0xc4: {  	[sflag:s29] =	ssyncadd.s32 $0xFFFFFFFF  }
0xc5: {  	_ =	strace $0x9000004B  }
0xc6: {  	_ =	sfence  }
0xc7: {  	s30 =	sld [smem:$0x0];
	_ =	sdelay $0x2  }
0xc8: {  	s31 =	sshll.u32 s1, $0xD;
	s1 =	sshrl.u32 s1, $0x2  }
0xc9: {  	s4 =	sand.u32 $0x4000, s31;
	s1 =	sadd.s32 s1, s30  }
0xca: {  	s0 =	sor.u32 s4, s0;
	s1 =	sshll.u32 s1, $0x11  }
0xcb: {  	s0 =	sor.u32 s1, s0  }
0xcc: {  	s0 =	sadd.s32 $0x8F2B, s0  }
0xcd: {  	[sflag:s0] =	ssyncadd.remote.s32 $0x1  }
0xce: {  	_ =	sfence.sel $0xFFFF  }
0xcf: {  	[dreg:$0x0] =	wrdreg $0xFFFFFFFF;
	(pc) =	sbr.abs _section_cstart, $3  }
0xd0: {  	[dreg:$0x1] =	wrdreg $0xFFFFFFFF  }
0xd1: {  	_ =	task.clear_ibuf [dreg:s22], $0x2FFFF;
	_ =	strace $0x9FFFFFFF  }
0xd2: {  	(tm) =	ssettm $0x7FFFFFFF  }
0xd3: {  	_ =	shalt  }
tec
execute0_lowered:
.L_overlay_start_1:
0x0: {  	(tag) =	ssettag $0x1  }
0x1: {  	s23 =	stileid.u32  }
0x2: {  	s3 =	srdreg.scid;
	s9 =	smul.u32 $0x2710, s23  }
0x3: {  	s0 =	rddreg [dreg:$0x0];
	s3 =	sand.u32 $0x1, s3;
	s11 =	smul.u32 $0x50, s23  }
0x4: {  	s1 =	rddreg [dreg:$0x1];
	s7 =	smul.u32 $0x2710, s3  }
0x5: {  	s2 =	rddreg [dreg:$0x2];
	s10 =	sor.u32 $0x10, s23;
	s8 =	smul.u32 $0x27100, s3  }
0x6: {  	s4 =	simm.s32 $0x0;
	s12 =	sor.u32 $0x20, s23;
	s13 =	smul.u32 $0x50, s10  }
0x7: {  	s31 =	simm.s32 $0x0;
	s15 =	sor.u32 $0x30, s23;
	s16 =	smul.u32 $0x50, s12  }
0x8: {  	[smem:$0x7FF] =	sst s4;
	s19 =	sor.u32 $0x50, s23;
	s17 =	smul.u32 $0x50, s15  }
0x9: {  	s5 =	sadd.s32 $0xB800, s0;
	s24 =	sor.u32 $0x60, s23;
	s21 =	smul.u32 $0x50, s19  }
0xa: {  	s25 =	ssub.s32 $0x2, s3;
	s3 =	sor.u32 $0x40, s23;
	s26 =	smul.u32 $0x50, s24  }
0xb: {  	s6 =	sadd.s32 $0x1A00, s0;
	s14 =	sadd.s32 $0xFFC00, s0;
	s20 =	smul.u32 $0x50, s3  }
0xc: {  	_ =	strace $0x8000004A;
	s18 =	sshrl.u32 s25, $0x1;
	s3 =	smul.u32 $0xA000, s3  }
0xd: {  	s18 =	ssub.s32 s25, s18;
	s0 =	sadd.s32 s9, s8;
	s8 =	sor.u32 $0x70, s23  }
0xe: {  	s11 =	sadd.s32 s7, s11;
	s13 =	sadd.s32 s7, s13;
	s16 =	sadd.s32 s7, s16  }
0xf: {  	s17 =	sadd.s32 s7, s17;
	s21 =	sadd.s32 s7, s21;
	s9 =	sadd.s32 s7, s26  }
0x10: {  	s22 =	smul.u32 $0x50, s8;
	s20 =	sadd.s32 s7, s20;
	s11 =	sshll.u32 s11, $0x4  }
0x11: {  	s13 =	sshll.u32 s13, $0x4;
	s16 =	sshll.u32 s16, $0x4;
	s25 =	sshll.u32 s17, $0x4  }
0x12: {  	s17 =	sshll.u32 s21, $0x4;
	s9 =	sshll.u32 s9, $0x4;
	s3 =	sshrl.u32 s3, $0x2  }
0x13: {  	p0 =	sgt.u32 s8, $0x7C;
	s8 =	smul.u32 $0xA000, s8;
	s11 =	sadd.s32 s14, s11  }
0x14: {  	s13 =	sadd.s32 s14, s13;
	s26 =	sshll.u32 s20, $0x4;
	s9 =	sadd.s32 s14, s9  }
0x15: {  	s7 =	sadd.s32 s7, s22;
	s22 =	sshrl.u32 s0, $0x3;
	[dreg:$0x4] =	wrdreg s11  }
0x16: {  	[dreg:$0x5] =	wrdreg s13;
	s11 =	sadd.s32 s14, s16;
	s16 =	sadd.s32 s14, s26  }
0x17: {  	[dreg:$0xa] =	wrdreg s9;
	s13 =	smul.u32 $0xA000, s10;
	s8 =	sshrl.u32 s8, $0x2  }
0x18: {  	s10 =	simm.s32 $0x1;
	[dreg:$0x6] =	wrdreg s11;
	s11 =	sadd.s32 s14, s25  }
0x19: {  	[dreg:$0x8] =	wrdreg s16;
	s7 =	sshll.u32 s7, $0x4;
	s25 =	smul.u32 $0xA000, s23  }
0x1a: {  	s20 =	sadd.s32 s5, s22;
	s21 =	sadd.s32 s6, s22;
	s16 =	smul.u32 $0xA000, s12  }
0x1b: {  	s22 =	sadd.s32 $0xA, s22;
	s23 =	smul.u32 $0xA000, s24;
	[dreg:$0x7] =	wrdreg s11  }
0x1c: {  	s24 =	sadd.s32 s3, s2;
	s28 =	sadd.s32 s8, s2;
	[dreg:$0xc] =	wrdreg s20  }
0x1d: {  	s8 =	simm.s32 $0x2980;
	s11 =	sadd.s32 s14, s17;
	[dreg:$0xd] =	wrdreg s21  }
0x1e: {  	s12 =	simm.s32 $0x4;
	s7 =	sadd.s32 s14, s7;
	[dreg:$0x9] =	wrdreg s11  }
0x1f: {  	s26 =	sadd.s32 s5, s22;
	s17 =	smul.u32 $0xA000, s15;
	[dreg:$0xb] =	wrdreg s7  }
0x20: {  	s14 =	smax.u32 s18, $0x1;
	s21 =	smul.u32 $0xA000, s19;
	[dreg:$0xe] =	wrdreg s26  }
0x21: {  	s15 =	simm.s32 $0x100;
	s7 =	sadd.s32 s6, s22;
	[dreg:$0x10] =	wrdreg s14  }
0x22: {  	s9 =	sshrl.u32 s25, $0x2;
	s18 =	sshrl.u32 s16, $0x2;
	s26 =	sadd.s32 $0xF0, s0  }
0x23: {  	s0 =	sadd.s32 $0xA0, s0;
	s11 =	simm.s32 $0x50;
	s14 =	simm.s32 $0x2  }
0x24: {  	s16 =	simm.s32 $0x3;
	[dreg:$0xf] =	wrdreg s7;
	s22 =	sadd.s32 s9, s2  }
0x25: {  	s7 =	sshrl.u32 s13, $0x2;
	s20 =	sshrl.u32 s17, $0x2;
	s9 =	sshrl.u32 s21, $0x2  }
0x26: {  	s3 =	sshrl.u32 s26, $0x3;
	[dreg:$0x14] =	wrdreg s0;
	s0 =	simm.s32 $0x180  }
0x27: {  	s13 =	simm.s32 $0x2B00;
	s17 =	simm.s32 $0x5;
	s7 =	sadd.s32 s7, s2  }
.Ltmp0:
0x28: {  	s25 =	sadd.s32 s9, s2;
	s29 =	sadd.s32 s3, s6;
	(pc) =	sbr.rel .LBB2_1-.Ltmp0, $4  }
0x29: {  	s30 =	sadd.s32 s3, s5;
	[dreg:$0x11] =	wrdreg s7;
	s7 =	sadd.s32 s18, s2  }
0x2a: {  	s3 =	simm.s32 $0x7;
	[dreg:$0x12] =	wrdreg s7;
	s7 =	sadd.s32 s20, s2  }
0x2b: {  	s9 =	simm.s32 $0x2A00;
	[dreg:$0x13] =	wrdreg s7;
	s7 =	sshrl.u32 s23, $0x2  }
0x2c: {  	v0 =	vimm.f32 $0.0e+00;
	s18 =	simm.s32 $0x2A80;
	s26 =	sadd.s32 s7, s2;
	s7 =	simm.s32 $0x80  }
.LBB2_6:
0x2d: {  	_ =	swait.ge [sflag:s14], $0x2800  }
0x2e: {  	[sflag:s14] =	ssyncset.done $0x0  }
0x2f: {  	s19 =	simm.s32 $0x6;
	[sflag:s14] =	ssyncadd.s32 $0xFFFFD800  }
0x30: {  	[spmem:s2] =	stream.indirect.scatter.add.f32 [tilespmem:s0], [sflag:$0x3], $0x80, s15, s11, $0xb8;
	[tilespmem:$0x18B80] =	vst v63  }
0x31: {  	_ =	swait.ge [sflag:s19], $0x2800  }
0x32: {  	[sflag:s19] =	ssyncset.done $0x0  }
0x33: {  	[sflag:s19] =	ssyncadd.s32 $0xFFFFD800  }
0x34: {  	_ =	swait.ge [sflag:s16], $0x2800  }
0x35: {  	[sflag:s16] =	ssyncset.done $0x0  }
0x36: {  	s20 =	stileid.u32;
	[sflag:s16] =	ssyncadd.s32 $0xFFFFD800  }
0x37: {  	s19 =	sshll.u32 s20, $0x6;
	[bflag:$0x0] =	sbarrier.arrive $0xFFFF  }
0x38: {  	s20 =	sshrl.u32 s23, $0x3;
	s19 =	sor.u32 $0x1C07, s19;
	s21 =	rddreg [dreg:$0x4]  }
0x39: {  	[hbm:s21], [sflag:s19] =	dma.local [spmem:s20], $0x500  }
0x3a: {  	_ =	swait.ge [sflag:s3], $0x500  }
0x3b: {  	s22 =	smov.u32 s23;
	[sflag:s3] =	ssyncset.done $0x0;
	s21 =	rddreg [dreg:$0x11]  }
0x3c: {  	s23 =	rddreg [dreg:$0x5];
	[sflag:s3] =	ssyncadd.s32 $0xFFFFFB00;
	s20 =	sshrl.u32 s21, $0x3  }
0x3d: {  	[hbm:s23], [sflag:s19] =	dma.local [spmem:s20], $0x500  }
0x3e: {  	_ =	swait.ge [sflag:s3], $0x500  }
0x3f: {  	[sflag:s3] =	ssyncset.done $0x0;
	s21 =	rddreg [dreg:$0x12]  }
0x40: {  	s23 =	rddreg [dreg:$0x6];
	[sflag:s3] =	ssyncadd.s32 $0xFFFFFB00;
	s20 =	sshrl.u32 s21, $0x3  }
0x41: {  	[hbm:s23], [sflag:s19] =	dma.local [spmem:s20], $0x500  }
0x42: {  	_ =	swait.ge [sflag:s3], $0x500  }
0x43: {  	[sflag:s3] =	ssyncset.done $0x0;
	s21 =	rddreg [dreg:$0x13]  }
0x44: {  	s23 =	rddreg [dreg:$0x7];
	[sflag:s3] =	ssyncadd.s32 $0xFFFFFB00;
	s20 =	sshrl.u32 s21, $0x3  }
0x45: {  	[hbm:s23], [sflag:s19] =	dma.local [spmem:s20], $0x500  }
0x46: {  	_ =	swait.ge [sflag:s3], $0x500  }
0x47: {  	[sflag:s3] =	ssyncset.done $0x0  }
0x48: {  	s21 =	sshrl.u32 s24, $0x3;
	s23 =	rddreg [dreg:$0x8];
	[sflag:s3] =	ssyncadd.s32 $0xFFFFFB00  }
0x49: {  	[hbm:s23], [sflag:s19] =	dma.local [spmem:s21], $0x500  }
0x4a: {  	_ =	swait.ge [sflag:s3], $0x500  }
0x4b: {  	[sflag:s3] =	ssyncset.done $0x0  }
0x4c: {  	s21 =	sshrl.u32 s25, $0x3;
	s23 =	rddreg [dreg:$0x9];
	[sflag:s3] =	ssyncadd.s32 $0xFFFFFB00  }
0x4d: {  	[hbm:s23], [sflag:s19] =	dma.local [spmem:s21], $0x500  }
0x4e: {  	_ =	swait.ge [sflag:s3], $0x500  }
0x4f: {  	[sflag:s3] =	ssyncset.done $0x0  }
0x50: {  	s21 =	sshrl.u32 s26, $0x3;
	s23 =	rddreg [dreg:$0xa];
	[sflag:s3] =	ssyncadd.s32 $0xFFFFFB00  }
0x51: {  	[hbm:s23], [sflag:s19] =	dma.local [spmem:s21], $0x500  }
0x52: {  	_ =	swait.ge [sflag:s3], $0x500  }
0x53: {  	[sflag:s3] =	ssyncset.done $0x0  }
0x54: {  	s20 =	sshrl.u32 @!p0 s28, $0x3;
	s21 =	rddreg [dreg:$0xb];
	[sflag:s3] =	ssyncadd.s32 $0xFFFFFB00  }
0x55: {  	[hbm:s21], [sflag:s19] =	dma.local @!p0 [spmem:s20], $0x500  }
0x56: {  	s19 =	simm.s32 @!p0 $0x7  }
0x57: {  	_ =	swait.ge @!p0 [sflag:s19], $0x500  }
0x58: {  	s31 =	sadd.s32 $0x1, s31;
	s23 =	rddreg [dreg:$0x10]  }
0x59: {  	p1 =	sne.s32 s31, s23  }
.Ltmp1:
0x5a: {  	_ = 	snop;
	(pc) =	sbr.rel @!p1 .LBB2_7-.Ltmp1, $3  }
0x5b: {  	_ =	sdelay $0x1  }
0x5c: {  	[sflag:s19] =	ssyncset.done @!p0 $0x0  }
0x5d: {  	[sflag:s19] =	ssyncadd.s32 @!p0 $0xFFFFFB00  }
.LBB2_1:
0x5e: {  	s19 =	simm.s32 $0x0;
	s20 =	simm.s32 $0x200  }
.LBB2_2:
0x5f: {  	p1 =	sne.s32 s20, $0x9E00;
	[tilespmem:s19+$0x1F0] =	vst v0  }
0x60: {  	[tilespmem:s19+$0x180] =	vst v0  }
0x61: {  	[tilespmem:s19+$0x190] =	vst v0  }
.Ltmp2:
0x62: {  	[tilespmem:s19+$0x1A0] =	vst v0;
	(pc) =	sbr.rel @p1 .LBB2_2-.Ltmp2, $4  }
0x63: {  	[tilespmem:s19+$0x1B0] =	vst v0  }
0x64: {  	[tilespmem:s19+$0x1C0] =	vst v0  }
0x65: {  	[tilespmem:s19+$0x1D0] =	vst v0  }
0x66: {  	[tilespmem:s19+$0x1E0] =	vst v0;
	s19 =	sshra.s32 s20, $0x2;
	s20 =	sadd.s32 $0x200, s20  }
0x67: {  	[tilespmem:s19+$0x1F0] =	vst v0  }
0x68: {  	[tilespmem:s19+$0x180] =	vst v0  }
0x69: {  	[tilespmem:s19+$0x190] =	vst v0  }
0x6a: {  	[tilespmem:s19+$0x1A0] =	vst v0  }
0x6b: {  	[tilespmem:s19+$0x1B0] =	vst v0  }
0x6c: {  	[tilespmem:s19+$0x1C0] =	vst v0  }
0x6d: {  	[tilespmem:s19+$0x1D0] =	vst v0  }
0x6e: {  	[tilespmem:s19+$0x1E0] =	vst v0  }
0x6f: {  	[spmem:s22] =	stream.linear.scatter [tilespmem:s0], [sflag:$0x7], $0x2800, $0x38;
	[tilespmem:$0x18B80] =	vst v63  }
0x70: {  	_ =	swait.ge [sflag:s3], $0x2800  }
0x71: {  	[sflag:s3] =	ssyncset.done $0x0  }
0x72: {  	s23 =	smov.u32 s22;
	s22 =	rddreg [dreg:$0x11];
	[sflag:s3] =	ssyncadd.s32 $0xFFFFD800  }
0x73: {  	[spmem:s22] =	stream.linear.scatter [tilespmem:s0], [sflag:$0x7], $0x2800, $0x38;
	[tilespmem:$0x18B80] =	vst v63  }
0x74: {  	_ =	swait.ge [sflag:s3], $0x2800  }
0x75: {  	[sflag:s3] =	ssyncset.done $0x0  }
0x76: {  	s20 =	rddreg [dreg:$0x12];
	[sflag:s3] =	ssyncadd.s32 $0xFFFFD800  }
0x77: {  	[spmem:s20] =	stream.linear.scatter [tilespmem:s0], [sflag:$0x7], $0x2800, $0x38;
	[tilespmem:$0x18B80] =	vst v63  }
0x78: {  	_ =	swait.ge [sflag:s3], $0x2800  }
0x79: {  	[sflag:s3] =	ssyncset.done $0x0  }
0x7a: {  	s21 =	rddreg [dreg:$0x13];
	[sflag:s3] =	ssyncadd.s32 $0xFFFFD800  }
0x7b: {  	[spmem:s21] =	stream.linear.scatter [tilespmem:s0], [sflag:$0x7], $0x2800, $0x38;
	[tilespmem:$0x18B80] =	vst v63  }
0x7c: {  	_ =	swait.ge [sflag:s3], $0x2800  }
0x7d: {  	[sflag:s3] =	ssyncset.done $0x0  }
0x7e: {  	[sflag:s3] =	ssyncadd.s32 $0xFFFFD800  }
0x7f: {  	[spmem:s24] =	stream.linear.scatter [tilespmem:s0], [sflag:$0x7], $0x2800, $0x38;
	[tilespmem:$0x18B80] =	vst v63  }
0x80: {  	_ =	swait.ge [sflag:s3], $0x2800  }
0x81: {  	[sflag:s3] =	ssyncset.done $0x0  }
0x82: {  	[sflag:s3] =	ssyncadd.s32 $0xFFFFD800  }
0x83: {  	[spmem:s25] =	stream.linear.scatter [tilespmem:s0], [sflag:$0x7], $0x2800, $0x38;
	[tilespmem:$0x18B80] =	vst v63  }
0x84: {  	_ =	swait.ge [sflag:s3], $0x2800  }
0x85: {  	[sflag:s3] =	ssyncset.done $0x0  }
0x86: {  	[sflag:s3] =	ssyncadd.s32 $0xFFFFD800  }
0x87: {  	[spmem:s26] =	stream.linear.scatter [tilespmem:s0], [sflag:$0x7], $0x2800, $0x38;
	[tilespmem:$0x18B80] =	vst v63  }
0x88: {  	_ =	swait.ge [sflag:s3], $0x2800  }
0x89: {  	[sflag:s3] =	ssyncset.done $0x0  }
0x8a: {  	s19 =	simm.s32 @!p0 $0x180;
	[sflag:s3] =	ssyncadd.s32 $0xFFFFD800  }
0x8b: {  	[spmem:s28] =	stream.linear.scatter @!p0 [tilespmem:s19], [sflag:$0x7], $0x2800, $0x38;
	[tilespmem:$0x18B80] =	vst v63  }
0x8c: {  	s19 =	simm.s32 @!p0 $0x7  }
0x8d: {  	_ =	swait.ge @!p0 [sflag:s19], $0x2800  }
0x8e: {  	[sflag:s19] =	ssyncset.done @!p0 $0x0  }
0x8f: {  	[sflag:s19] =	ssyncadd.s32 @!p0 $0xFFFFD800  }
0x90: {  	[bflag:$0x0] =	sbarrier.arrive $0xFFFF  }
0x91: {  	s19 =	simm.s32 $0x0;
	s20 =	rddreg [dreg:$0xc]  }
0x92: {  	[tilespmem:s19], [sflag:$0x1] =	stream.linear.gather [hbm4b:s20+s19], $0x50, $0x38;
	[tilespmem:$0x18B80] =	vst v63  }
0x93: {  	s22 =	rddreg [dreg:$0xd]  }
0x94: {  	[tilespmem:s7], [sflag:$0x1] =	stream.linear.gather [hbm4b:s22+s19], $0x50, $0x38;
	[tilespmem:$0x18B80] =	vst v63  }
0x95: {  	s21 =	rddreg [dreg:$0xe]  }
0x96: {  	[tilespmem:s8], [sflag:$0x4] =	stream.linear.gather [hbm4b:s21+s19], $0x50, $0x38;
	[tilespmem:$0x18B80] =	vst v63  }
0x97: {  	s22 =	rddreg [dreg:$0xf]  }
0x98: {  	[tilespmem:s9], [sflag:$0x4] =	stream.linear.gather [hbm4b:s22+s19], $0x50, $0x38;
	[tilespmem:$0x18B80] =	vst v63  }
0x99: {  	_ =	swait.ge [sflag:s10], $0x50  }
0x9a: {  	[sflag:s10] =	ssyncset.done $0x0  }
0x9b: {  	[sflag:s10] =	ssyncadd.s32 $0xFFFFFFB0  }
0x9c: {  	_ =	swait.ge [sflag:s10], $0x50  }
0x9d: {  	[sflag:s10] =	ssyncset.done $0x0  }
0x9e: {  	[sflag:s10] =	ssyncadd.s32 $0xFFFFFFB0  }
0x9f: {  	v1 =	vld [tilespmem:$0x80]  }
0xa0: {  	v2 =	vld [tilespmem:$0x90]  }
0xa1: {  	v3 =	vld [tilespmem:$0xA0]  }
0xa2: {  	v4 =	vld [tilespmem:$0xB0]  }
0xa3: {  	v5 =	vld [tilespmem:$0xC0]  }
0xa4: {  	[tilespmem:$0x100] =	vst v1  }
0xa5: {  	[tilespmem:$0x110] =	vst v2  }
0xa6: {  	[tilespmem:$0x120] =	vst v3  }
0xa7: {  	[tilespmem:$0x130] =	vst v4  }
0xa8: {  	s20 =	rddreg [dreg:$0x14];
	[tilespmem:$0x140] =	vst v5  }
0xa9: {  	[tilespmem:s0], [sflag:$0x2] =	stream.indirect.gather [hbm4b:s1+s11], $0x80, s19, s11, $0xb8;
	[tilespmem:$0x18B80] =	vst v63  }
.LBB2_4:
0xaa: {  	_ =	swait.ge [sflag:s12], $0x50  }
0xab: {  	[sflag:s12] =	ssyncset.done $0x0  }
0xac: {  	[sflag:s12] =	ssyncadd.s32 $0xFFFFFFB0  }
0xad: {  	_ =	swait.ge [sflag:s12], $0x50  }
0xae: {  	p1 =	seq.s32 s19, $0x0;
	[sflag:s12] =	ssyncset.done $0x0  }
0xaf: {  	s21 =	simm.s32 @!p1 $0x6;
	[sflag:s12] =	ssyncadd.s32 $0xFFFFFFB0  }
0xb0: {  	_ =	swait.ge @!p1 [sflag:s21], $0x2800  }
0xb1: {  	[sflag:s21] =	ssyncset.done @!p1 $0x0  }
0xb2: {  	[sflag:s21] =	ssyncadd.s32 @!p1 $0xFFFFD800  }
0xb3: {  	v1 =	vld [tilespmem:$0x2A00]  }
0xb4: {  	v2 =	vld [tilespmem:$0x2A10]  }
0xb5: {  	v3 =	vld [tilespmem:$0x2A20]  }
0xb6: {  	v4 =	vld [tilespmem:$0x2A30]  }
0xb7: {  	v5 =	vld [tilespmem:$0x2A40]  }
0xb8: {  	[tilespmem:$0x2A80] =	vst v1  }
0xb9: {  	[tilespmem:$0x2A90] =	vst v2  }
0xba: {  	[tilespmem:$0x2AA0] =	vst v3  }
0xbb: {  	[tilespmem:$0x2AB0] =	vst v4  }
0xbc: {  	[tilespmem:$0x2AC0] =	vst v5  }
0xbd: {  	[tilespmem:s13], [sflag:$0x5] =	stream.indirect.gather [hbm4b:s1+s11], $0x80, s8, s11, $0xb8;
	[tilespmem:$0x18B80] =	vst v63  }
0xbe: {  	_ =	swait.ge [sflag:s14], $0x2800  }
0xbf: {  	[sflag:s14] =	ssyncset.done $0x0  }
0xc0: {  	s21 =	sshrl.u32 s20, $0x3;
	[sflag:s14] =	ssyncadd.s32 $0xFFFFD800  }
0xc1: {  	[spmem:s2] =	stream.indirect.scatter.add.f32 [tilespmem:s0], [sflag:$0x3], $0x80, s15, s11, $0xb8;
	[tilespmem:$0x18B80] =	vst v63  }
0xc2: {  	s22 =	sadd.s32 s5, s21  }
0xc3: {  	[tilespmem:s4], [sflag:$0x1] =	stream.linear.gather [hbm4b:s22+s4], $0x50, $0x38;
	[tilespmem:$0x18B80] =	vst v63  }
0xc4: {  	s21 =	sadd.s32 s6, s21  }
0xc5: {  	[tilespmem:s7], [sflag:$0x1] =	stream.linear.gather [hbm4b:s21+s4], $0x50, $0x38;
	[tilespmem:$0x18B80] =	vst v63  }
0xc6: {  	_ =	swait.ge [sflag:s10], $0x50  }
0xc7: {  	[sflag:s10] =	ssyncset.done $0x0  }
0xc8: {  	[sflag:s10] =	ssyncadd.s32 $0xFFFFFFB0  }
0xc9: {  	_ =	swait.ge [sflag:s10], $0x50  }
0xca: {  	[sflag:s10] =	ssyncset.done $0x0  }
0xcb: {  	[sflag:s10] =	ssyncadd.s32 $0xFFFFFFB0  }
0xcc: {  	_ =	swait.ge [sflag:s16], $0x2800  }
0xcd: {  	[sflag:s16] =	ssyncset.done $0x0  }
0xce: {  	[sflag:s16] =	ssyncadd.s32 $0xFFFFD800  }
0xcf: {  	v1 =	vld [tilespmem:$0x80]  }
0xd0: {  	v2 =	vld [tilespmem:$0x90]  }
0xd1: {  	v3 =	vld [tilespmem:$0xA0]  }
0xd2: {  	v62 =	vld [tilespmem:$0xB0]  }
0xd3: {  	v63 =	vld [tilespmem:$0xC0]  }
0xd4: {  	[tilespmem:$0x100] =	vst v1  }
0xd5: {  	[tilespmem:$0x110] =	vst v2  }
0xd6: {  	[tilespmem:$0x120] =	vst v3  }
0xd7: {  	[tilespmem:$0x130] =	vst v62  }
0xd8: {  	p1 =	seq.s32 s19, $0x4C4;
	[tilespmem:$0x140] =	vst v63  }
0xd9: {  	[tilespmem:s0], [sflag:$0x2] =	stream.indirect.gather [hbm4b:s1+s11], $0x80, s4, s11, $0xb8;
	[tilespmem:$0x18B80] =	vst v63  }
.Ltmp3:
0xda: {  	_ = 	snop;
	(pc) =	sbr.rel @p1 .LBB2_6-.Ltmp3, $4  }
0xdb: {  	_ =	swait.ge [sflag:s17], $0x2800  }
0xdc: {  	[sflag:s17] =	ssyncset.done $0x0  }
0xdd: {  	[sflag:s17] =	ssyncadd.s32 $0xFFFFD800  }
0xde: {  	[spmem:s2] =	stream.indirect.scatter.add.f32 [tilespmem:s13], [sflag:$0x6], $0x80, s18, s11, $0xb8;
	[tilespmem:$0x18B80] =	vst v63  }
.Ltmp4:
0xdf: {  	(pc) =	sbr.rel .LBB2_4-.Ltmp4, $4  }
0xe0: {  	s21 =	sadd.s32 s19, s30  }
0xe1: {  	[tilespmem:s8], [sflag:$0x4] =	stream.linear.gather [hbm4b:s21+s4], $0x50, $0x38;
	[tilespmem:$0x18B80] =	vst v63  }
0xe2: {  	s22 =	sadd.s32 s19, s29;
	s19 =	sadd.s32 $0x14, s19;
	s20 =	sadd.s32 $0xA0, s20  }
0xe3: {  	[tilespmem:s9], [sflag:$0x4] =	stream.linear.gather [hbm4b:s22+s4], $0x50, $0x38;
	[tilespmem:$0x18B80] =	vst v63  }
.LBB2_7:
0xe4: {  	_ =	sfence.sel $0x180000  }
0xe5: {  	[bflag:$0x0] =	sbarrier.arrive $0xFFFF  }
0xe6: {  	_ =	strace $0x9000004A  }
0xe7: {  	s0 =	stileid.u32;
	[bflag:$0x2] =	sbarrier.arrive $0xFFFF  }
0xe8: {  	p0 =	sne.s32 s0, $0x0;
	s0 =	rddreg [dreg:$0x3]  }
0xe9: {  	s0 =	sadd.s32 @!p0 $0x100000, s0  }
0xea: {  	[sflag:s0] =	ssyncadd.tile.s32 @!p0 $0x1;
	_ =	shalt  }
.Lfunc_end2:
_tile_overlayer_lowered:
.L_overlay_start_2:
0xeb: {  	(tag) =	ssettag $0x2  }
0xec: {  	s0 =	rddreg [dreg:$0x0];
	s2 =	stileid.u32  }
0xed: {  	s1 =	rddreg [dreg:$0x1];
	p0 =	sne.s32 s2, $0x0  }
0xee: {  	s3 =	rddreg [dreg:$0x2];
	[bflag:$0x3] =	sbarrier.arrive $0xFFFF;
	s2 =	simm.s32 @!p0 $0x1C07  }
0xef: {  	[timem:s3], [sflag:s2] =	dma.local @!p0 [hbm:s0], s1  }
0xf0: {  	s0 =	simm.s32 @!p0 $0x7  }
0xf1: {  	_ =	swait.ge @!p0 [sflag:s0], s1  }
0xf2: {  	s1 =	ssub.s32 @!p0 $0x0, s1;
	[sflag:s0] =	ssyncset.done @!p0 $0x0  }
0xf3: {  	[sflag:s0] =	ssyncadd.s32 @!p0 s1  }
0xf4: {  	[bflag:$0x3] =	sbarrier.arrive $0xFFFF  }
0xf5: {  	_ =	shalt  }

// kernel: kernel.9.cloned.1.call-start
scs
__scs_entry_jumppad:
0x0: {  	(pc) =	sbr.rel $0x88, $3  }
0x1: {  	(tag) =	ssettag $0x0;
	lr =	simm.s32 $0x1  }
0x2: {  	[smem:$0x3F95] =	sst lr;
	_ =	strace $0xD0000000  }
0x3: {  	_ = 	snop  }
0x4: {  	_ = 	snop  }
0x5: {  	_ = 	snop  }
0x6: {  	_ = 	snop  }
0x7: {  	_ = 	snop  }
__scs_overlays_trampoline_lowered:
0x8: {  	[smem:$0x3FA4] =	sst s0  }
0x9: {  	[smem:$0x3FA5] =	sst s1  }
0xa: {  	[smem:$0x3FA6] =	sst s2  }
0xb: {  	[smem:$0x3FA7] =	sst s3  }
0xc: {  	[smem:$0x3FA8] =	sst s4  }
0xd: {  	[smem:$0x3FA9] =	sst s5  }
0xe: {  	[smem:$0x3FAA] =	sst s6  }
0xf: {  	[smem:$0x3FAB] =	sst s7  }
0x10: {  	[smem:$0x3FAC] =	sst s8  }
0x11: {  	[smem:$0x3FAD] =	sst s9;
	s0 =	simm.s32 @!p0 $0x0  }
0x12: {  	s1 =	sld [smem:$0x3F93];
	s0 =	simm.s32 @p0 $0x1  }
0x13: {  	[smem:$0x3FAE] =	sst s0;
	s0 =	simm.s32 @!p1 $0x0  }
0x14: {  	s2 =	sld [smem:$0x3F92];
	s0 =	simm.s32 @p1 $0x1  }
0x15: {  	[smem:$0x3FAF] =	sst s0;
	s0 =	simm.s32 @!p2 $0x0  }
0x16: {  	s3 =	sld [smem:$0x3FDB];
	s0 =	simm.s32 @p2 $0x1  }
0x17: {  	s4 =	simm.s32 $0x1BF5;
	[smem:$0x3FB1] =	sst s0  }
0x18: {  	s0 =	sld [smem:$0x3F94];
	_ =	swait.ge [sflag:s4], $0x0  }
0x19: {  	s7 =	sld [smem:$0x3F95]  }
0x1a: {  	s8 =	sadd.s32 $0xFFFFE003, lr  }
0x1b: {  	s9 =	sadd.s32 $0xFFFFFEF7, lr;
	s5 =	simm.s32 $0xFFFFFFFF;
	p2 =	slt.u32 s8, $0xFFFFF086  }
0x1c: {  	p1 =	slt.u32 s9, $0xF7A;
	s5 =	simm.s32 @!p2 $0x0  }
0x1d: {  	s5 =	simm.s32 @p1 $0x1;
	p0 =	seq.s32 s7, s2  }
0x1e: {  	s7 =	smul.u32 @!p0 $0xF7A, s2;
	p2 =	seq.s32 @!p0 s5, $0x0  }
0x1f: {  	s9 =	smul.u32 $0xF7A, s1;
	s8 =	simm.s32 @!p0 $0x1BF5;
	p2 =	por !p2, p0  }
0x20: {  	[sflag:s8] =	ssyncset.s32 @!p0 $0xFFFFF086;
	s6 =	sadd.s32 @!p0 s3, s7;
	s7 =	simm.s32 @!p0 $0x108  }
0x21: {  	s3 =	sadd.s32 s3, s9;
	s6 =	sadd.s32 @!p0 $0x88, s6;
	s7 =	simm.s32 @p2 $0x1082  }
0x22: {  	[simem:s7], [sflag:s8] =	dma.local @!p0 [hbm:s6], $0xF7A  }
0x23: {  	s9 =	sor.u32 $0xD0000000, s2;
	s6 =	simm.s32 $0x108;
	_ =	swait.ge @!p0 [sflag:s8], $0x0  }
0x24: {  	s3 =	sadd.s32 $0x88, s3;
	s6 =	simm.s32 @!p1 $0x1082;
	[sflag:s4] =	ssyncset.s32 $0xFFFFF086  }
0x25: {  	[simem:s6], [sflag:s4] =	dma.local [hbm:s3], $0xF7A  }
0x26: {  	[smem:$0x3F95] =	sst s1;
	(tag) =	ssettag s2;
	_ =	strace s9  }
0x27: {  	s1 =	sld [smem:$0x3FA5]  }
0x28: {  	s2 =	sld [smem:$0x3FA6]  }
0x29: {  	s4 =	sld [smem:$0x3FA8]  }
0x2a: {  	p0 =	seq.s32 s5, $0x0;
	s5 =	sld [smem:$0x3FA9]  }
0x2b: {  	s6 =	sld [smem:$0x3FAA]  }
0x2c: {  	s7 =	sld [smem:$0x3FAB]  }
0x2d: {  	s3 =	simm.s32 $0x108;
	s8 =	sld [smem:$0x3FAC]  }
0x2e: {  	s3 =	simm.s32 @!p0 $0x1082;
	s9 =	sld [smem:$0x3FAD]  }
0x2f: {  	lr =	sadd.s32 s0, s3;
	s0 =	sld [smem:$0x3FA4]  }
0x30: {  	s3 =	sld [smem:$0x3FA7]  }
0x31: {  	[smem:$0x3FB0] =	sst s10  }
0x32: {  	s10 =	sld [smem:$0x3FAE];
	_ =	sdelay $0x3  }
0x33: {  	p0 =	seq.s32 s10, $0x1;
	s10 =	sld [smem:$0x3FB0];
	_ =	sdelay $0x3  }
0x34: {  	[smem:$0x3FB0] =	sst s10  }
0x35: {  	s10 =	sld [smem:$0x3FAF];
	_ =	sdelay $0x3  }
0x36: {  	p1 =	seq.s32 s10, $0x1;
	s10 =	sld [smem:$0x3FB0];
	_ =	sdelay $0x3  }
0x37: {  	[smem:$0x3FB0] =	sst s10  }
0x38: {  	s10 =	sld [smem:$0x3FB1]  }
0x39: {  	_ = 	snop;
	(pc) =	sbr.ind lr, $3  }
0x3a: {  	_ = 	snop  }
0x3b: {  	_ = 	snop  }
0x3c: {  	p2 =	seq.s32 s10, $0x1;
	s10 =	sld [smem:$0x3FB0]  }
0x3d: {  	_ =	shalt  }
0x3e: {  	_ =	shalt  }
0x3f: {  	_ =	shalt  }
0x40: {  	_ =	shalt  }
0x41: {  	_ =	shalt  }
0x42: {  	_ =	shalt  }
0x43: {  	_ =	shalt  }
0x44: {  	_ =	shalt  }
0x45: {  	_ =	shalt  }
0x46: {  	_ =	shalt  }
0x47: {  	_ =	shalt  }
0x48: {  	_ =	shalt  }
0x49: {  	_ =	shalt  }
0x4a: {  	_ =	shalt  }
0x4b: {  	_ =	shalt  }
0x4c: {  	_ =	shalt  }
0x4d: {  	_ =	shalt  }
0x4e: {  	_ =	shalt  }
0x4f: {  	_ =	shalt  }
0x50: {  	_ =	shalt  }
0x51: {  	_ =	shalt  }
0x52: {  	_ =	shalt  }
0x53: {  	_ =	shalt  }
0x54: {  	_ =	shalt  }
0x55: {  	_ =	shalt  }
0x56: {  	_ =	shalt  }
0x57: {  	_ =	shalt  }
0x58: {  	_ =	shalt  }
0x59: {  	_ =	shalt  }
0x5a: {  	_ =	shalt  }
0x5b: {  	_ =	shalt  }
0x5c: {  	_ =	shalt  }
0x5d: {  	_ =	shalt  }
0x5e: {  	_ =	shalt  }
0x5f: {  	_ =	shalt  }
0x60: {  	_ =	shalt  }
0x61: {  	_ =	shalt  }
0x62: {  	_ =	shalt  }
0x63: {  	_ =	shalt  }
0x64: {  	_ =	shalt  }
0x65: {  	_ =	shalt  }
0x66: {  	_ =	shalt  }
0x67: {  	_ =	shalt  }
0x68: {  	_ =	shalt  }
0x69: {  	_ =	shalt  }
0x6a: {  	_ =	shalt  }
0x6b: {  	_ =	shalt  }
0x6c: {  	_ =	shalt  }
0x6d: {  	_ =	shalt  }
0x6e: {  	_ =	shalt  }
0x6f: {  	_ =	shalt  }
0x70: {  	_ =	shalt  }
0x71: {  	_ =	shalt  }
0x72: {  	_ =	shalt  }
0x73: {  	_ =	shalt  }
0x74: {  	_ =	shalt  }
0x75: {  	_ =	shalt  }
0x76: {  	_ =	shalt  }
0x77: {  	_ =	shalt  }
0x78: {  	_ =	shalt  }
0x79: {  	_ =	shalt  }
0x7a: {  	_ =	shalt  }
0x7b: {  	_ =	shalt  }
0x7c: {  	_ =	shalt  }
0x7d: {  	_ =	shalt  }
0x7e: {  	_ =	shalt  }
0x7f: {  	_ =	shalt  }
0x80: {  	_ =	shalt  }
0x81: {  	_ =	shalt  }
0x82: {  	_ =	shalt  }
0x83: {  	_ =	shalt  }
0x84: {  	_ =	shalt  }
0x85: {  	_ =	shalt  }
0x86: {  	_ =	shalt  }
0x87: {  	_ =	shalt  }
.Lfunc_end0:
.L_simem_size_0:
called_computation.1_lowered:
.L_overlay_start_0:
0x88: {  	s2 =	sld [smem:$0x3FD9]  }
0x89: {  	s3 =	sld [smem:$0x3FFE];
	_ =	sdelay $0x1  }
0x8a: {  	s1 =	srdreg.scid  }
0x8b: {  	s0 =	sand.u32 $0x1, s1  }
0x8c: {  	s16 =	sshll.u32 s0, $0xA;
	s2 =	sadd.s32 s3, s2  }
0x8d: {  	s2 =	sadd.s32 s2, s16  }
0x8e: {  	[smem:$0x3FBC] =	sst s2  }
0x8f: {  	_ = 	snop  }
0x90: {  	(tm) =	ssettm $0x1  }
0x91: {  	s17 =	sld [smem:$0x3FFB];
	_ =	sdelay $0x3  }
0x92: {  	_ =	strace s17  }
0x93: {  	s2 =	sld [smem:$0x3FFC];
	_ =	sdelay $0x3  }
0x94: {  	_ =	strace s2  }
0x95: {  	s2 =	sld [smem:$0x3FFD];
	_ =	sdelay $0x3  }
0x96: {  	_ =	strace s2  }
0x97: {  	_ =	strace $0x8FFFFFFF  }
0x98: {  	s18 =	sld [smem:$0x3FDB];
	_ =	sdelay $0x1  }
0x99: {  	s19 =	simm.s32 $_scs_section_size  }
0x9a: {  	s4 =	simm.s32 $_size__tile_overlayer_lowered;
	s5 =	simm.s32 $_tile_overlayer_lowered  }
0x9b: {  	s22 =	simm.s32 $0x1BFF;
	s21 =	sshll.u32 s5, $0x1;
	s2 =	sadd.s32 s19, s18  }
0x9c: {  	s6 =	simm.s32 $0x0;
	s20 =	sshll.u32 s4, $0x1;
	s4 =	sadd.s32 s21, s2  }
0x9d: {  	[timem:s6], [sflag:s22] =	dma.local [hbm:s4], s20  }
0x9e: {  	_ =	swait.ge [sflag:s22], s20  }
0x9f: {  	s3 =	ssub.s32 $0x0, s20;
	[sflag:s22] =	ssyncset.done $0x0  }
0xa0: {  	[sflag:s22] =	ssyncadd.s32 s3;
	_ =	sdelay $0x1  }
0xa1: {  	s23 =	simm.s32 $0x1B8B  }
0xa2: {  	_ =	swait.ge [sflag:s23], $0x1  }
0xa3: {  	[sflag:s23] =	ssyncset.done $0x0  }
0xa4: {  	s25 =	simm.s32 $0x1B8E;
	s24 =	sld [smem:$0x3FFE];
	[sflag:s23] =	ssyncadd.s32 $0xFFFFFFFF  }
0xa5: {  	s26 =	simm.s32 $execute0_lowered;
	[smem:$0x3FD2] =	sst s25  }
0xa6: {  	s4 =	sshll.u32 s26, $0x1;
	_ =	strace $0x80000046;
	[dreg:$0x1] =	wrdreg $0xFFFFFFFF  }
0xa7: {  	s28 =	simm.s32 $_size_execute0_lowered;
	s2 =	sadd.s32 s2, s4;
	[dreg:$0x0] =	wrdreg $0x0  }
0xa8: {  	s4 =	sshll.u32 s28, $0x1;
	[dreg:$0x2] =	wrdreg s2  }
0xa9: {  	[dreg:$0x3] =	wrdreg s4  }
0xaa: {  	[dreg:$0x4] =	wrdreg $0xC0  }
0xab: {  	_ =	task [dreg:s6], $0x5FFFF  }
0xac: {  	[dreg:$0x1] =	wrdreg $0xFFFFFFFF  }
0xad: {  	[dreg:$0x0] =	wrdreg $0x60  }
0xae: {  	[dreg:$0x2] =	wrdreg s24  }
0xaf: {  	[dreg:$0x3] =	wrdreg $0xA5000  }
0xb0: {  	[dreg:$0x4] =	wrdreg $0xA  }
0xb1: {  	_ =	task.clear_ibuf [dreg:s6], $0x5FFFF;
	_ =	strace $0x90000046  }
0xb2: {  	s29 =	simm.s32 $0xA;
	_ =	strace $0x80000048  }
0xb3: {  	_ =	swait.ge [sflag:s29], $0x1  }
0xb4: {  	[sflag:s29] =	ssyncadd.s32 $0xFFFFFFFF  }
0xb5: {  	_ =	strace $0x90000048  }
0xb6: {  	_ =	sfence  }
0xb7: {  	s30 =	sld [smem:$0x0];
	_ =	sdelay $0x2  }
0xb8: {  	s31 =	sshll.u32 s1, $0xD;
	s1 =	sshrl.u32 s1, $0x2  }
0xb9: {  	s3 =	sand.u32 $0x4000, s31;
	s1 =	sadd.s32 s1, s30  }
0xba: {  	s0 =	sor.u32 s3, s0;
	s1 =	sshll.u32 s1, $0x11  }
0xbb: {  	s0 =	sor.u32 s1, s0  }
0xbc: {  	s0 =	sadd.s32 $0x8F2B, s0  }
0xbd: {  	[sflag:s0] =	ssyncadd.remote.s32 $0x1  }
0xbe: {  	_ =	sfence.sel $0xFFFF  }
0xbf: {  	[dreg:$0x0] =	wrdreg $0xFFFFFFFF;
	(pc) =	sbr.abs _section_cstart, $3  }
0xc0: {  	[dreg:$0x1] =	wrdreg $0xFFFFFFFF  }
0xc1: {  	_ =	task.clear_ibuf [dreg:s6], $0x2FFFF;
	_ =	strace $0x9FFFFFFF  }
0xc2: {  	(tm) =	ssettm $0x7FFFFFFF  }
0xc3: {  	_ =	shalt  }
tec
execute0_lowered:
.L_overlay_start_1:
0x0: {  	(tag) =	ssettag $0x1  }
0x1: {  	s0 =	rddreg [dreg:$0x0]  }
0x2: {  	s1 =	rddreg [dreg:$0x1];
	s20 =	stileid.u32  }
0x3: {  	s3 =	srdreg.scid;
	s7 =	smul.u32 $0x4E20, s20  }
0x4: {  	s2 =	simm.s32 $0x0;
	s3 =	sand.u32 $0x1, s3;
	s25 =	smul.u32 $0x50, s20  }
0x5: {  	[smem:$0x7FF] =	sst s2;
	s9 =	sor.u32 $0x10, s20;
	s24 =	smul.u32 $0x2710, s3  }
0x6: {  	s4 =	sadd.s32 $0xB800, s0;
	s10 =	sor.u32 $0x20, s20;
	s13 =	smul.u32 $0x50, s9  }
0x7: {  	s5 =	sadd.s32 $0x1A00, s0;
	s11 =	sor.u32 $0x30, s20;
	s14 =	smul.u32 $0x50, s10  }
0x8: {  	s8 =	sadd.s32 $0xB1A00, s0;
	s12 =	sor.u32 $0x40, s20;
	s30 =	smul.u32 $0x50, s11  }
0x9: {  	s16 =	sor.u32 $0x50, s20;
	s17 =	sor.u32 $0x60, s20;
	s15 =	smul.u32 $0x50, s12  }
0xa: {  	s18 =	sor.u32 $0x70, s20;
	s6 =	ssub.s32 $0x2, s3;
	s21 =	smul.u32 $0x50, s16  }
0xb: {  	_ =	strace $0x80000047;
	s12 =	smul.u32 $0xA000, s12;
	s23 =	sshrl.u32 s6, $0x1  }
0xc: {  	s16 =	smul.u32 $0xA000, s16;
	p0 =	sgt.u32 s18, $0x7C;
	s3 =	ssub.s32 s6, s23  }
0xd: {  	s6 =	sadd.s32 s24, s25;
	s26 =	sadd.s32 s24, s13;
	s28 =	sadd.s32 s24, s14  }
0xe: {  	s22 =	sadd.s32 s24, s30;
	s23 =	sadd.s32 s24, s15;
	s25 =	smul.u32 $0x50, s17  }
0xf: {  	s6 =	sshll.u32 s6, $0x4;
	s13 =	sshll.u32 s28, $0x4;
	s14 =	sshll.u32 s23, $0x4  }
0x10: {  	s3 =	smax.u32 s3, $0x1;
	s6 =	sadd.s32 s8, s6;
	s19 =	sadd.s32 s8, s13  }
0x11: {  	s13 =	sshll.u32 s22, $0x4;
	s28 =	sadd.s32 s24, s25;
	[dreg:$0xf] =	wrdreg s3  }
0x12: {  	s22 =	sshrl.u32 s7, $0x3;
	s3 =	simm.s32 $0x7;
	[dreg:$0x3] =	wrdreg s6  }
0x13: {  	s6 =	sshll.u32 s26, $0x4;
	[dreg:$0x5] =	wrdreg s19;
	s19 =	smul.u32 $0x50, s18  }
0x14: {  	s13 =	sadd.s32 s8, s13;
	s26 =	sadd.s32 s8, s14;
	s15 =	sshll.u32 s28, $0x4  }
0x15: {  	s14 =	sadd.s32 $0x63800, s0;
	s23 =	sadd.s32 s4, s22;
	s28 =	smul.u32 $0xA000, s9  }
0x16: {  	s25 =	sadd.s32 s5, s22;
	s9 =	smul.u32 $0xA000, s10;
	[dreg:$0x6] =	wrdreg s13  }
0x17: {  	s10 =	smul.u32 $0xA000, s11;
	s6 =	sadd.s32 s8, s6;
	[dreg:$0x7] =	wrdreg s26  }
0x18: {  	[dreg:$0xb] =	wrdreg s23;
	s26 =	sadd.s32 $0xA, s22;
	s22 =	smul.u32 $0xA000, s17  }
0x19: {  	[dreg:$0xc] =	wrdreg s25;
	s23 =	smul.u32 $0xA000, s18;
	s17 =	simm.s32 $0x7D00  }
0x1a: {  	s18 =	simm.s32 $0x2;
	[dreg:$0x4] =	wrdreg s6;
	s6 =	sadd.s32 s24, s21  }
0x1b: {  	s30 =	sadd.s32 s24, s19;
	s11 =	sshrl.u32 s28, $0x2;
	s13 =	sshrl.u32 s9, $0x2  }
0x1c: {  	v0 =	vmov s24;
	s9 =	simm.s32 $0x50;
	s24 =	simm.s32 $0x0;
	s6 =	sshll.u32 s6, $0x4  }
0x1d: {  	s19 =	sshll.u32 s30, $0x4;
	s30 =	sadd.s32 s4, s26;
	s28 =	sshrl.u32 s22, $0x2  }
0x1e: {  	s22 =	simm.s32 $0x5;
	s6 =	sadd.s32 s8, s6;
	s21 =	sadd.s32 s8, s19  }
0x1f: {  	[dreg:$0xd] =	wrdreg s30;
	s19 =	sshrl.u32 s10, $0x2;
	s30 =	sshrl.u32 s23, $0x2  }
0x20: {  	s10 =	simm.s32 $0x2A80;
	s23 =	simm.s32 $0x5480;
	[dreg:$0x8] =	wrdreg s6  }
0x21: {  	s6 =	sadd.s32 s8, s15;
	[dreg:$0xa] =	wrdreg s21;
	s15 =	sadd.s32 $0x15600, s0  }
0x22: {  	s0 =	sadd.s32 s5, s26;
	s8 =	smul.u32 $0xA000, s20;
	s20 =	sadd.s32 $0xA0, s7  }
0x23: {  	s21 =	sadd.s32 $0xF0, s7;
	s26 =	sshrl.u32 s16, $0x2;
	s31 =	sadd.s32 s30, s1  }
0x24: {  	s7 =	simm.s32 $0x5300;
	s16 =	simm.s32 $0x5380;
	[dreg:$0x9] =	wrdreg s6  }
0x25: {  	[dreg:$0xe] =	wrdreg s0;
	s6 =	sshrl.u32 s12, $0x2;
	s12 =	simm.s32 $0x5400  }
0x26: {  	s0 =	sshrl.u32 s8, $0x2;
	s25 =	sadd.s32 s6, s1;
	s6 =	simm.s32 $0x5280  }
0x27: {  	s29 =	sadd.s32 s0, s1;
	s0 =	sadd.s32 s11, s1;
	[dreg:$0x13] =	wrdreg s25  }
.Ltmp0:
0x28: {  	[dreg:$0x10] =	wrdreg s0;
	s0 =	sadd.s32 s13, s1;
	(pc) =	sbr.rel .LBB2_1-.Ltmp0, $4  }
0x29: {  	s8 =	simm.s32 $0x1;
	[dreg:$0x11] =	wrdreg s0;
	s0 =	sadd.s32 s19, s1  }
0x2a: {  	s11 =	simm.s32 $0x4;
	[dreg:$0x12] =	wrdreg s0;
	s0 =	sadd.s32 s26, s1  }
0x2b: {  	s13 =	simm.s32 $0x5500;
	[dreg:$0x14] =	wrdreg s0;
	s0 =	sadd.s32 s28, s1  }
0x2c: {  	v1 =	vimm.f32 $0.0e+00;
	s19 =	simm.s32 $0x200;
	[dreg:$0x15] =	wrdreg s0;
	s0 =	simm.s32 $0x280  }
.LBB2_10:
0x2d: {  	s25 =	simm.s32 $0x3  }
0x2e: {  	_ =	swait.ge [sflag:s25], $0x2800  }
0x2f: {  	[sflag:s25] =	ssyncset.done $0x0  }
0x30: {  	s28 =	simm.s32 $0x6;
	[sflag:s25] =	ssyncadd.s32 $0xFFFFD800  }
0x31: {  	_ =	swait.ge [sflag:s28], $0x2800  }
0x32: {  	[sflag:s28] =	ssyncset.done $0x0  }
0x33: {  	s26 =	stileid.u32;
	[sflag:s28] =	ssyncadd.s32 $0xFFFFD800  }
0x34: {  	s25 =	sshll.u32 s26, $0x6;
	[bflag:$0x0] =	sbarrier.arrive $0xFFFF  }
0x35: {  	s26 =	sshrl.u32 s30, $0x3;
	s25 =	sor.u32 $0x1C07, s25;
	s28 =	rddreg [dreg:$0x3]  }
0x36: {  	[hbm:s28], [sflag:s25] =	dma.local [spmem:s26], $0x500  }
0x37: {  	_ =	swait.ge [sflag:s3], $0x500  }
0x38: {  	s29 =	smov.u32 s30;
	[sflag:s3] =	ssyncset.done $0x0;
	s28 =	rddreg [dreg:$0x10]  }
0x39: {  	s30 =	rddreg [dreg:$0x4];
	[sflag:s3] =	ssyncadd.s32 $0xFFFFFB00;
	s26 =	sshrl.u32 s28, $0x3  }
0x3a: {  	[hbm:s30], [sflag:s25] =	dma.local [spmem:s26], $0x500  }
0x3b: {  	_ =	swait.ge [sflag:s3], $0x500  }
0x3c: {  	[sflag:s3] =	ssyncset.done $0x0;
	s28 =	rddreg [dreg:$0x11]  }
0x3d: {  	s30 =	rddreg [dreg:$0x5];
	[sflag:s3] =	ssyncadd.s32 $0xFFFFFB00;
	s26 =	sshrl.u32 s28, $0x3  }
0x3e: {  	[hbm:s30], [sflag:s25] =	dma.local [spmem:s26], $0x500  }
0x3f: {  	_ =	swait.ge [sflag:s3], $0x500  }
0x40: {  	[sflag:s3] =	ssyncset.done $0x0;
	s28 =	rddreg [dreg:$0x12]  }
0x41: {  	s30 =	rddreg [dreg:$0x6];
	[sflag:s3] =	ssyncadd.s32 $0xFFFFFB00;
	s26 =	sshrl.u32 s28, $0x3  }
0x42: {  	[hbm:s30], [sflag:s25] =	dma.local [spmem:s26], $0x500  }
0x43: {  	_ =	swait.ge [sflag:s3], $0x500  }
0x44: {  	[sflag:s3] =	ssyncset.done $0x0;
	s28 =	rddreg [dreg:$0x13]  }
0x45: {  	s30 =	rddreg [dreg:$0x7];
	[sflag:s3] =	ssyncadd.s32 $0xFFFFFB00;
	s26 =	sshrl.u32 s28, $0x3  }
0x46: {  	[hbm:s30], [sflag:s25] =	dma.local [spmem:s26], $0x500  }
0x47: {  	_ =	swait.ge [sflag:s3], $0x500  }
0x48: {  	[sflag:s3] =	ssyncset.done $0x0;
	s28 =	rddreg [dreg:$0x14]  }
0x49: {  	s30 =	rddreg [dreg:$0x8];
	[sflag:s3] =	ssyncadd.s32 $0xFFFFFB00;
	s26 =	sshrl.u32 s28, $0x3  }
0x4a: {  	[hbm:s30], [sflag:s25] =	dma.local [spmem:s26], $0x500  }
0x4b: {  	_ =	swait.ge [sflag:s3], $0x500  }
0x4c: {  	[sflag:s3] =	ssyncset.done $0x0;
	s28 =	rddreg [dreg:$0x15]  }
0x4d: {  	s30 =	rddreg [dreg:$0x9];
	[sflag:s3] =	ssyncadd.s32 $0xFFFFFB00;
	s26 =	sshrl.u32 s28, $0x3  }
0x4e: {  	[hbm:s30], [sflag:s25] =	dma.local [spmem:s26], $0x500  }
0x4f: {  	_ =	swait.ge [sflag:s3], $0x500  }
0x50: {  	[sflag:s3] =	ssyncset.done $0x0  }
0x51: {  	s26 =	sshrl.u32 @!p0 s31, $0x3;
	s28 =	rddreg [dreg:$0xa];
	[sflag:s3] =	ssyncadd.s32 $0xFFFFFB00  }
0x52: {  	[hbm:s28], [sflag:s25] =	dma.local @!p0 [spmem:s26], $0x500  }
0x53: {  	s25 =	simm.s32 @!p0 $0x7  }
0x54: {  	_ =	swait.ge @!p0 [sflag:s25], $0x500  }
0x55: {  	s24 =	sadd.s32 $0x1, s24;
	s30 =	rddreg [dreg:$0xf]  }
0x56: {  	p1 =	sne.s32 s24, s30  }
.Ltmp1:
0x57: {  	_ = 	snop;
	(pc) =	sbr.rel @!p1 .LBB2_11-.Ltmp1, $3  }
0x58: {  	_ =	sdelay $0x1  }
0x59: {  	[sflag:s25] =	ssyncset.done @!p0 $0x0  }
0x5a: {  	[sflag:s25] =	ssyncadd.s32 @!p0 $0xFFFFFB00  }
.LBB2_1:
0x5b: {  	s25 =	simm.s32 $0x0;
	s26 =	simm.s32 $0x200  }
.LBB2_2:
0x5c: {  	p1 =	sne.s32 s26, $0x9E00;
	[tilespmem:s25+$0x2F0] =	vst v1  }
0x5d: {  	[tilespmem:s25+$0x280] =	vst v1  }
0x5e: {  	[tilespmem:s25+$0x290] =	vst v1  }
.Ltmp2:
0x5f: {  	[tilespmem:s25+$0x2A0] =	vst v1;
	(pc) =	sbr.rel @p1 .LBB2_2-.Ltmp2, $4  }
0x60: {  	[tilespmem:s25+$0x2B0] =	vst v1  }
0x61: {  	[tilespmem:s25+$0x2C0] =	vst v1  }
0x62: {  	[tilespmem:s25+$0x2D0] =	vst v1  }
0x63: {  	[tilespmem:s25+$0x2E0] =	vst v1;
	s25 =	sshra.s32 s26, $0x2;
	s26 =	sadd.s32 $0x200, s26  }
0x64: {  	[tilespmem:s25+$0x2F0] =	vst v1  }
0x65: {  	[tilespmem:s25+$0x280] =	vst v1  }
0x66: {  	[tilespmem:s25+$0x290] =	vst v1  }
0x67: {  	[tilespmem:s25+$0x2A0] =	vst v1  }
0x68: {  	[tilespmem:s25+$0x2B0] =	vst v1  }
0x69: {  	[tilespmem:s25+$0x2C0] =	vst v1  }
0x6a: {  	[tilespmem:s25+$0x2D0] =	vst v1  }
0x6b: {  	[tilespmem:s25+$0x2E0] =	vst v1  }
0x6c: {  	[spmem:s29] =	stream.linear.scatter [tilespmem:s0], [sflag:$0x7], $0x2800, $0x38;
	[tilespmem:$0x1DD80] =	vst v63  }
0x6d: {  	_ =	swait.ge [sflag:s3], $0x2800  }
0x6e: {  	[sflag:s3] =	ssyncset.done $0x0  }
0x6f: {  	s30 =	smov.u32 s29;
	s29 =	rddreg [dreg:$0x10];
	[sflag:s3] =	ssyncadd.s32 $0xFFFFD800  }
0x70: {  	[spmem:s29] =	stream.linear.scatter [tilespmem:s0], [sflag:$0x7], $0x2800, $0x38;
	[tilespmem:$0x1DD80] =	vst v63  }
0x71: {  	_ =	swait.ge [sflag:s3], $0x2800  }
0x72: {  	[sflag:s3] =	ssyncset.done $0x0  }
0x73: {  	s26 =	rddreg [dreg:$0x11];
	[sflag:s3] =	ssyncadd.s32 $0xFFFFD800  }
0x74: {  	[spmem:s26] =	stream.linear.scatter [tilespmem:s0], [sflag:$0x7], $0x2800, $0x38;
	[tilespmem:$0x1DD80] =	vst v63  }
0x75: {  	_ =	swait.ge [sflag:s3], $0x2800  }
0x76: {  	[sflag:s3] =	ssyncset.done $0x0  }
0x77: {  	s28 =	rddreg [dreg:$0x12];
	[sflag:s3] =	ssyncadd.s32 $0xFFFFD800  }
0x78: {  	[spmem:s28] =	stream.linear.scatter [tilespmem:s0], [sflag:$0x7], $0x2800, $0x38;
	[tilespmem:$0x1DD80] =	vst v63  }
0x79: {  	_ =	swait.ge [sflag:s3], $0x2800  }
0x7a: {  	[sflag:s3] =	ssyncset.done $0x0  }
0x7b: {  	s29 =	rddreg [dreg:$0x13];
	[sflag:s3] =	ssyncadd.s32 $0xFFFFD800  }
0x7c: {  	[spmem:s29] =	stream.linear.scatter [tilespmem:s0], [sflag:$0x7], $0x2800, $0x38;
	[tilespmem:$0x1DD80] =	vst v63  }
0x7d: {  	_ =	swait.ge [sflag:s3], $0x2800  }
0x7e: {  	[sflag:s3] =	ssyncset.done $0x0  }
0x7f: {  	s26 =	rddreg [dreg:$0x14];
	[sflag:s3] =	ssyncadd.s32 $0xFFFFD800  }
0x80: {  	[spmem:s26] =	stream.linear.scatter [tilespmem:s0], [sflag:$0x7], $0x2800, $0x38;
	[tilespmem:$0x1DD80] =	vst v63  }
0x81: {  	_ =	swait.ge [sflag:s3], $0x2800  }
0x82: {  	[sflag:s3] =	ssyncset.done $0x0  }
0x83: {  	s28 =	rddreg [dreg:$0x15];
	[sflag:s3] =	ssyncadd.s32 $0xFFFFD800  }
0x84: {  	[spmem:s28] =	stream.linear.scatter [tilespmem:s0], [sflag:$0x7], $0x2800, $0x38;
	[tilespmem:$0x1DD80] =	vst v63  }
0x85: {  	_ =	swait.ge [sflag:s3], $0x2800  }
0x86: {  	[sflag:s3] =	ssyncset.done $0x0  }
0x87: {  	s25 =	simm.s32 @!p0 $0x280;
	[sflag:s3] =	ssyncadd.s32 $0xFFFFD800  }
0x88: {  	[spmem:s31] =	stream.linear.scatter @!p0 [tilespmem:s25], [sflag:$0x7], $0x2800, $0x38;
	[tilespmem:$0x1DD80] =	vst v63  }
0x89: {  	s25 =	simm.s32 @!p0 $0x7  }
0x8a: {  	_ =	swait.ge @!p0 [sflag:s25], $0x2800  }
0x8b: {  	[sflag:s25] =	ssyncset.done @!p0 $0x0  }
0x8c: {  	[sflag:s25] =	ssyncadd.s32 @!p0 $0xFFFFD800  }
0x8d: {  	[bflag:$0x0] =	sbarrier.arrive $0xFFFF  }
0x8e: {  	s25 =	simm.s32 $0x0;
	s26 =	rddreg [dreg:$0xb]  }
0x8f: {  	[tilespmem:s25], [sflag:$0x1] =	stream.linear.gather [hbm4b:s26+s25], $0x50, $0x38;
	[tilespmem:$0x1DD80] =	vst v63  }
0x90: {  	s28 =	simm.s32 $0x80;
	s29 =	rddreg [dreg:$0xc]  }
0x91: {  	[tilespmem:s28], [sflag:$0x1] =	stream.linear.gather [hbm4b:s29+s25], $0x50, $0x38;
	[tilespmem:$0x1DD80] =	vst v63  }
0x92: {  	s28 =	rddreg [dreg:$0xd]  }
0x93: {  	[tilespmem:s6], [sflag:$0x4] =	stream.linear.gather [hbm4b:s28+s25], $0x50, $0x38;
	[tilespmem:$0x1DD80] =	vst v63  }
0x94: {  	s29 =	rddreg [dreg:$0xe]  }
0x95: {  	[tilespmem:s7], [sflag:$0x4] =	stream.linear.gather [hbm4b:s29+s25], $0x50, $0x38;
	[tilespmem:$0x1DD80] =	vst v63  }
0x96: {  	_ =	swait.ge [sflag:s8], $0x50  }
0x97: {  	[sflag:s8] =	ssyncset.done $0x0  }
0x98: {  	[sflag:s8] =	ssyncadd.s32 $0xFFFFFFB0  }
0x99: {  	_ =	swait.ge [sflag:s8], $0x50  }
0x9a: {  	[sflag:s8] =	ssyncset.done $0x0  }
0x9b: {  	[sflag:s8] =	ssyncadd.s32 $0xFFFFFFB0  }
0x9c: {  	v2 =	vld [tilespmem:$0x0]  }
0x9d: {  	v3 =	vld [tilespmem:$0x80]  }
0x9e: {  	v5 =	vld [tilespmem:$0x90];
	_ =	sdelay $0x1  }
0x9f: {  	v4 =	vld [tilespmem:$0x10]  }
0xa0: {  	v63 =	vld [tilespmem:$0xC0]  }
0xa1: {  	[tilespmem:$0x200] =	vst v3  }
0xa2: {  	v6 =	vld [tilespmem:$0x20];
	v2 =	vadd.s32 v0, v2;
	[tilespmem:$0x210] =	vst v5  }
0xa3: {  	[tilespmem:$0x100] =	vst v2;
	v2 =	vadd.s32 v0, v3  }
0xa4: {  	[tilespmem:$0x180] =	vst v2;
	v2 =	vld [tilespmem:$0xA0]  }
0xa5: {  	v59 =	vld [tilespmem:$0x30];
	[tilespmem:$0x240] =	vst v63;
	v3 =	vadd.s32 v0, v4  }
0xa6: {  	[tilespmem:$0x110] =	vst v3;
	v3 =	vadd.s32 v0, v5  }
0xa7: {  	v60 =	vadd.s32 v0, v6;
	[tilespmem:$0x190] =	vst v3;
	v3 =	vld [tilespmem:$0xB0]  }
0xa8: {  	v62 =	vld [tilespmem:$0x40];
	[tilespmem:$0x120] =	vst v60  }
0xa9: {  	v61 =	vadd.s32 v0, v2;
	[tilespmem:$0x220] =	vst v2  }
0xaa: {  	v2 =	vadd.s32 v0, v59;
	[tilespmem:$0x1A0] =	vst v61  }
0xab: {  	[tilespmem:$0x130] =	vst v2  }
0xac: {  	v2 =	vadd.s32 v0, v3;
	[tilespmem:$0x230] =	vst v3  }
0xad: {  	[tilespmem:$0x1B0] =	vst v2;
	v2 =	vadd.s32 v0, v62  }
0xae: {  	[tilespmem:$0x140] =	vst v2;
	v2 =	vadd.s32 v0, v63  }
0xaf: {  	s28 =	simm.s32 $0x180;
	[tilespmem:$0x1C0] =	vst v2  }
0xb0: {  	[tilespmem:s0], [sflag:$0x2] =	stream.indirect.gather [hbm4b:s14+s9], $0x80, s28, s9, $0xb8;
	[tilespmem:$0x1DD80] =	vst v63  }
0xb1: {  	s29 =	simm.s32 $0x100  }
0xb2: {  	[tilespmem:s10], [sflag:$0x2] =	stream.indirect.gather [hbm4b:s15+s9], $0x80, s29, s9, $0xb8;
	[tilespmem:$0x1DD80] =	vst v63  }
.LBB2_4:
0xb3: {  	_ =	swait.ge [sflag:s11], $0x50  }
0xb4: {  	[sflag:s11] =	ssyncset.done $0x0  }
0xb5: {  	[sflag:s11] =	ssyncadd.s32 $0xFFFFFFB0  }
0xb6: {  	_ =	swait.ge [sflag:s11], $0x50  }
0xb7: {  	p1 =	seq.s32 s25, $0x0;
	[sflag:s11] =	ssyncset.done $0x0  }
0xb8: {  	s26 =	simm.s32 @!p1 $0x6;
	[sflag:s11] =	ssyncadd.s32 $0xFFFFFFB0  }
0xb9: {  	_ =	swait.ge @!p1 [sflag:s26], $0x2800  }
0xba: {  	[sflag:s26] =	ssyncset.done @!p1 $0x0  }
0xbb: {  	[sflag:s26] =	ssyncadd.s32 @!p1 $0xFFFFD800  }
0xbc: {  	v2 =	vld [tilespmem:$0x5280]  }
0xbd: {  	v3 =	vld [tilespmem:$0x5300];
	_ =	sdelay $0x1  }
0xbe: {  	v4 =	vld [tilespmem:$0x5290]  }
0xbf: {  	v5 =	vld [tilespmem:$0x5310];
	_ =	sdelay $0x1  }
0xc0: {  	v6 =	vld [tilespmem:$0x52A0];
	v2 =	vadd.s32 v0, v2;
	[tilespmem:$0x5480] =	vst v3  }
0xc1: {  	[tilespmem:$0x5380] =	vst v2;
	v2 =	vadd.s32 v0, v3  }
0xc2: {  	[tilespmem:$0x5400] =	vst v2;
	v2 =	vld [tilespmem:$0x5320]  }
0xc3: {  	[tilespmem:$0x5490] =	vst v5;
	v3 =	vadd.s32 v0, v4;
	v4 =	vld [tilespmem:$0x52B0]  }
0xc4: {  	[tilespmem:$0x5390] =	vst v3;
	v3 =	vadd.s32 v0, v5  }
0xc5: {  	v5 =	vadd.s32 v0, v6;
	[tilespmem:$0x5410] =	vst v3;
	v3 =	vld [tilespmem:$0x5330]  }
0xc6: {  	v6 =	vld [tilespmem:$0x52C0];
	[tilespmem:$0x53A0] =	vst v5  }
0xc7: {  	v5 =	vadd.s32 v0, v2;
	[tilespmem:$0x54A0] =	vst v2  }
0xc8: {  	v2 =	vadd.s32 v0, v4;
	[tilespmem:$0x5420] =	vst v5;
	v5 =	vld [tilespmem:$0x5340]  }
0xc9: {  	[tilespmem:$0x53B0] =	vst v2  }
0xca: {  	v2 =	vadd.s32 v0, v3;
	[tilespmem:$0x54B0] =	vst v3  }
0xcb: {  	[tilespmem:$0x5430] =	vst v2;
	v2 =	vadd.s32 v0, v6  }
0xcc: {  	[tilespmem:$0x53C0] =	vst v2  }
0xcd: {  	v2 =	vadd.s32 v0, v5;
	[tilespmem:$0x54C0] =	vst v5  }
0xce: {  	[tilespmem:$0x5440] =	vst v2  }
0xcf: {  	[tilespmem:s13], [sflag:$0x5] =	stream.indirect.gather [hbm4b:s14+s9], $0x80, s12, s9, $0xb8;
	[tilespmem:$0x1DD80] =	vst v63  }
0xd0: {  	_ = 	snop  }
0xd1: {  	[tilespmem:s17], [sflag:$0x5] =	stream.indirect.gather [hbm4b:s15+s9], $0x80, s16, s9, $0xb8;
	[tilespmem:$0x1DD80] =	vst v63  }
0xd2: {  	_ =	swait.ge [sflag:s18], $0x2800  }
0xd3: {  	[sflag:s18] =	ssyncset.done $0x0  }
0xd4: {  	[sflag:s18] =	ssyncadd.s32 $0xFFFFD800  }
0xd5: {  	_ =	swait.ge [sflag:s18], $0x2800  }
0xd6: {  	[sflag:s18] =	ssyncset.done $0x0  }
0xd7: {  	s26 =	simm.s32 $0x0;
	[sflag:s18] =	ssyncadd.s32 $0xFFFFD800  }
0xd8: {  	v8 =	vld [tilespmem:s26+$0x280]  }
0xd9: {  	v13 =	vld [tilespmem:s26+$0x290]  }
0xda: {  	v7 =	vld [tilespmem:s26+$0x2A0]  }
0xdb: {  	v6 =	vld [tilespmem:s26+$0x2B0]  }
0xdc: {  	v5 =	vld [tilespmem:s26+$0x2C0]  }
0xdd: {  	v4 =	vld [tilespmem:s26+$0x2D0]  }
0xde: {  	v3 =	vld [tilespmem:s26+$0x2E0]  }
0xdf: {  	v2 =	vld [tilespmem:s26+$0x2F0]  }
0xe0: {  	v14 =	vld [tilespmem:s26+$0x2A80]  }
0xe1: {  	v15 =	vld [tilespmem:s26+$0x2A90]  }
0xe2: {  	v12 =	vld [tilespmem:s26+$0x2AA0]  }
0xe3: {  	v11 =	vld [tilespmem:s26+$0x2AB0]  }
0xe4: {  	v10 =	vld [tilespmem:s26+$0x2AC0]  }
0xe5: {  	v9 =	vld [tilespmem:s26+$0x2AD0];
	v14 =	vadd.f32 v14, v8  }
0xe6: {  	s28 =	simm.s32 $0x200;
	v13 =	vadd.f32 v15, v13;
	v8 =	vld [tilespmem:s26+$0x2AE0]  }
.LBB2_5:
0xe7: {  	s29 =	sshra.s32 s28, $0x2;
	p1 =	sne.s32 s28, $0x9E00;
	v14 =	vmax.f32 v14, $0.0e+00;
	v7 =	vadd.f32 v12, v7;
	v12 =	vld [tilespmem:s26+$0x2AF0]  }
0xe8: {  	v15 =	vld [tilespmem:s29+$0x280];
	[tilespmem:s26+$0x2A80] =	vst v14;
	v13 =	vmax.f32 v13, $0.0e+00;
	v6 =	vadd.f32 v11, v6  }
0xe9: {  	v16 =	vld [tilespmem:s29+$0x290];
	[tilespmem:s26+$0x2A90] =	vst v13;
	v11 =	vmax.f32 v7, $0.0e+00;
	v5 =	vadd.f32 v10, v5  }
0xea: {  	v7 =	vld [tilespmem:s29+$0x2A0];
	[tilespmem:s26+$0x2AA0] =	vst v11;
	v10 =	vmax.f32 v6, $0.0e+00;
	v4 =	vadd.f32 v9, v4  }
0xeb: {  	v6 =	vld [tilespmem:s29+$0x2B0];
	[tilespmem:s26+$0x2AB0] =	vst v10;
	v9 =	vmax.f32 v5, $0.0e+00;
	v3 =	vadd.f32 v8, v3  }
0xec: {  	v5 =	vld [tilespmem:s29+$0x2C0];
	[tilespmem:s26+$0x2AC0] =	vst v9;
	v8 =	vmax.f32 v4, $0.0e+00;
	v2 =	vadd.f32 v12, v2  }
0xed: {  	v4 =	vld [tilespmem:s29+$0x2D0];
	[tilespmem:s26+$0x2AD0] =	vst v8;
	v8 =	vmax.f32 v3, $0.0e+00  }
0xee: {  	v3 =	vld [tilespmem:s29+$0x2E0];
	[tilespmem:s26+$0x2AE0] =	vst v8;
	v8 =	vmax.f32 v2, $0.0e+00  }
0xef: {  	v2 =	vld [tilespmem:s29+$0x2F0];
	[tilespmem:s26+$0x2AF0] =	vst v8;
	s26 =	smov.u32 s29  }
0xf0: {  	v8 =	vld [tilespmem:s26+$0x2A80]  }
0xf1: {  	v13 =	vld [tilespmem:s26+$0x2A90]  }
.Ltmp3:
0xf2: {  	v12 =	vld [tilespmem:s26+$0x2AA0];
	(pc) =	sbr.rel @p1 .LBB2_5-.Ltmp3, $4  }
0xf3: {  	v11 =	vld [tilespmem:s26+$0x2AB0]  }
0xf4: {  	v10 =	vld [tilespmem:s26+$0x2AC0]  }
0xf5: {  	v14 =	vadd.f32 v8, v15;
	v9 =	vld [tilespmem:s26+$0x2AD0]  }
0xf6: {  	s28 =	sadd.s32 $0x200, s28;
	v13 =	vadd.f32 v13, v16;
	v8 =	vld [tilespmem:s26+$0x2AE0]  }
0xf7: {  	v14 =	vmax.f32 v14, $0.0e+00;
	v7 =	vadd.f32 v12, v7;
	v12 =	vld [tilespmem:s26+$0x2AF0]  }
0xf8: {  	[tilespmem:s26+$0x2A80] =	vst v14;
	v13 =	vmax.f32 v13, $0.0e+00;
	v6 =	vadd.f32 v11, v6  }
0xf9: {  	[tilespmem:s26+$0x2A90] =	vst v13;
	v7 =	vmax.f32 v7, $0.0e+00;
	v5 =	vadd.f32 v10, v5  }
0xfa: {  	[tilespmem:s26+$0x2AA0] =	vst v7;
	v6 =	vmax.f32 v6, $0.0e+00;
	v4 =	vadd.f32 v9, v4  }
0xfb: {  	[tilespmem:s26+$0x2AB0] =	vst v6;
	v5 =	vmax.f32 v5, $0.0e+00;
	v3 =	vadd.f32 v8, v3  }
0xfc: {  	[tilespmem:s26+$0x2AC0] =	vst v5;
	v4 =	vmax.f32 v4, $0.0e+00;
	v2 =	vadd.f32 v12, v2  }
0xfd: {  	[tilespmem:s26+$0x2AD0] =	vst v4;
	v3 =	vmax.f32 v3, $0.0e+00  }
0xfe: {  	p1 =	seq.s32 s25, $0x7C;
	[tilespmem:s26+$0x2AE0] =	vst v3;
	v2 =	vmax.f32 v2, $0.0e+00  }
0xff: {  	[tilespmem:s26+$0x2AF0] =	vst v2;
	s26 =	smul.u32 @!p1 $0xA0, s25  }
0x100: {  	[spmem:s1] =	stream.indirect.scatter.add.f32 [tilespmem:s10], [sflag:$0x3], $0x80, s19, s9, $0xb8;
	[tilespmem:$0x1DD80] =	vst v63  }
0x101: {  	s26 =	sadd.s32 @!p1 s26, s20  }
0x102: {  	s26 =	sshrl.u32 @!p1 s26, $0x3  }
0x103: {  	s29 =	simm.s32 @!p1 $0x0;
	s28 =	sadd.s32 @!p1 s4, s26  }
0x104: {  	[tilespmem:s29], [sflag:$0x1] =	stream.linear.gather @!p1 [hbm4b:s28+s29], $0x50, $0x38;
	[tilespmem:$0x1DD80] =	vst v63  }
0x105: {  	s26 =	sadd.s32 @!p1 s5, s26;
	s28 =	simm.s32 @!p1 $0x80  }
0x106: {  	[tilespmem:s28], [sflag:$0x1] =	stream.linear.gather @!p1 [hbm4b:s26+s29], $0x50, $0x38;
	[tilespmem:$0x1DD80] =	vst v63  }
0x107: {  	s26 =	simm.s32 @!p1 $0x1  }
0x108: {  	_ =	swait.ge @!p1 [sflag:s26], $0x50  }
0x109: {  	[sflag:s26] =	ssyncset.done @!p1 $0x0  }
0x10a: {  	[sflag:s26] =	ssyncadd.s32 @!p1 $0xFFFFFFB0  }
0x10b: {  	_ =	swait.ge @!p1 [sflag:s26], $0x50  }
0x10c: {  	[sflag:s26] =	ssyncset.done @!p1 $0x0  }
0x10d: {  	[sflag:s26] =	ssyncadd.s32 @!p1 $0xFFFFFFB0;
	s26 =	simm.s32 @!p1 $0x3  }
0x10e: {  	_ =	swait.ge @!p1 [sflag:s26], $0x2800  }
0x10f: {  	[sflag:s26] =	ssyncset.done @!p1 $0x0  }
0x110: {  	[sflag:s26] =	ssyncadd.s32 @!p1 $0xFFFFD800  }
0x111: {  	v2 =	vld @!p1 [tilespmem:$0x0]  }
0x112: {  	v3 =	vld @!p1 [tilespmem:$0x80];
	_ =	sdelay $0x1  }
0x113: {  	v4 =	vld @!p1 [tilespmem:$0x10]  }
0x114: {  	v5 =	vld @!p1 [tilespmem:$0x90];
	_ =	sdelay $0x1  }
0x115: {  	v6 =	vld @!p1 [tilespmem:$0x20];
	v2 =	vadd.s32 @!p1 v0, v2;
	[tilespmem:$0x200] =	vst @!p1 v3  }
0x116: {  	[tilespmem:$0x100] =	vst @!p1 v2;
	v2 =	vadd.s32 @!p1 v0, v3  }
0x117: {  	[tilespmem:$0x180] =	vst @!p1 v2;
	v2 =	vld @!p1 [tilespmem:$0xA0]  }
0x118: {  	[tilespmem:$0x210] =	vst @!p1 v5;
	v3 =	vadd.s32 @!p1 v0, v4;
	v4 =	vld @!p1 [tilespmem:$0x30]  }
0x119: {  	[tilespmem:$0x110] =	vst @!p1 v3;
	v3 =	vadd.s32 @!p1 v0, v5  }
0x11a: {  	v5 =	vadd.s32 @!p1 v0, v6;
	[tilespmem:$0x190] =	vst @!p1 v3;
	v3 =	vld @!p1 [tilespmem:$0xB0]  }
0x11b: {  	v6 =	vld @!p1 [tilespmem:$0x40];
	[tilespmem:$0x120] =	vst @!p1 v5  }
0x11c: {  	v5 =	vadd.s32 @!p1 v0, v2;
	[tilespmem:$0x220] =	vst @!p1 v2  }
0x11d: {  	v2 =	vadd.s32 @!p1 v0, v4;
	[tilespmem:$0x1A0] =	vst @!p1 v5;
	v5 =	vld @!p1 [tilespmem:$0xC0]  }
0x11e: {  	[tilespmem:$0x130] =	vst @!p1 v2  }
0x11f: {  	v2 =	vadd.s32 @!p1 v0, v3;
	[tilespmem:$0x230] =	vst @!p1 v3  }
0x120: {  	[tilespmem:$0x1B0] =	vst @!p1 v2;
	v2 =	vadd.s32 @!p1 v0, v6  }
0x121: {  	[tilespmem:$0x140] =	vst @!p1 v2  }
0x122: {  	v2 =	vadd.s32 @!p1 v0, v5;
	[tilespmem:$0x240] =	vst @!p1 v5  }
0x123: {  	s28 =	simm.s32 @!p1 $0x180;
	s29 =	simm.s32 @!p1 $0x280;
	s26 =	simm.s32 @!p1 $0x50;
	[tilespmem:$0x1C0] =	vst @!p1 v2  }
0x124: {  	[tilespmem:s29], [sflag:$0x2] =	stream.indirect.gather @!p1 [hbm4b:s14+s26], $0x80, s28, s26, $0xb8;
	[tilespmem:$0x1DD80] =	vst v63  }
0x125: {  	s28 =	simm.s32 @!p1 $0x100;
	s29 =	simm.s32 @!p1 $0x2A80  }
0x126: {  	[tilespmem:s29], [sflag:$0x2] =	stream.indirect.gather @!p1 [hbm4b:s15+s26], $0x80, s28, s26, $0xb8;
	[tilespmem:$0x1DD80] =	vst v63  }
0x127: {  	_ =	swait.ge [sflag:s22], $0x2800  }
0x128: {  	[sflag:s22] =	ssyncset.done $0x0  }
0x129: {  	[sflag:s22] =	ssyncadd.s32 $0xFFFFD800  }
0x12a: {  	_ =	swait.ge [sflag:s22], $0x2800  }
0x12b: {  	[sflag:s22] =	ssyncset.done $0x0  }
0x12c: {  	s26 =	simm.s32 $0x0;
	[sflag:s22] =	ssyncadd.s32 $0xFFFFD800  }
0x12d: {  	v8 =	vld [tilespmem:s26+$0x5500]  }
0x12e: {  	v13 =	vld [tilespmem:s26+$0x5510]  }
0x12f: {  	v7 =	vld [tilespmem:s26+$0x5520]  }
0x130: {  	v6 =	vld [tilespmem:s26+$0x5530]  }
0x131: {  	v5 =	vld [tilespmem:s26+$0x5540]  }
0x132: {  	v4 =	vld [tilespmem:s26+$0x5550]  }
0x133: {  	v3 =	vld [tilespmem:s26+$0x5560]  }
0x134: {  	v2 =	vld [tilespmem:s26+$0x5570]  }
0x135: {  	v14 =	vld [tilespmem:s26+$0x7D00]  }
0x136: {  	v15 =	vld [tilespmem:s26+$0x7D10]  }
0x137: {  	v12 =	vld [tilespmem:s26+$0x7D20]  }
0x138: {  	v11 =	vld [tilespmem:s26+$0x7D30]  }
0x139: {  	v10 =	vld [tilespmem:s26+$0x7D40]  }
0x13a: {  	v9 =	vld [tilespmem:s26+$0x7D50];
	v14 =	vadd.f32 v14, v8  }
0x13b: {  	s28 =	simm.s32 $0x200;
	v13 =	vadd.f32 v15, v13;
	v8 =	vld [tilespmem:s26+$0x7D60]  }
.LBB2_7:
0x13c: {  	s29 =	sshra.s32 s28, $0x2;
	p2 =	sne.s32 s28, $0x9E00;
	v14 =	vmax.f32 v14, $0.0e+00;
	v7 =	vadd.f32 v12, v7;
	v12 =	vld [tilespmem:s26+$0x7D70]  }
0x13d: {  	v15 =	vld [tilespmem:s29+$0x5500];
	[tilespmem:s26+$0x7D00] =	vst v14;
	v13 =	vmax.f32 v13, $0.0e+00;
	v6 =	vadd.f32 v11, v6  }
0x13e: {  	v16 =	vld [tilespmem:s29+$0x5510];
	[tilespmem:s26+$0x7D10] =	vst v13;
	v11 =	vmax.f32 v7, $0.0e+00;
	v5 =	vadd.f32 v10, v5  }
0x13f: {  	v7 =	vld [tilespmem:s29+$0x5520];
	[tilespmem:s26+$0x7D20] =	vst v11;
	v10 =	vmax.f32 v6, $0.0e+00;
	v4 =	vadd.f32 v9, v4  }
0x140: {  	v6 =	vld [tilespmem:s29+$0x5530];
	[tilespmem:s26+$0x7D30] =	vst v10;
	v9 =	vmax.f32 v5, $0.0e+00;
	v3 =	vadd.f32 v8, v3  }
0x141: {  	v5 =	vld [tilespmem:s29+$0x5540];
	[tilespmem:s26+$0x7D40] =	vst v9;
	v8 =	vmax.f32 v4, $0.0e+00;
	v2 =	vadd.f32 v12, v2  }
0x142: {  	v4 =	vld [tilespmem:s29+$0x5550];
	[tilespmem:s26+$0x7D50] =	vst v8;
	v8 =	vmax.f32 v3, $0.0e+00  }
0x143: {  	v3 =	vld [tilespmem:s29+$0x5560];
	[tilespmem:s26+$0x7D60] =	vst v8;
	v8 =	vmax.f32 v2, $0.0e+00  }
0x144: {  	v2 =	vld [tilespmem:s29+$0x5570];
	[tilespmem:s26+$0x7D70] =	vst v8;
	s26 =	smov.u32 s29  }
0x145: {  	v8 =	vld [tilespmem:s26+$0x7D00]  }
0x146: {  	v13 =	vld [tilespmem:s26+$0x7D10]  }
.Ltmp4:
0x147: {  	v12 =	vld [tilespmem:s26+$0x7D20];
	(pc) =	sbr.rel @p2 .LBB2_7-.Ltmp4, $4  }
0x148: {  	v11 =	vld [tilespmem:s26+$0x7D30]  }
0x149: {  	v10 =	vld [tilespmem:s26+$0x7D40]  }
0x14a: {  	v14 =	vadd.f32 v8, v15;
	v9 =	vld [tilespmem:s26+$0x7D50]  }
0x14b: {  	s28 =	sadd.s32 $0x200, s28;
	v13 =	vadd.f32 v13, v16;
	v8 =	vld [tilespmem:s26+$0x7D60]  }
0x14c: {  	v14 =	vmax.f32 v14, $0.0e+00;
	v7 =	vadd.f32 v12, v7;
	v63 =	vld [tilespmem:s26+$0x7D70]  }
0x14d: {  	[tilespmem:s26+$0x7D00] =	vst v14;
	v13 =	vmax.f32 v13, $0.0e+00;
	v6 =	vadd.f32 v11, v6  }
0x14e: {  	[tilespmem:s26+$0x7D10] =	vst v13;
	v7 =	vmax.f32 v7, $0.0e+00;
	v5 =	vadd.f32 v10, v5  }
0x14f: {  	[tilespmem:s26+$0x7D20] =	vst v7;
	v6 =	vmax.f32 v6, $0.0e+00;
	v4 =	vadd.f32 v9, v4  }
0x150: {  	[tilespmem:s26+$0x7D30] =	vst v6;
	v5 =	vmax.f32 v5, $0.0e+00;
	v3 =	vadd.f32 v8, v3  }
.Ltmp5:
0x151: {  	[tilespmem:s26+$0x7D40] =	vst v5;
	v4 =	vmax.f32 v4, $0.0e+00;
	v2 =	vadd.f32 v63, v2;
	(pc) =	sbr.rel @p1 .LBB2_10-.Ltmp5, $4  }
0x152: {  	[tilespmem:s26+$0x7D50] =	vst v4;
	v3 =	vmax.f32 v3, $0.0e+00  }
0x153: {  	[tilespmem:s26+$0x7D60] =	vst v3;
	v2 =	vmax.f32 v2, $0.0e+00  }
0x154: {  	[tilespmem:s26+$0x7D70] =	vst v2  }
0x155: {  	[spmem:s1] =	stream.indirect.scatter.add.f32 [tilespmem:s17], [sflag:$0x6], $0x80, s23, s9, $0xb8;
	[tilespmem:$0x1DD80] =	vst v63  }
0x156: {  	s26 =	smul.u32 $0xA0, s25;
	_ =	sdelay $0x1  }
0x157: {  	s26 =	sadd.s32 s26, s21  }
.Ltmp6:
0x158: {  	s26 =	sshrl.u32 s26, $0x3;
	(pc) =	sbr.rel .LBB2_4-.Ltmp6, $4  }
0x159: {  	s28 =	sadd.s32 s4, s26  }
0x15a: {  	[tilespmem:s6], [sflag:$0x4] =	stream.linear.gather [hbm4b:s28+s2], $0x50, $0x38;
	[tilespmem:$0x1DD80] =	vst v63  }
0x15b: {  	s25 =	sadd.s32 $0x1, s25;
	s26 =	sadd.s32 s5, s26  }
0x15c: {  	[tilespmem:s7], [sflag:$0x4] =	stream.linear.gather [hbm4b:s26+s2], $0x50, $0x38;
	[tilespmem:$0x1DD80] =	vst v63  }
.LBB2_11:
0x15d: {  	_ =	sfence.sel $0x180000  }
0x15e: {  	[bflag:$0x0] =	sbarrier.arrive $0xFFFF  }
0x15f: {  	_ =	strace $0x90000047  }
0x160: {  	s0 =	stileid.u32;
	[bflag:$0x2] =	sbarrier.arrive $0xFFFF  }
0x161: {  	p0 =	sne.s32 s0, $0x0;
	s0 =	rddreg [dreg:$0x2]  }
0x162: {  	s0 =	sadd.s32 @!p0 $0x100000, s0  }
0x163: {  	[sflag:s0] =	ssyncadd.tile.s32 @!p0 $0x1;
	_ =	shalt  }
.Lfunc_end2:
_tile_overlayer_lowered:
.L_overlay_start_2:
0x164: {  	(tag) =	ssettag $0x2  }
0x165: {  	s0 =	rddreg [dreg:$0x0];
	s2 =	stileid.u32  }
0x166: {  	s1 =	rddreg [dreg:$0x1];
	p0 =	sne.s32 s2, $0x0  }
0x167: {  	s3 =	rddreg [dreg:$0x2];
	[bflag:$0x3] =	sbarrier.arrive $0xFFFF;
	s2 =	simm.s32 @!p0 $0x1C07  }
0x168: {  	[timem:s3], [sflag:s2] =	dma.local @!p0 [hbm:s0], s1  }
0x169: {  	s0 =	simm.s32 @!p0 $0x7  }
0x16a: {  	_ =	swait.ge @!p0 [sflag:s0], s1  }
0x16b: {  	s1 =	ssub.s32 @!p0 $0x0, s1;
	[sflag:s0] =	ssyncset.done @!p0 $0x0  }
0x16c: {  	[sflag:s0] =	ssyncadd.s32 @!p0 s1  }
0x16d: {  	[bflag:$0x3] =	sbarrier.arrive $0xFFFF  }
0x16e: {  	_ =	shalt  }

</sc_bundles>
